<compile_context>
chip_gen: v7x
topology: tpu7x:2x2x1
jax: 0.10.2.dev20260603
libtpu: 0.0.44.dev20260713+nightly
codegen_flags: <defaults>
</compile_context>

<pallas_src>
import functools

import jax
import jax.numpy as jnp
from jax import lax
from jax.experimental import pallas as pl
from jax.experimental.pallas import tpu as pltpu
from jax.experimental.pallas import tpu_sc as plsc

_P = 64
_K = 8
_N_IDX = _P * _K
_D = 2048
_NC = 2
_NS = 16
_NW = _NC * _NS
_L = 16
_CH = 16
_NBUF = 2


def _build_sc_gather(R):
    rows_per_w = R // _NW
    n_chunks = rows_per_w // _CH
    n_groups = _N_IDX // _L
    mesh = plsc.VectorSubcoreMesh(core_axis_name="c", subcore_axis_name="s")

    @functools.partial(
        pl.kernel,
        mesh=mesh,
        out_type=jax.ShapeDtypeStruct((R, _N_IDX), jnp.float32),
        scratch_types=[
            pltpu.VMEM((_N_IDX,), jnp.int32),
            pltpu.VMEM((_CH, _D), jnp.float32),
            pltpu.VMEM((_CH, _D), jnp.float32),
            pltpu.VMEM((_CH, _N_IDX), jnp.float32),
            pltpu.VMEM((_CH, _N_IDX), jnp.float32),
            pltpu.SemaphoreType.DMA,
            pltpu.SemaphoreType.DMA,
            pltpu.SemaphoreType.DMA,
            pltpu.SemaphoreType.DMA,
        ],
        compiler_params=pltpu.CompilerParams(needs_layout_passes=False),
    )
    def sc_gather(y_hbm, idx_hbm, out_hbm, idx_v, in0, in1, out0, out1,
                  isem0, isem1, osem0, osem1):
        cid = lax.axis_index("c")
        sid = lax.axis_index("s")
        wid = sid * _NC + cid
        base = wid * rows_per_w
        pltpu.sync_copy(idx_hbm, idx_v)

        ins = (in0, in1)
        outs = (out0, out1)
        isems = (isem0, isem1)
        osems = (osem0, osem1)

        def start_in(c, s):
            row0 = base + c * _CH
            pltpu.make_async_copy(
                y_hbm.at[pl.ds(row0, _CH)], ins[s], isems[s]
            ).start()

        def wait_in(c, s):
            row0 = base + c * _CH
            pltpu.make_async_copy(
                y_hbm.at[pl.ds(row0, _CH)], ins[s], isems[s]
            ).wait()

        def start_out(c, s):
            row0 = base + c * _CH
            pltpu.make_async_copy(
                outs[s], out_hbm.at[pl.ds(row0, _CH)], osems[s]
            ).start()

        def wait_out(c, s):
            row0 = base + c * _CH
            pltpu.make_async_copy(
                outs[s], out_hbm.at[pl.ds(row0, _CH)], osems[s]
            ).wait()

        cvecs = [idx_v[pl.ds(g * _L, _L)] for g in range(n_groups)]

        for s in range(_NBUF):
            start_in(s, s)

        def loop_body(t, carry):
            for s in range(_NBUF):
                c = _NBUF * t + s
                wait_in(c, s)

                @pl.when(c >= _NBUF)
                def _():
                    wait_out(c - _NBUF, s)

                def do_row(r):
                    rvec = jnp.full((_L,), 0, jnp.int32) + r
                    for g in range(n_groups):
                        vals = plsc.load_gather(ins[s], [rvec, cvecs[g]])
                        outs[s][r, pl.ds(g * _L, _L)] = vals

                plsc.parallel_loop(0, _CH, 1, unroll=8)(do_row)

                start_out(c, s)

                @pl.when(c + _NBUF < n_chunks)
                def _():
                    start_in(c + _NBUF, s)
            return carry

        lax.fori_loop(0, n_chunks // _NBUF, loop_body, 0)

        for s in range(_NBUF):
            wait_out(n_chunks - _NBUF + s, s)

    return sc_gather


def kernel(y, src_idx):
    B, T, D = y.shape
    R = B * T
    y2d = y.reshape(R, D)
    idx_flat = src_idx.reshape(-1).astype(jnp.int32)
    out = _build_sc_gather(R)(y2d, idx_flat)
    return out.reshape(B, T, _P, _K)

# --- scband reference (transcript-rebuilt; emitter-appended) ---
"""Pipeline reference for scband-synapse-graph-26843545600401 (READ-ONLY COPY).

The authoritative reference and input builder live on the scoring server;
editing this copy changes nothing except your own understanding.
"""

import jax, jax.numpy as jnp
import numpy as np

P_TARGET = 64
K = 8
D_MODEL = 2048

def _make_src_idx():
    # Deterministic pattern matching init_kwargs: src_idx[p, k] = 32*p + 4*k
    p = jnp.arange(P_TARGET, dtype=jnp.int32)[:, None]
    k = jnp.arange(K, dtype=jnp.int32)[None, :]
    return p * 32 + k * 4

def setup_inputs(seed: int = 0) -> dict:
    key = jax.random.key(seed)
    y = jax.random.normal(key, (4, 2048, D_MODEL), dtype=jnp.float32)
    src_idx = _make_src_idx()
    return {"y": y, "src_idx": src_idx}

def reference(y, src_idx):
    B, T, D = y.shape
    y_flat = y.reshape(B * T, D)
    idx = src_idx.reshape(-1)
    gathered = jnp.take(y_flat, idx, axis=1)
    return gathered.reshape(B, T, P_TARGET, K)

if __name__ == "__main__":
    import jax
    _d = setup_inputs()
    print(jax.jit(kernel)(*tuple(_d.values())))

</pallas_src>

<mosaic_0001>
#map = affine_map<(d0, d1) -> (0, 0)>
#map1 = affine_map<(d0, d1) -> (0)>
module attributes {stable_mosaic.version = 14 : i64} {
  func.func @sc_gather(%arg0: i32, %arg1: i32, %arg2: memref<8192x2048xf32, #tpu.memory_space<hbm>>, %arg3: memref<512xi32, #tpu.memory_space<hbm>>, %arg4: memref<8192x512xf32, #tpu.memory_space<hbm>>, %arg5: memref<512xi32, #tpu.memory_space<vmem>>, %arg6: memref<16x2048xf32, #tpu.memory_space<vmem>>, %arg7: memref<16x2048xf32, #tpu.memory_space<vmem>>, %arg8: memref<16x512xf32, #tpu.memory_space<vmem>>, %arg9: memref<16x512xf32, #tpu.memory_space<vmem>>, %arg10: memref<!tpu.dma_semaphore, #tpu.memory_space<semaphore_mem>>, %arg11: memref<!tpu.dma_semaphore, #tpu.memory_space<semaphore_mem>>, %arg12: memref<!tpu.dma_semaphore, #tpu.memory_space<semaphore_mem>>, %arg13: memref<!tpu.dma_semaphore, #tpu.memory_space<semaphore_mem>>) attributes {dimension_semantics = [#tpu.dimension_semantics<core_parallel>, #tpu.dimension_semantics<subcore_parallel>], iteration_bounds = array<i64: 2, 16>, scalar_prefetch = 0 : i64, scratch_operands = 9 : i64, tpu.core_type = #tpu.core_type<sc_vector_subcore>, window_params = [{transform_indices = #map}, {transform_indices = #map1}, {transform_indices = #map}]} {
    %mul3A = arith.constant 2 : i32
    %mul3A_0 = arith.muli %arg1, %mul3A : i32
    %add3A = arith.addi %mul3A_0, %arg0 : i32
    %mul3A_1 = arith.constant 256 : i32
    %mul3A_2 = arith.muli %add3A, %mul3A_1 : i32
    "tpu.region"() ({
      %run_scoped3A = tpu.sem_alloc : memref<!tpu.dma_semaphore, #tpu.memory_space<semaphore_mem>>
      tpu.enqueue_dma source(%arg3 : memref<512xi32, #tpu.memory_space<hbm>>) target(%arg5 : memref<512xi32, #tpu.memory_space<vmem>>) target_semaphore(%run_scoped3A : memref<!tpu.dma_semaphore, #tpu.memory_space<semaphore_mem>>)
      tpu.wait_dma2 semaphore(%run_scoped3A : memref<!tpu.dma_semaphore, #tpu.memory_space<semaphore_mem>>) src(%arg3 : memref<512xi32, #tpu.memory_space<hbm>>) dst(%arg5 : memref<512xi32, #tpu.memory_space<vmem>>)
      tpu.yield
    }) : () -> ()
    %get3A = arith.constant 0 : index
    %get3A_3 = tpu.vector_load %arg5[%get3A] {strides = array<i32>} : memref<512xi32, #tpu.memory_space<vmem>>, vector<16xi32>,
    %get3A_4 = arith.constant 16 : index
    %get3A_5 = tpu.vector_load %arg5[%get3A_4] {strides = array<i32>} : memref<512xi32, #tpu.memory_space<vmem>>, vector<16xi32>,
    %get3A_6 = arith.constant 32 : index
    %get3A_7 = tpu.vector_load %arg5[%get3A_6] {strides = array<i32>} : memref<512xi32, #tpu.memory_space<vmem>>, vector<16xi32>,
    %get3A_8 = arith.constant 48 : index
    %get3A_9 = tpu.vector_load %arg5[%get3A_8] {strides = array<i32>} : memref<512xi32, #tpu.memory_space<vmem>>, vector<16xi32>,
    %get3A_10 = arith.constant 64 : index
    %get3A_11 = tpu.vector_load %arg5[%get3A_10] {strides = array<i32>} : memref<512xi32, #tpu.memory_space<vmem>>, vector<16xi32>,
    %get3A_12 = arith.constant 80 : index
    %get3A_13 = tpu.vector_load %arg5[%get3A_12] {strides = array<i32>} : memref<512xi32, #tpu.memory_space<vmem>>, vector<16xi32>,
    %get3A_14 = arith.constant 96 : index
    %get3A_15 = tpu.vector_load %arg5[%get3A_14] {strides = array<i32>} : memref<512xi32, #tpu.memory_space<vmem>>, vector<16xi32>,
    %get3A_16 = arith.constant 112 : index
    %get3A_17 = tpu.vector_load %arg5[%get3A_16] {strides = array<i32>} : memref<512xi32, #tpu.memory_space<vmem>>, vector<16xi32>,
    %get3A_18 = arith.constant 128 : index
    %get3A_19 = tpu.vector_load %arg5[%get3A_18] {strides = array<i32>} : memref<512xi32, #tpu.memory_space<vmem>>, vector<16xi32>,
    %get3A_20 = arith.constant 144 : index
    %get3A_21 = tpu.vector_load %arg5[%get3A_20] {strides = array<i32>} : memref<512xi32, #tpu.memory_space<vmem>>, vector<16xi32>,
    %get3A_22 = arith.constant 160 : index
    %get3A_23 = tpu.vector_load %arg5[%get3A_22] {strides = array<i32>} : memref<512xi32, #tpu.memory_space<vmem>>, vector<16xi32>,
    %get3A_24 = arith.constant 176 : index
    %get3A_25 = tpu.vector_load %arg5[%get3A_24] {strides = array<i32>} : memref<512xi32, #tpu.memory_space<vmem>>, vector<16xi32>,
    %get3A_26 = arith.constant 192 : index
    %get3A_27 = tpu.vector_load %arg5[%get3A_26] {strides = array<i32>} : memref<512xi32, #tpu.memory_space<vmem>>, vector<16xi32>,
    %get3A_28 = arith.constant 208 : index
    %get3A_29 = tpu.vector_load %arg5[%get3A_28] {strides = array<i32>} : memref<512xi32, #tpu.memory_space<vmem>>, vector<16xi32>,
    %get3A_30 = arith.constant 224 : index
    %get3A_31 = tpu.vector_load %arg5[%get3A_30] {strides = array<i32>} : memref<512xi32, #tpu.memory_space<vmem>>, vector<16xi32>,
    %get3A_32 = arith.constant 240 : index
    %get3A_33 = tpu.vector_load %arg5[%get3A_32] {strides = array<i32>} : memref<512xi32, #tpu.memory_space<vmem>>, vector<16xi32>,
    %get3A_34 = arith.constant 256 : index
    %get3A_35 = tpu.vector_load %arg5[%get3A_34] {strides = array<i32>} : memref<512xi32, #tpu.memory_space<vmem>>, vector<16xi32>,
    %get3A_36 = arith.constant 272 : index
    %get3A_37 = tpu.vector_load %arg5[%get3A_36] {strides = array<i32>} : memref<512xi32, #tpu.memory_space<vmem>>, vector<16xi32>,
    %get3A_38 = arith.constant 288 : index
    %get3A_39 = tpu.vector_load %arg5[%get3A_38] {strides = array<i32>} : memref<512xi32, #tpu.memory_space<vmem>>, vector<16xi32>,
    %get3A_40 = arith.constant 304 : index
    %get3A_41 = tpu.vector_load %arg5[%get3A_40] {strides = array<i32>} : memref<512xi32, #tpu.memory_space<vmem>>, vector<16xi32>,
    %get3A_42 = arith.constant 320 : index
    %get3A_43 = tpu.vector_load %arg5[%get3A_42] {strides = array<i32>} : memref<512xi32, #tpu.memory_space<vmem>>, vector<16xi32>,
    %get3A_44 = arith.constant 336 : index
    %get3A_45 = tpu.vector_load %arg5[%get3A_44] {strides = array<i32>} : memref<512xi32, #tpu.memory_space<vmem>>, vector<16xi32>,
    %get3A_46 = arith.constant 352 : index
    %get3A_47 = tpu.vector_load %arg5[%get3A_46] {strides = array<i32>} : memref<512xi32, #tpu.memory_space<vmem>>, vector<16xi32>,
    %get3A_48 = arith.constant 368 : index
    %get3A_49 = tpu.vector_load %arg5[%get3A_48] {strides = array<i32>} : memref<512xi32, #tpu.memory_space<vmem>>, vector<16xi32>,
    %get3A_50 = arith.constant 384 : index
    %get3A_51 = tpu.vector_load %arg5[%get3A_50] {strides = array<i32>} : memref<512xi32, #tpu.memory_space<vmem>>, vector<16xi32>,
    %get3A_52 = arith.constant 400 : index
    %get3A_53 = tpu.vector_load %arg5[%get3A_52] {strides = array<i32>} : memref<512xi32, #tpu.memory_space<vmem>>, vector<16xi32>,
    %get3A_54 = arith.constant 416 : index
    %get3A_55 = tpu.vector_load %arg5[%get3A_54] {strides = array<i32>} : memref<512xi32, #tpu.memory_space<vmem>>, vector<16xi32>,
    %get3A_56 = arith.constant 432 : index
    %get3A_57 = tpu.vector_load %arg5[%get3A_56] {strides = array<i32>} : memref<512xi32, #tpu.memory_space<vmem>>, vector<16xi32>,
    %get3A_58 = arith.constant 448 : index
    %get3A_59 = tpu.vector_load %arg5[%get3A_58] {strides = array<i32>} : memref<512xi32, #tpu.memory_space<vmem>>, vector<16xi32>,
    %get3A_60 = arith.constant 464 : index
    %get3A_61 = tpu.vector_load %arg5[%get3A_60] {strides = array<i32>} : memref<512xi32, #tpu.memory_space<vmem>>, vector<16xi32>,
    %get3A_62 = arith.constant 480 : index
    %get3A_63 = tpu.vector_load %arg5[%get3A_62] {strides = array<i32>} : memref<512xi32, #tpu.memory_space<vmem>>, vector<16xi32>,
    %get3A_64 = arith.constant 496 : index
    %get3A_65 = tpu.vector_load %arg5[%get3A_64] {strides = array<i32>} : memref<512xi32, #tpu.memory_space<vmem>>, vector<16xi32>,
    %add3A_66 = arith.constant 0 : i32
    %add3A_67 = arith.addi %mul3A_2, %add3A_66 : i32
    %dma_start3A = arith.constant 0 : i32
    %dma_start3A_68 = tpu.memref_slice %arg2[%add3A_67, %dma_start3A] : memref<8192x2048xf32, #tpu.memory_space<hbm>> -> memref<16x2048xf32, #tpu.memory_space<hbm>>
    %dma_start3A_69 = arith.constant 0 : i32
    %dma_start3A_70 = tpu.memref_slice %arg2[%add3A_67, %dma_start3A_69] : memref<8192x2048xf32, #tpu.memory_space<hbm>> -> memref<16x2048xf32, #tpu.memory_space<hbm>>
    tpu.enqueue_dma source(%dma_start3A_70 : memref<16x2048xf32, #tpu.memory_space<hbm>>) target(%arg6 : memref<16x2048xf32, #tpu.memory_space<vmem>>) target_semaphore(%arg10 : memref<!tpu.dma_semaphore, #tpu.memory_space<semaphore_mem>>)
    %add3A_71 = arith.constant 16 : i32
    %add3A_72 = arith.addi %mul3A_2, %add3A_71 : i32
    %dma_start3A_73 = arith.constant 0 : i32
    %dma_start3A_74 = tpu.memref_slice %arg2[%add3A_72, %dma_start3A_73] : memref<8192x2048xf32, #tpu.memory_space<hbm>> -> memref<16x2048xf32, #tpu.memory_space<hbm>>
    %dma_start3A_75 = arith.constant 0 : i32
    %dma_start3A_76 = tpu.memref_slice %arg2[%add3A_72, %dma_start3A_75] : memref<8192x2048xf32, #tpu.memory_space<hbm>> -> memref<16x2048xf32, #tpu.memory_space<hbm>>
    tpu.enqueue_dma source(%dma_start3A_76 : memref<16x2048xf32, #tpu.memory_space<hbm>>) target(%arg7 : memref<16x2048xf32, #tpu.memory_space<vmem>>) target_semaphore(%arg11 : memref<!tpu.dma_semaphore, #tpu.memory_space<semaphore_mem>>)
    %scan3A = arith.constant 0 : i32
    %scan3A_77 = arith.constant 0 : i32
    %scan3A_78 = arith.constant 8 : i32
    %scan3A_79 = arith.addi %scan3A_77, %scan3A_78 : i32
    %scan3A_80 = arith.constant 1 : i32
    scf.for %scan3A_93 = %scan3A_77 to %scan3A_79 step %scan3A_80  : i32 {
      %mul3A_94 = arith.constant 2 : i32
      %mul3A_95 = arith.muli %mul3A_94, %scan3A_93 : i32
      %add3A_96 = arith.constant 0 : i32
      %add3A_97 = arith.addi %mul3A_95, %add3A_96 : i32
      %mul3A_98 = arith.constant 16 : i32
      %mul3A_99 = arith.muli %add3A_97, %mul3A_98 : i32
      %add3A_100 = arith.addi %mul3A_2, %mul3A_99 : i32
      %dma_wait3A_101 = arith.constant 0 : i32
      %dma_wait3A_102 = tpu.memref_slice %arg2[%add3A_100, %dma_wait3A_101] : memref<8192x2048xf32, #tpu.memory_space<hbm>> -> memref<16x2048xf32, #tpu.memory_space<hbm>>
      %dma_wait3A_103 = arith.constant 0 : i32
      %dma_wait3A_104 = tpu.memref_slice %arg2[%add3A_100, %dma_wait3A_103] : memref<8192x2048xf32, #tpu.memory_space<hbm>> -> memref<16x2048xf32, #tpu.memory_space<hbm>>
      tpu.wait_dma2 semaphore(%arg10 : memref<!tpu.dma_semaphore, #tpu.memory_space<semaphore_mem>>) src(%dma_wait3A_104 : memref<16x2048xf32, #tpu.memory_space<hbm>>) dst(%arg6 : memref<16x2048xf32, #tpu.memory_space<vmem>>)
      %ge3A = arith.constant 2 : i32
      %ge3A_105 = arith.cmpi sge, %add3A_97, %ge3A : i32
      %convert_element_type3A = arith.extui %ge3A_105 : i1 to i32
      %cond3A = arith.constant 0 : i32
      %cond3A_106 = arith.cmpi ne, %convert_element_type3A, %cond3A : i32
      scf.if %cond3A_106 {
        %sub3A = arith.constant 2 : i32
        %sub3A_155 = arith.subi %add3A_97, %sub3A : i32
        %mul3A_156 = arith.constant 16 : i32
        %mul3A_157 = arith.muli %sub3A_155, %mul3A_156 : i32
        %add3A_158 = arith.addi %mul3A_2, %mul3A_157 : i32
        %dma_wait3A_159 = arith.constant 0 : i32
        %dma_wait3A_160 = tpu.memref_slice %arg4[%add3A_158, %dma_wait3A_159] : memref<8192x512xf32, #tpu.memory_space<hbm>> -> memref<16x512xf32, #tpu.memory_space<hbm>>
        %dma_wait3A_161 = arith.constant 0 : i32
        %dma_wait3A_162 = tpu.memref_slice %arg4[%add3A_158, %dma_wait3A_161] : memref<8192x512xf32, #tpu.memory_space<hbm>> -> memref<16x512xf32, #tpu.memory_space<hbm>>
        tpu.wait_dma2 semaphore(%arg12 : memref<!tpu.dma_semaphore, #tpu.memory_space<semaphore_mem>>) src(%arg8 : memref<16x512xf32, #tpu.memory_space<vmem>>) dst(%dma_wait3A_162 : memref<16x512xf32, #tpu.memory_space<hbm>>)
      } else {
      }
      %parallel_loop3A = arith.constant 0 : i32
      %parallel_loop3A_107 = arith.constant 16 : i32
      %parallel_loop3A_108 = arith.constant 1 : i32
      scf.for %parallel_loop3A_155 = %parallel_loop3A to %parallel_loop3A_107 step %parallel_loop3A_108  : i32 {
        %parallel_loop3A_156 = arith.constant 0 : i32
        %parallel_loop3A_157 = vector.broadcast %parallel_loop3A_156 : i32 to vector<16xi32>
        %parallel_loop3A_158 = vector.broadcast %parallel_loop3A_155 : i32 to vector<16xi32>
        %parallel_loop3A_159 = arith.addi %parallel_loop3A_157, %parallel_loop3A_158 : vector<16xi32>
        %parallel_loop3A_160 = tpu.vector_load_idx %arg6[%parallel_loop3A_159, %get3A_3] : memref<16x2048xf32, #tpu.memory_space<vmem>>[vector<16xi32>, vector<16xi32>], vector<16xf32>,
        %parallel_loop3A_161 = arith.index_cast %parallel_loop3A_155 : i32 to index
        %parallel_loop3A_162 = arith.constant 0 : index
        %parallel_loop3A_163 = tpu.vector_load %arg8[%parallel_loop3A_161, %parallel_loop3A_162] {strides = array<i32>} : memref<16x512xf32, #tpu.memory_space<vmem>>, vector<16xf32>,
        tpu.vector_store %arg8[%parallel_loop3A_161, %parallel_loop3A_162], %parallel_loop3A_160 {strides = array<i32>} : memref<16x512xf32, #tpu.memory_space<vmem>>, vector<16xf32>,
        %parallel_loop3A_164 = tpu.vector_load_idx %arg6[%parallel_loop3A_159, %get3A_5] : memref<16x2048xf32, #tpu.memory_space<vmem>>[vector<16xi32>, vector<16xi32>], vector<16xf32>,
        %parallel_loop3A_165 = arith.index_cast %parallel_loop3A_155 : i32 to index
        %parallel_loop3A_166 = arith.constant 16 : index
        %parallel_loop3A_167 = tpu.vector_load %arg8[%parallel_loop3A_165, %parallel_loop3A_166] {strides = array<i32>} : memref<16x512xf32, #tpu.memory_space<vmem>>, vector<16xf32>,
        tpu.vector_store %arg8[%parallel_loop3A_165, %parallel_loop3A_166], %parallel_loop3A_164 {strides = array<i32>} : memref<16x512xf32, #tpu.memory_space<vmem>>, vector<16xf32>,
        %parallel_loop3A_168 = tpu.vector_load_idx %arg6[%parallel_loop3A_159, %get3A_7] : memref<16x2048xf32, #tpu.memory_space<vmem>>[vector<16xi32>, vector<16xi32>], vector<16xf32>,
        %parallel_loop3A_169 = arith.index_cast %parallel_loop3A_155 : i32 to index
        %parallel_loop3A_170 = arith.constant 32 : index
        %parallel_loop3A_171 = tpu.vector_load %arg8[%parallel_loop3A_169, %parallel_loop3A_170] {strides = array<i32>} : memref<16x512xf32, #tpu.memory_space<vmem>>, vector<16xf32>,
        tpu.vector_store %arg8[%parallel_loop3A_169, %parallel_loop3A_170], %parallel_loop3A_168 {strides = array<i32>} : memref<16x512xf32, #tpu.memory_space<vmem>>, vector<16xf32>,
        %parallel_loop3A_172 = tpu.vector_load_idx %arg6[%parallel_loop3A_159, %get3A_9] : memref<16x2048xf32, #tpu.memory_space<vmem>>[vector<16xi32>, vector<16xi32>], vector<16xf32>,
        %parallel_loop3A_173 = arith.index_cast %parallel_loop3A_155 : i32 to index
        %parallel_loop3A_174 = arith.constant 48 : index
        %parallel_loop3A_175 = tpu.vector_load %arg8[%parallel_loop3A_173, %parallel_loop3A_174] {strides = array<i32>} : memref<16x512xf32, #tpu.memory_space<vmem>>, vector<16xf32>,
        tpu.vector_store %arg8[%parallel_loop3A_173, %parallel_loop3A_174], %parallel_loop3A_172 {strides = array<i32>} : memref<16x512xf32, #tpu.memory_space<vmem>>, vector<16xf32>,
        %parallel_loop3A_176 = tpu.vector_load_idx %arg6[%parallel_loop3A_159, %get3A_11] : memref<16x2048xf32, #tpu.memory_space<vmem>>[vector<16xi32>, vector<16xi32>], vector<16xf32>,
        %parallel_loop3A_177 = arith.index_cast %parallel_loop3A_155 : i32 to index
        %parallel_loop3A_178 = arith.constant 64 : index
        %parallel_loop3A_179 = tpu.vector_load %arg8[%parallel_loop3A_177, %parallel_loop3A_178] {strides = array<i32>} : memref<16x512xf32, #tpu.memory_space<vmem>>, vector<16xf32>,
        tpu.vector_store %arg8[%parallel_loop3A_177, %parallel_loop3A_178], %parallel_loop3A_176 {strides = array<i32>} : memref<16x512xf32, #tpu.memory_space<vmem>>, vector<16xf32>,
        %parallel_loop3A_180 = tpu.vector_load_idx %arg6[%parallel_loop3A_159, %get3A_13] : memref<16x2048xf32, #tpu.memory_space<vmem>>[vector<16xi32>, vector<16xi32>], vector<16xf32>,
        %parallel_loop3A_181 = arith.index_cast %parallel_loop3A_155 : i32 to index
        %parallel_loop3A_182 = arith.constant 80 : index
        %parallel_loop3A_183 = tpu.vector_load %arg8[%parallel_loop3A_181, %parallel_loop3A_182] {strides = array<i32>} : memref<16x512xf32, #tpu.memory_space<vmem>>, vector<16xf32>,
        tpu.vector_store %arg8[%parallel_loop3A_181, %parallel_loop3A_182], %parallel_loop3A_180 {strides = array<i32>} : memref<16x512xf32, #tpu.memory_space<vmem>>, vector<16xf32>,
        %parallel_loop3A_184 = tpu.vector_load_idx %arg6[%parallel_loop3A_159, %get3A_15] : memref<16x2048xf32, #tpu.memory_space<vmem>>[vector<16xi32>, vector<16xi32>], vector<16xf32>,
        %parallel_loop3A_185 = arith.index_cast %parallel_loop3A_155 : i32 to index
        %parallel_loop3A_186 = arith.constant 96 : index
        %parallel_loop3A_187 = tpu.vector_load %arg8[%parallel_loop3A_185, %parallel_loop3A_186] {strides = array<i32>} : memref<16x512xf32, #tpu.memory_space<vmem>>, vector<16xf32>,
        tpu.vector_store %arg8[%parallel_loop3A_185, %parallel_loop3A_186], %parallel_loop3A_184 {strides = array<i32>} : memref<16x512xf32, #tpu.memory_space<vmem>>, vector<16xf32>,
        %parallel_loop3A_188 = tpu.vector_load_idx %arg6[%parallel_loop3A_159, %get3A_17] : memref<16x2048xf32, #tpu.memory_space<vmem>>[vector<16xi32>, vector<16xi32>], vector<16xf32>,
        %parallel_loop3A_189 = arith.index_cast %parallel_loop3A_155 : i32 to index
        %parallel_loop3A_190 = arith.constant 112 : index
        %parallel_loop3A_191 = tpu.vector_load %arg8[%parallel_loop3A_189, %parallel_loop3A_190] {strides = array<i32>} : memref<16x512xf32, #tpu.memory_space<vmem>>, vector<16xf32>,
        tpu.vector_store %arg8[%parallel_loop3A_189, %parallel_loop3A_190], %parallel_loop3A_188 {strides = array<i32>} : memref<16x512xf32, #tpu.memory_space<vmem>>, vector<16xf32>,
        %parallel_loop3A_192 = tpu.vector_load_idx %arg6[%parallel_loop3A_159, %get3A_19] : memref<16x2048xf32, #tpu.memory_space<vmem>>[vector<16xi32>, vector<16xi32>], vector<16xf32>,
        %parallel_loop3A_193 = arith.index_cast %parallel_loop3A_155 : i32 to index
        %parallel_loop3A_194 = arith.constant 128 : index
        %parallel_loop3A_195 = tpu.vector_load %arg8[%parallel_loop3A_193, %parallel_loop3A_194] {strides = array<i32>} : memref<16x512xf32, #tpu.memory_space<vmem>>, vector<16xf32>,
        tpu.vector_store %arg8[%parallel_loop3A_193, %parallel_loop3A_194], %parallel_loop3A_192 {strides = array<i32>} : memref<16x512xf32, #tpu.memory_space<vmem>>, vector<16xf32>,
        %parallel_loop3A_196 = tpu.vector_load_idx %arg6[%parallel_loop3A_159, %get3A_21] : memref<16x2048xf32, #tpu.memory_space<vmem>>[vector<16xi32>, vector<16xi32>], vector<16xf32>,
        %parallel_loop3A_197 = arith.index_cast %parallel_loop3A_155 : i32 to index
        %parallel_loop3A_198 = arith.constant 144 : index
        %parallel_loop3A_199 = tpu.vector_load %arg8[%parallel_loop3A_197, %parallel_loop3A_198] {strides = array<i32>} : memref<16x512xf32, #tpu.memory_space<vmem>>, vector<16xf32>,
        tpu.vector_store %arg8[%parallel_loop3A_197, %parallel_loop3A_198], %parallel_loop3A_196 {strides = array<i32>} : memref<16x512xf32, #tpu.memory_space<vmem>>, vector<16xf32>,
        %parallel_loop3A_200 = tpu.vector_load_idx %arg6[%parallel_loop3A_159, %get3A_23] : memref<16x2048xf32, #tpu.memory_space<vmem>>[vector<16xi32>, vector<16xi32>], vector<16xf32>,
        %parallel_loop3A_201 = arith.index_cast %parallel_loop3A_155 : i32 to index
        %parallel_loop3A_202 = arith.constant 160 : index
        %parallel_loop3A_203 = tpu.vector_load %arg8[%parallel_loop3A_201, %parallel_loop3A_202] {strides = array<i32>} : memref<16x512xf32, #tpu.memory_space<vmem>>, vector<16xf32>,
        tpu.vector_store %arg8[%parallel_loop3A_201, %parallel_loop3A_202], %parallel_loop3A_200 {strides = array<i32>} : memref<16x512xf32, #tpu.memory_space<vmem>>, vector<16xf32>,
        %parallel_loop3A_204 = tpu.vector_load_idx %arg6[%parallel_loop3A_159, %get3A_25] : memref<16x2048xf32, #tpu.memory_space<vmem>>[vector<16xi32>, vector<16xi32>], vector<16xf32>,
        %parallel_loop3A_205 = arith.index_cast %parallel_loop3A_155 : i32 to index
        %parallel_loop3A_206 = arith.constant 176 : index
        %parallel_loop3A_207 = tpu.vector_load %arg8[%parallel_loop3A_205, %parallel_loop3A_206] {strides = array<i32>} : memref<16x512xf32, #tpu.memory_space<vmem>>, vector<16xf32>,
        tpu.vector_store %arg8[%parallel_loop3A_205, %parallel_loop3A_206], %parallel_loop3A_204 {strides = array<i32>} : memref<16x512xf32, #tpu.memory_space<vmem>>, vector<16xf32>,
        %parallel_loop3A_208 = tpu.vector_load_idx %arg6[%parallel_loop3A_159, %get3A_27] : memref<16x2048xf32, #tpu.memory_space<vmem>>[vector<16xi32>, vector<16xi32>], vector<16xf32>,
        %parallel_loop3A_209 = arith.index_cast %parallel_loop3A_155 : i32 to index
        %parallel_loop3A_210 = arith.constant 192 : index
        %parallel_loop3A_211 = tpu.vector_load %arg8[%parallel_loop3A_209, %parallel_loop3A_210] {strides = array<i32>} : memref<16x512xf32, #tpu.memory_space<vmem>>, vector<16xf32>,
        tpu.vector_store %arg8[%parallel_loop3A_209, %parallel_loop3A_210], %parallel_loop3A_208 {strides = array<i32>} : memref<16x512xf32, #tpu.memory_space<vmem>>, vector<16xf32>,
        %parallel_loop3A_212 = tpu.vector_load_idx %arg6[%parallel_loop3A_159, %get3A_29] : memref<16x2048xf32, #tpu.memory_space<vmem>>[vector<16xi32>, vector<16xi32>], vector<16xf32>,
        %parallel_loop3A_213 = arith.index_cast %parallel_loop3A_155 : i32 to index
        %parallel_loop3A_214 = arith.constant 208 : index
        %parallel_loop3A_215 = tpu.vector_load %arg8[%parallel_loop3A_213, %parallel_loop3A_214] {strides = array<i32>} : memref<16x512xf32, #tpu.memory_space<vmem>>, vector<16xf32>,
        tpu.vector_store %arg8[%parallel_loop3A_213, %parallel_loop3A_214], %parallel_loop3A_212 {strides = array<i32>} : memref<16x512xf32, #tpu.memory_space<vmem>>, vector<16xf32>,
        %parallel_loop3A_216 = tpu.vector_load_idx %arg6[%parallel_loop3A_159, %get3A_31] : memref<16x2048xf32, #tpu.memory_space<vmem>>[vector<16xi32>, vector<16xi32>], vector<16xf32>,
        %parallel_loop3A_217 = arith.index_cast %parallel_loop3A_155 : i32 to index
        %parallel_loop3A_218 = arith.constant 224 : index
        %parallel_loop3A_219 = tpu.vector_load %arg8[%parallel_loop3A_217, %parallel_loop3A_218] {strides = array<i32>} : memref<16x512xf32, #tpu.memory_space<vmem>>, vector<16xf32>,
        tpu.vector_store %arg8[%parallel_loop3A_217, %parallel_loop3A_218], %parallel_loop3A_216 {strides = array<i32>} : memref<16x512xf32, #tpu.memory_space<vmem>>, vector<16xf32>,
        %parallel_loop3A_220 = tpu.vector_load_idx %arg6[%parallel_loop3A_159, %get3A_33] : memref<16x2048xf32, #tpu.memory_space<vmem>>[vector<16xi32>, vector<16xi32>], vector<16xf32>,
        %parallel_loop3A_221 = arith.index_cast %parallel_loop3A_155 : i32 to index
        %parallel_loop3A_222 = arith.constant 240 : index
        %parallel_loop3A_223 = tpu.vector_load %arg8[%parallel_loop3A_221, %parallel_loop3A_222] {strides = array<i32>} : memref<16x512xf32, #tpu.memory_space<vmem>>, vector<16xf32>,
        tpu.vector_store %arg8[%parallel_loop3A_221, %parallel_loop3A_222], %parallel_loop3A_220 {strides = array<i32>} : memref<16x512xf32, #tpu.memory_space<vmem>>, vector<16xf32>,
        %parallel_loop3A_224 = tpu.vector_load_idx %arg6[%parallel_loop3A_159, %get3A_35] : memref<16x2048xf32, #tpu.memory_space<vmem>>[vector<16xi32>, vector<16xi32>], vector<16xf32>,
        %parallel_loop3A_225 = arith.index_cast %parallel_loop3A_155 : i32 to index
        %parallel_loop3A_226 = arith.constant 256 : index
        %parallel_loop3A_227 = tpu.vector_load %arg8[%parallel_loop3A_225, %parallel_loop3A_226] {strides = array<i32>} : memref<16x512xf32, #tpu.memory_space<vmem>>, vector<16xf32>,
        tpu.vector_store %arg8[%parallel_loop3A_225, %parallel_loop3A_226], %parallel_loop3A_224 {strides = array<i32>} : memref<16x512xf32, #tpu.memory_space<vmem>>, vector<16xf32>,
        %parallel_loop3A_228 = tpu.vector_load_idx %arg6[%parallel_loop3A_159, %get3A_37] : memref<16x2048xf32, #tpu.memory_space<vmem>>[vector<16xi32>, vector<16xi32>], vector<16xf32>,
        %parallel_loop3A_229 = arith.index_cast %parallel_loop3A_155 : i32 to index
        %parallel_loop3A_230 = arith.constant 272 : index
        %parallel_loop3A_231 = tpu.vector_load %arg8[%parallel_loop3A_229, %parallel_loop3A_230] {strides = array<i32>} : memref<16x512xf32, #tpu.memory_space<vmem>>, vector<16xf32>,
        tpu.vector_store %arg8[%parallel_loop3A_229, %parallel_loop3A_230], %parallel_loop3A_228 {strides = array<i32>} : memref<16x512xf32, #tpu.memory_space<vmem>>, vector<16xf32>,
        %parallel_loop3A_232 = tpu.vector_load_idx %arg6[%parallel_loop3A_159, %get3A_39] : memref<16x2048xf32, #tpu.memory_space<vmem>>[vector<16xi32>, vector<16xi32>], vector<16xf32>,
        %parallel_loop3A_233 = arith.index_cast %parallel_loop3A_155 : i32 to index
        %parallel_loop3A_234 = arith.constant 288 : index
        %parallel_loop3A_235 = tpu.vector_load %arg8[%parallel_loop3A_233, %parallel_loop3A_234] {strides = array<i32>} : memref<16x512xf32, #tpu.memory_space<vmem>>, vector<16xf32>,
        tpu.vector_store %arg8[%parallel_loop3A_233, %parallel_loop3A_234], %parallel_loop3A_232 {strides = array<i32>} : memref<16x512xf32, #tpu.memory_space<vmem>>, vector<16xf32>,
        %parallel_loop3A_236 = tpu.vector_load_idx %arg6[%parallel_loop3A_159, %get3A_41] : memref<16x2048xf32, #tpu.memory_space<vmem>>[vector<16xi32>, vector<16xi32>], vector<16xf32>,
        %parallel_loop3A_237 = arith.index_cast %parallel_loop3A_155 : i32 to index
        %parallel_loop3A_238 = arith.constant 304 : index
        %parallel_loop3A_239 = tpu.vector_load %arg8[%parallel_loop3A_237, %parallel_loop3A_238] {strides = array<i32>} : memref<16x512xf32, #tpu.memory_space<vmem>>, vector<16xf32>,
        tpu.vector_store %arg8[%parallel_loop3A_237, %parallel_loop3A_238], %parallel_loop3A_236 {strides = array<i32>} : memref<16x512xf32, #tpu.memory_space<vmem>>, vector<16xf32>,
        %parallel_loop3A_240 = tpu.vector_load_idx %arg6[%parallel_loop3A_159, %get3A_43] : memref<16x2048xf32, #tpu.memory_space<vmem>>[vector<16xi32>, vector<16xi32>], vector<16xf32>,
        %parallel_loop3A_241 = arith.index_cast %parallel_loop3A_155 : i32 to index
        %parallel_loop3A_242 = arith.constant 320 : index
        %parallel_loop3A_243 = tpu.vector_load %arg8[%parallel_loop3A_241, %parallel_loop3A_242] {strides = array<i32>} : memref<16x512xf32, #tpu.memory_space<vmem>>, vector<16xf32>,
        tpu.vector_store %arg8[%parallel_loop3A_241, %parallel_loop3A_242], %parallel_loop3A_240 {strides = array<i32>} : memref<16x512xf32, #tpu.memory_space<vmem>>, vector<16xf32>,
        %parallel_loop3A_244 = tpu.vector_load_idx %arg6[%parallel_loop3A_159, %get3A_45] : memref<16x2048xf32, #tpu.memory_space<vmem>>[vector<16xi32>, vector<16xi32>], vector<16xf32>,
        %parallel_loop3A_245 = arith.index_cast %parallel_loop3A_155 : i32 to index
        %parallel_loop3A_246 = arith.constant 336 : index
        %parallel_loop3A_247 = tpu.vector_load %arg8[%parallel_loop3A_245, %parallel_loop3A_246] {strides = array<i32>} : memref<16x512xf32, #tpu.memory_space<vmem>>, vector<16xf32>,
        tpu.vector_store %arg8[%parallel_loop3A_245, %parallel_loop3A_246], %parallel_loop3A_244 {strides = array<i32>} : memref<16x512xf32, #tpu.memory_space<vmem>>, vector<16xf32>,
        %parallel_loop3A_248 = tpu.vector_load_idx %arg6[%parallel_loop3A_159, %get3A_47] : memref<16x2048xf32, #tpu.memory_space<vmem>>[vector<16xi32>, vector<16xi32>], vector<16xf32>,
        %parallel_loop3A_249 = arith.index_cast %parallel_loop3A_155 : i32 to index
        %parallel_loop3A_250 = arith.constant 352 : index
        %parallel_loop3A_251 = tpu.vector_load %arg8[%parallel_loop3A_249, %parallel_loop3A_250] {strides = array<i32>} : memref<16x512xf32, #tpu.memory_space<vmem>>, vector<16xf32>,
        tpu.vector_store %arg8[%parallel_loop3A_249, %parallel_loop3A_250], %parallel_loop3A_248 {strides = array<i32>} : memref<16x512xf32, #tpu.memory_space<vmem>>, vector<16xf32>,
        %parallel_loop3A_252 = tpu.vector_load_idx %arg6[%parallel_loop3A_159, %get3A_49] : memref<16x2048xf32, #tpu.memory_space<vmem>>[vector<16xi32>, vector<16xi32>], vector<16xf32>,
        %parallel_loop3A_253 = arith.index_cast %parallel_loop3A_155 : i32 to index
        %parallel_loop3A_254 = arith.constant 368 : index
        %parallel_loop3A_255 = tpu.vector_load %arg8[%parallel_loop3A_253, %parallel_loop3A_254] {strides = array<i32>} : memref<16x512xf32, #tpu.memory_space<vmem>>, vector<16xf32>,
        tpu.vector_store %arg8[%parallel_loop3A_253, %parallel_loop3A_254], %parallel_loop3A_252 {strides = array<i32>} : memref<16x512xf32, #tpu.memory_space<vmem>>, vector<16xf32>,
        %parallel_loop3A_256 = tpu.vector_load_idx %arg6[%parallel_loop3A_159, %get3A_51] : memref<16x2048xf32, #tpu.memory_space<vmem>>[vector<16xi32>, vector<16xi32>], vector<16xf32>,
        %parallel_loop3A_257 = arith.index_cast %parallel_loop3A_155 : i32 to index
        %parallel_loop3A_258 = arith.constant 384 : index
        %parallel_loop3A_259 = tpu.vector_load %arg8[%parallel_loop3A_257, %parallel_loop3A_258] {strides = array<i32>} : memref<16x512xf32, #tpu.memory_space<vmem>>, vector<16xf32>,
        tpu.vector_store %arg8[%parallel_loop3A_257, %parallel_loop3A_258], %parallel_loop3A_256 {strides = array<i32>} : memref<16x512xf32, #tpu.memory_space<vmem>>, vector<16xf32>,
        %parallel_loop3A_260 = tpu.vector_load_idx %arg6[%parallel_loop3A_159, %get3A_53] : memref<16x2048xf32, #tpu.memory_space<vmem>>[vector<16xi32>, vector<16xi32>], vector<16xf32>,
        %parallel_loop3A_261 = arith.index_cast %parallel_loop3A_155 : i32 to index
        %parallel_loop3A_262 = arith.constant 400 : index
        %parallel_loop3A_263 = tpu.vector_load %arg8[%parallel_loop3A_261, %parallel_loop3A_262] {strides = array<i32>} : memref<16x512xf32, #tpu.memory_space<vmem>>, vector<16xf32>,
        tpu.vector_store %arg8[%parallel_loop3A_261, %parallel_loop3A_262], %parallel_loop3A_260 {strides = array<i32>} : memref<16x512xf32, #tpu.memory_space<vmem>>, vector<16xf32>,
        %parallel_loop3A_264 = tpu.vector_load_idx %arg6[%parallel_loop3A_159, %get3A_55] : memref<16x2048xf32, #tpu.memory_space<vmem>>[vector<16xi32>, vector<16xi32>], vector<16xf32>,
        %parallel_loop3A_265 = arith.index_cast %parallel_loop3A_155 : i32 to index
        %parallel_loop3A_266 = arith.constant 416 : index
        %parallel_loop3A_267 = tpu.vector_load %arg8[%parallel_loop3A_265, %parallel_loop3A_266] {strides = array<i32>} : memref<16x512xf32, #tpu.memory_space<vmem>>, vector<16xf32>,
        tpu.vector_store %arg8[%parallel_loop3A_265, %parallel_loop3A_266], %parallel_loop3A_264 {strides = array<i32>} : memref<16x512xf32, #tpu.memory_space<vmem>>, vector<16xf32>,
        %parallel_loop3A_268 = tpu.vector_load_idx %arg6[%parallel_loop3A_159, %get3A_57] : memref<16x2048xf32, #tpu.memory_space<vmem>>[vector<16xi32>, vector<16xi32>], vector<16xf32>,
        %parallel_loop3A_269 = arith.index_cast %parallel_loop3A_155 : i32 to index
        %parallel_loop3A_270 = arith.constant 432 : index
        %parallel_loop3A_271 = tpu.vector_load %arg8[%parallel_loop3A_269, %parallel_loop3A_270] {strides = array<i32>} : memref<16x512xf32, #tpu.memory_space<vmem>>, vector<16xf32>,
        tpu.vector_store %arg8[%parallel_loop3A_269, %parallel_loop3A_270], %parallel_loop3A_268 {strides = array<i32>} : memref<16x512xf32, #tpu.memory_space<vmem>>, vector<16xf32>,
        %parallel_loop3A_272 = tpu.vector_load_idx %arg6[%parallel_loop3A_159, %get3A_59] : memref<16x2048xf32, #tpu.memory_space<vmem>>[vector<16xi32>, vector<16xi32>], vector<16xf32>,
        %parallel_loop3A_273 = arith.index_cast %parallel_loop3A_155 : i32 to index
        %parallel_loop3A_274 = arith.constant 448 : index
        %parallel_loop3A_275 = tpu.vector_load %arg8[%parallel_loop3A_273, %parallel_loop3A_274] {strides = array<i32>} : memref<16x512xf32, #tpu.memory_space<vmem>>, vector<16xf32>,
        tpu.vector_store %arg8[%parallel_loop3A_273, %parallel_loop3A_274], %parallel_loop3A_272 {strides = array<i32>} : memref<16x512xf32, #tpu.memory_space<vmem>>, vector<16xf32>,
        %parallel_loop3A_276 = tpu.vector_load_idx %arg6[%parallel_loop3A_159, %get3A_61] : memref<16x2048xf32, #tpu.memory_space<vmem>>[vector<16xi32>, vector<16xi32>], vector<16xf32>,
        %parallel_loop3A_277 = arith.index_cast %parallel_loop3A_155 : i32 to index
        %parallel_loop3A_278 = arith.constant 464 : index
        %parallel_loop3A_279 = tpu.vector_load %arg8[%parallel_loop3A_277, %parallel_loop3A_278] {strides = array<i32>} : memref<16x512xf32, #tpu.memory_space<vmem>>, vector<16xf32>,
        tpu.vector_store %arg8[%parallel_loop3A_277, %parallel_loop3A_278], %parallel_loop3A_276 {strides = array<i32>} : memref<16x512xf32, #tpu.memory_space<vmem>>, vector<16xf32>,
        %parallel_loop3A_280 = tpu.vector_load_idx %arg6[%parallel_loop3A_159, %get3A_63] : memref<16x2048xf32, #tpu.memory_space<vmem>>[vector<16xi32>, vector<16xi32>], vector<16xf32>,
        %parallel_loop3A_281 = arith.index_cast %parallel_loop3A_155 : i32 to index
        %parallel_loop3A_282 = arith.constant 480 : index
        %parallel_loop3A_283 = tpu.vector_load %arg8[%parallel_loop3A_281, %parallel_loop3A_282] {strides = array<i32>} : memref<16x512xf32, #tpu.memory_space<vmem>>, vector<16xf32>,
        tpu.vector_store %arg8[%parallel_loop3A_281, %parallel_loop3A_282], %parallel_loop3A_280 {strides = array<i32>} : memref<16x512xf32, #tpu.memory_space<vmem>>, vector<16xf32>,
        %parallel_loop3A_284 = tpu.vector_load_idx %arg6[%parallel_loop3A_159, %get3A_65] : memref<16x2048xf32, #tpu.memory_space<vmem>>[vector<16xi32>, vector<16xi32>], vector<16xf32>,
        %parallel_loop3A_285 = arith.index_cast %parallel_loop3A_155 : i32 to index
        %parallel_loop3A_286 = arith.constant 496 : index
        %parallel_loop3A_287 = tpu.vector_load %arg8[%parallel_loop3A_285, %parallel_loop3A_286] {strides = array<i32>} : memref<16x512xf32, #tpu.memory_space<vmem>>, vector<16xf32>,
        tpu.vector_store %arg8[%parallel_loop3A_285, %parallel_loop3A_286], %parallel_loop3A_284 {strides = array<i32>} : memref<16x512xf32, #tpu.memory_space<vmem>>, vector<16xf32>,
      } {sc.loop_unroll_factor = 8 : i64, sc.parallel_access}
      %mul3A_109 = arith.constant 16 : i32
      %mul3A_110 = arith.muli %add3A_97, %mul3A_109 : i32
      %add3A_111 = arith.addi %mul3A_2, %mul3A_110 : i32
      %dma_start3A_112 = arith.constant 0 : i32
      %dma_start3A_113 = tpu.memref_slice %arg4[%add3A_111, %dma_start3A_112] : memref<8192x512xf32, #tpu.memory_space<hbm>> -> memref<16x512xf32, #tpu.memory_space<hbm>>
      %dma_start3A_114 = arith.constant 0 : i32
      %dma_start3A_115 = tpu.memref_slice %arg4[%add3A_111, %dma_start3A_114] : memref<8192x512xf32, #tpu.memory_space<hbm>> -> memref<16x512xf32, #tpu.memory_space<hbm>>
      tpu.enqueue_dma source(%arg8 : memref<16x512xf32, #tpu.memory_space<vmem>>) target(%dma_start3A_115 : memref<16x512xf32, #tpu.memory_space<hbm>>) target_semaphore(%arg12 : memref<!tpu.dma_semaphore, #tpu.memory_space<semaphore_mem>>)
      %add3A_116 = arith.constant 2 : i32
      %add3A_117 = arith.addi %add3A_97, %add3A_116 : i32
      %lt3A = arith.constant 16 : i32
      %lt3A_118 = arith.cmpi slt, %add3A_117, %lt3A : i32
      %convert_element_type3A_119 = arith.extui %lt3A_118 : i1 to i32
      %cond3A_120 = arith.constant 0 : i32
      %cond3A_121 = arith.cmpi ne, %convert_element_type3A_119, %cond3A_120 : i32
      scf.if %cond3A_121 {
        %add3A_155 = arith.constant 2 : i32
        %add3A_156 = arith.addi %add3A_97, %add3A_155 : i32
        %mul3A_157 = arith.constant 16 : i32
        %mul3A_158 = arith.muli %add3A_156, %mul3A_157 : i32
        %add3A_159 = arith.addi %mul3A_2, %mul3A_158 : i32
        %dma_start3A_160 = arith.constant 0 : i32
        %dma_start3A_161 = tpu.memref_slice %arg2[%add3A_159, %dma_start3A_160] : memref<8192x2048xf32, #tpu.memory_space<hbm>> -> memref<16x2048xf32, #tpu.memory_space<hbm>>
        %dma_start3A_162 = arith.constant 0 : i32
        %dma_start3A_163 = tpu.memref_slice %arg2[%add3A_159, %dma_start3A_162] : memref<8192x2048xf32, #tpu.memory_space<hbm>> -> memref<16x2048xf32, #tpu.memory_space<hbm>>
        tpu.enqueue_dma source(%dma_start3A_163 : memref<16x2048xf32, #tpu.memory_space<hbm>>) target(%arg6 : memref<16x2048xf32, #tpu.memory_space<vmem>>) target_semaphore(%arg10 : memref<!tpu.dma_semaphore, #tpu.memory_space<semaphore_mem>>)
      } else {
      }
      %mul3A_122 = arith.constant 2 : i32
      %mul3A_123 = arith.muli %mul3A_122, %scan3A_93 : i32
      %add3A_124 = arith.constant 1 : i32
      %add3A_125 = arith.addi %mul3A_123, %add3A_124 : i32
      %mul3A_126 = arith.constant 16 : i32
      %mul3A_127 = arith.muli %add3A_125, %mul3A_126 : i32
      %add3A_128 = arith.addi %mul3A_2, %mul3A_127 : i32
      %dma_wait3A_129 = arith.constant 0 : i32
      %dma_wait3A_130 = tpu.memref_slice %arg2[%add3A_128, %dma_wait3A_129] : memref<8192x2048xf32, #tpu.memory_space<hbm>> -> memref<16x2048xf32, #tpu.memory_space<hbm>>
      %dma_wait3A_131 = arith.constant 0 : i32
      %dma_wait3A_132 = tpu.memref_slice %arg2[%add3A_128, %dma_wait3A_131] : memref<8192x2048xf32, #tpu.memory_space<hbm>> -> memref<16x2048xf32, #tpu.memory_space<hbm>>
      tpu.wait_dma2 semaphore(%arg11 : memref<!tpu.dma_semaphore, #tpu.memory_space<semaphore_mem>>) src(%dma_wait3A_132 : memref<16x2048xf32, #tpu.memory_space<hbm>>) dst(%arg7 : memref<16x2048xf32, #tpu.memory_space<vmem>>)
      %ge3A_133 = arith.constant 2 : i32
      %ge3A_134 = arith.cmpi sge, %add3A_125, %ge3A_133 : i32
      %convert_element_type3A_135 = arith.extui %ge3A_134 : i1 to i32
      %cond3A_136 = arith.constant 0 : i32
      %cond3A_137 = arith.cmpi ne, %convert_element_type3A_135, %cond3A_136 : i32
      scf.if %cond3A_137 {
        %sub3A = arith.constant 2 : i32
        %sub3A_155 = arith.subi %add3A_125, %sub3A : i32
        %mul3A_156 = arith.constant 16 : i32
        %mul3A_157 = arith.muli %sub3A_155, %mul3A_156 : i32
        %add3A_158 = arith.addi %mul3A_2, %mul3A_157 : i32
        %dma_wait3A_159 = arith.constant 0 : i32
        %dma_wait3A_160 = tpu.memref_slice %arg4[%add3A_158, %dma_wait3A_159] : memref<8192x512xf32, #tpu.memory_space<hbm>> -> memref<16x512xf32, #tpu.memory_space<hbm>>
        %dma_wait3A_161 = arith.constant 0 : i32
        %dma_wait3A_162 = tpu.memref_slice %arg4[%add3A_158, %dma_wait3A_161] : memref<8192x512xf32, #tpu.memory_space<hbm>> -> memref<16x512xf32, #tpu.memory_space<hbm>>
        tpu.wait_dma2 semaphore(%arg13 : memref<!tpu.dma_semaphore, #tpu.memory_space<semaphore_mem>>) src(%arg9 : memref<16x512xf32, #tpu.memory_space<vmem>>) dst(%dma_wait3A_162 : memref<16x512xf32, #tpu.memory_space<hbm>>)
      } else {
      }
      %parallel_loop3A_138 = arith.constant 0 : i32
      %parallel_loop3A_139 = arith.constant 16 : i32
      %parallel_loop3A_140 = arith.constant 1 : i32
      scf.for %parallel_loop3A_155 = %parallel_loop3A_138 to %parallel_loop3A_139 step %parallel_loop3A_140  : i32 {
        %parallel_loop3A_156 = arith.constant 0 : i32
        %parallel_loop3A_157 = vector.broadcast %parallel_loop3A_156 : i32 to vector<16xi32>
        %parallel_loop3A_158 = vector.broadcast %parallel_loop3A_155 : i32 to vector<16xi32>
        %parallel_loop3A_159 = arith.addi %parallel_loop3A_157, %parallel_loop3A_158 : vector<16xi32>
        %parallel_loop3A_160 = tpu.vector_load_idx %arg7[%parallel_loop3A_159, %get3A_3] : memref<16x2048xf32, #tpu.memory_space<vmem>>[vector<16xi32>, vector<16xi32>], vector<16xf32>,
        %parallel_loop3A_161 = arith.index_cast %parallel_loop3A_155 : i32 to index
        %parallel_loop3A_162 = arith.constant 0 : index
        %parallel_loop3A_163 = tpu.vector_load %arg9[%parallel_loop3A_161, %parallel_loop3A_162] {strides = array<i32>} : memref<16x512xf32, #tpu.memory_space<vmem>>, vector<16xf32>,
        tpu.vector_store %arg9[%parallel_loop3A_161, %parallel_loop3A_162], %parallel_loop3A_160 {strides = array<i32>} : memref<16x512xf32, #tpu.memory_space<vmem>>, vector<16xf32>,
        %parallel_loop3A_164 = tpu.vector_load_idx %arg7[%parallel_loop3A_159, %get3A_5] : memref<16x2048xf32, #tpu.memory_space<vmem>>[vector<16xi32>, vector<16xi32>], vector<16xf32>,
        %parallel_loop3A_165 = arith.index_cast %parallel_loop3A_155 : i32 to index
        %parallel_loop3A_166 = arith.constant 16 : index
        %parallel_loop3A_167 = tpu.vector_load %arg9[%parallel_loop3A_165, %parallel_loop3A_166] {strides = array<i32>} : memref<16x512xf32, #tpu.memory_space<vmem>>, vector<16xf32>,
        tpu.vector_store %arg9[%parallel_loop3A_165, %parallel_loop3A_166], %parallel_loop3A_164 {strides = array<i32>} : memref<16x512xf32, #tpu.memory_space<vmem>>, vector<16xf32>,
        %parallel_loop3A_168 = tpu.vector_load_idx %arg7[%parallel_loop3A_159, %get3A_7] : memref<16x2048xf32, #tpu.memory_space<vmem>>[vector<16xi32>, vector<16xi32>], vector<16xf32>,
        %parallel_loop3A_169 = arith.index_cast %parallel_loop3A_155 : i32 to index
        %parallel_loop3A_170 = arith.constant 32 : index
        %parallel_loop3A_171 = tpu.vector_load %arg9[%parallel_loop3A_169, %parallel_loop3A_170] {strides = array<i32>} : memref<16x512xf32, #tpu.memory_space<vmem>>, vector<16xf32>,
        tpu.vector_store %arg9[%parallel_loop3A_169, %parallel_loop3A_170], %parallel_loop3A_168 {strides = array<i32>} : memref<16x512xf32, #tpu.memory_space<vmem>>, vector<16xf32>,
        %parallel_loop3A_172 = tpu.vector_load_idx %arg7[%parallel_loop3A_159, %get3A_9] : memref<16x2048xf32, #tpu.memory_space<vmem>>[vector<16xi32>, vector<16xi32>], vector<16xf32>,
        %parallel_loop3A_173 = arith.index_cast %parallel_loop3A_155 : i32 to index
        %parallel_loop3A_174 = arith.constant 48 : index
        %parallel_loop3A_175 = tpu.vector_load %arg9[%parallel_loop3A_173, %parallel_loop3A_174] {strides = array<i32>} : memref<16x512xf32, #tpu.memory_space<vmem>>, vector<16xf32>,
        tpu.vector_store %arg9[%parallel_loop3A_173, %parallel_loop3A_174], %parallel_loop3A_172 {strides = array<i32>} : memref<16x512xf32, #tpu.memory_space<vmem>>, vector<16xf32>,
        %parallel_loop3A_176 = tpu.vector_load_idx %arg7[%parallel_loop3A_159, %get3A_11] : memref<16x2048xf32, #tpu.memory_space<vmem>>[vector<16xi32>, vector<16xi32>], vector<16xf32>,
        %parallel_loop3A_177 = arith.index_cast %parallel_loop3A_155 : i32 to index
        %parallel_loop3A_178 = arith.constant 64 : index
        %parallel_loop3A_179 = tpu.vector_load %arg9[%parallel_loop3A_177, %parallel_loop3A_178] {strides = array<i32>} : memref<16x512xf32, #tpu.memory_space<vmem>>, vector<16xf32>,
        tpu.vector_store %arg9[%parallel_loop3A_177, %parallel_loop3A_178], %parallel_loop3A_176 {strides = array<i32>} : memref<16x512xf32, #tpu.memory_space<vmem>>, vector<16xf32>,
        %parallel_loop3A_180 = tpu.vector_load_idx %arg7[%parallel_loop3A_159, %get3A_13] : memref<16x2048xf32, #tpu.memory_space<vmem>>[vector<16xi32>, vector<16xi32>], vector<16xf32>,
        %parallel_loop3A_181 = arith.index_cast %parallel_loop3A_155 : i32 to index
        %parallel_loop3A_182 = arith.constant 80 : index
        %parallel_loop3A_183 = tpu.vector_load %arg9[%parallel_loop3A_181, %parallel_loop3A_182] {strides = array<i32>} : memref<16x512xf32, #tpu.memory_space<vmem>>, vector<16xf32>,
        tpu.vector_store %arg9[%parallel_loop3A_181, %parallel_loop3A_182], %parallel_loop3A_180 {strides = array<i32>} : memref<16x512xf32, #tpu.memory_space<vmem>>, vector<16xf32>,
        %parallel_loop3A_184 = tpu.vector_load_idx %arg7[%parallel_loop3A_159, %get3A_15] : memref<16x2048xf32, #tpu.memory_space<vmem>>[vector<16xi32>, vector<16xi32>], vector<16xf32>,
        %parallel_loop3A_185 = arith.index_cast %parallel_loop3A_155 : i32 to index
        %parallel_loop3A_186 = arith.constant 96 : index
        %parallel_loop3A_187 = tpu.vector_load %arg9[%parallel_loop3A_185, %parallel_loop3A_186] {strides = array<i32>} : memref<16x512xf32, #tpu.memory_space<vmem>>, vector<16xf32>,
        tpu.vector_store %arg9[%parallel_loop3A_185, %parallel_loop3A_186], %parallel_loop3A_184 {strides = array<i32>} : memref<16x512xf32, #tpu.memory_space<vmem>>, vector<16xf32>,
        %parallel_loop3A_188 = tpu.vector_load_idx %arg7[%parallel_loop3A_159, %get3A_17] : memref<16x2048xf32, #tpu.memory_space<vmem>>[vector<16xi32>, vector<16xi32>], vector<16xf32>,
        %parallel_loop3A_189 = arith.index_cast %parallel_loop3A_155 : i32 to index
        %parallel_loop3A_190 = arith.constant 112 : index
        %parallel_loop3A_191 = tpu.vector_load %arg9[%parallel_loop3A_189, %parallel_loop3A_190] {strides = array<i32>} : memref<16x512xf32, #tpu.memory_space<vmem>>, vector<16xf32>,
        tpu.vector_store %arg9[%parallel_loop3A_189, %parallel_loop3A_190], %parallel_loop3A_188 {strides = array<i32>} : memref<16x512xf32, #tpu.memory_space<vmem>>, vector<16xf32>,
        %parallel_loop3A_192 = tpu.vector_load_idx %arg7[%parallel_loop3A_159, %get3A_19] : memref<16x2048xf32, #tpu.memory_space<vmem>>[vector<16xi32>, vector<16xi32>], vector<16xf32>,
        %parallel_loop3A_193 = arith.index_cast %parallel_loop3A_155 : i32 to index
        %parallel_loop3A_194 = arith.constant 128 : index
        %parallel_loop3A_195 = tpu.vector_load %arg9[%parallel_loop3A_193, %parallel_loop3A_194] {strides = array<i32>} : memref<16x512xf32, #tpu.memory_space<vmem>>, vector<16xf32>,
        tpu.vector_store %arg9[%parallel_loop3A_193, %parallel_loop3A_194], %parallel_loop3A_192 {strides = array<i32>} : memref<16x512xf32, #tpu.memory_space<vmem>>, vector<16xf32>,
        %parallel_loop3A_196 = tpu.vector_load_idx %arg7[%parallel_loop3A_159, %get3A_21] : memref<16x2048xf32, #tpu.memory_space<vmem>>[vector<16xi32>, vector<16xi32>], vector<16xf32>,
        %parallel_loop3A_197 = arith.index_cast %parallel_loop3A_155 : i32 to index
        %parallel_loop3A_198 = arith.constant 144 : index
        %parallel_loop3A_199 = tpu.vector_load %arg9[%parallel_loop3A_197, %parallel_loop3A_198] {strides = array<i32>} : memref<16x512xf32, #tpu.memory_space<vmem>>, vector<16xf32>,
        tpu.vector_store %arg9[%parallel_loop3A_197, %parallel_loop3A_198], %parallel_loop3A_196 {strides = array<i32>} : memref<16x512xf32, #tpu.memory_space<vmem>>, vector<16xf32>,
        %parallel_loop3A_200 = tpu.vector_load_idx %arg7[%parallel_loop3A_159, %get3A_23] : memref<16x2048xf32, #tpu.memory_space<vmem>>[vector<16xi32>, vector<16xi32>], vector<16xf32>,
        %parallel_loop3A_201 = arith.index_cast %parallel_loop3A_155 : i32 to index
        %parallel_loop3A_202 = arith.constant 160 : index
        %parallel_loop3A_203 = tpu.vector_load %arg9[%parallel_loop3A_201, %parallel_loop3A_202] {strides = array<i32>} : memref<16x512xf32, #tpu.memory_space<vmem>>, vector<16xf32>,
        tpu.vector_store %arg9[%parallel_loop3A_201, %parallel_loop3A_202], %parallel_loop3A_200 {strides = array<i32>} : memref<16x512xf32, #tpu.memory_space<vmem>>, vector<16xf32>,
        %parallel_loop3A_204 = tpu.vector_load_idx %arg7[%parallel_loop3A_159, %get3A_25] : memref<16x2048xf32, #tpu.memory_space<vmem>>[vector<16xi32>, vector<16xi32>], vector<16xf32>,
        %parallel_loop3A_205 = arith.index_cast %parallel_loop3A_155 : i32 to index
        %parallel_loop3A_206 = arith.constant 176 : index
        %parallel_loop3A_207 = tpu.vector_load %arg9[%parallel_loop3A_205, %parallel_loop3A_206] {strides = array<i32>} : memref<16x512xf32, #tpu.memory_space<vmem>>, vector<16xf32>,
        tpu.vector_store %arg9[%parallel_loop3A_205, %parallel_loop3A_206], %parallel_loop3A_204 {strides = array<i32>} : memref<16x512xf32, #tpu.memory_space<vmem>>, vector<16xf32>,
        %parallel_loop3A_208 = tpu.vector_load_idx %arg7[%parallel_loop3A_159, %get3A_27] : memref<16x2048xf32, #tpu.memory_space<vmem>>[vector<16xi32>, vector<16xi32>], vector<16xf32>,
        %parallel_loop3A_209 = arith.index_cast %parallel_loop3A_155 : i32 to index
        %parallel_loop3A_210 = arith.constant 192 : index
        %parallel_loop3A_211 = tpu.vector_load %arg9[%parallel_loop3A_209, %parallel_loop3A_210] {strides = array<i32>} : memref<16x512xf32, #tpu.memory_space<vmem>>, vector<16xf32>,
        tpu.vector_store %arg9[%parallel_loop3A_209, %parallel_loop3A_210], %parallel_loop3A_208 {strides = array<i32>} : memref<16x512xf32, #tpu.memory_space<vmem>>, vector<16xf32>,
        %parallel_loop3A_212 = tpu.vector_load_idx %arg7[%parallel_loop3A_159, %get3A_29] : memref<16x2048xf32, #tpu.memory_space<vmem>>[vector<16xi32>, vector<16xi32>], vector<16xf32>,
        %parallel_loop3A_213 = arith.index_cast %parallel_loop3A_155 : i32 to index
        %parallel_loop3A_214 = arith.constant 208 : index
        %parallel_loop3A_215 = tpu.vector_load %arg9[%parallel_loop3A_213, %parallel_loop3A_214] {strides = array<i32>} : memref<16x512xf32, #tpu.memory_space<vmem>>, vector<16xf32>,
        tpu.vector_store %arg9[%parallel_loop3A_213, %parallel_loop3A_214], %parallel_loop3A_212 {strides = array<i32>} : memref<16x512xf32, #tpu.memory_space<vmem>>, vector<16xf32>,
        %parallel_loop3A_216 = tpu.vector_load_idx %arg7[%parallel_loop3A_159, %get3A_31] : memref<16x2048xf32, #tpu.memory_space<vmem>>[vector<16xi32>, vector<16xi32>], vector<16xf32>,
        %parallel_loop3A_217 = arith.index_cast %parallel_loop3A_155 : i32 to index
        %parallel_loop3A_218 = arith.constant 224 : index
        %parallel_loop3A_219 = tpu.vector_load %arg9[%parallel_loop3A_217, %parallel_loop3A_218] {strides = array<i32>} : memref<16x512xf32, #tpu.memory_space<vmem>>, vector<16xf32>,
        tpu.vector_store %arg9[%parallel_loop3A_217, %parallel_loop3A_218], %parallel_loop3A_216 {strides = array<i32>} : memref<16x512xf32, #tpu.memory_space<vmem>>, vector<16xf32>,
        %parallel_loop3A_220 = tpu.vector_load_idx %arg7[%parallel_loop3A_159, %get3A_33] : memref<16x2048xf32, #tpu.memory_space<vmem>>[vector<16xi32>, vector<16xi32>], vector<16xf32>,
        %parallel_loop3A_221 = arith.index_cast %parallel_loop3A_155 : i32 to index
        %parallel_loop3A_222 = arith.constant 240 : index
        %parallel_loop3A_223 = tpu.vector_load %arg9[%parallel_loop3A_221, %parallel_loop3A_222] {strides = array<i32>} : memref<16x512xf32, #tpu.memory_space<vmem>>, vector<16xf32>,
        tpu.vector_store %arg9[%parallel_loop3A_221, %parallel_loop3A_222], %parallel_loop3A_220 {strides = array<i32>} : memref<16x512xf32, #tpu.memory_space<vmem>>, vector<16xf32>,
        %parallel_loop3A_224 = tpu.vector_load_idx %arg7[%parallel_loop3A_159, %get3A_35] : memref<16x2048xf32, #tpu.memory_space<vmem>>[vector<16xi32>, vector<16xi32>], vector<16xf32>,
        %parallel_loop3A_225 = arith.index_cast %parallel_loop3A_155 : i32 to index
        %parallel_loop3A_226 = arith.constant 256 : index
        %parallel_loop3A_227 = tpu.vector_load %arg9[%parallel_loop3A_225, %parallel_loop3A_226] {strides = array<i32>} : memref<16x512xf32, #tpu.memory_space<vmem>>, vector<16xf32>,
        tpu.vector_store %arg9[%parallel_loop3A_225, %parallel_loop3A_226], %parallel_loop3A_224 {strides = array<i32>} : memref<16x512xf32, #tpu.memory_space<vmem>>, vector<16xf32>,
        %parallel_loop3A_228 = tpu.vector_load_idx %arg7[%parallel_loop3A_159, %get3A_37] : memref<16x2048xf32, #tpu.memory_space<vmem>>[vector<16xi32>, vector<16xi32>], vector<16xf32>,
        %parallel_loop3A_229 = arith.index_cast %parallel_loop3A_155 : i32 to index
        %parallel_loop3A_230 = arith.constant 272 : index
        %parallel_loop3A_231 = tpu.vector_load %arg9[%parallel_loop3A_229, %parallel_loop3A_230] {strides = array<i32>} : memref<16x512xf32, #tpu.memory_space<vmem>>, vector<16xf32>,
        tpu.vector_store %arg9[%parallel_loop3A_229, %parallel_loop3A_230], %parallel_loop3A_228 {strides = array<i32>} : memref<16x512xf32, #tpu.memory_space<vmem>>, vector<16xf32>,
        %parallel_loop3A_232 = tpu.vector_load_idx %arg7[%parallel_loop3A_159, %get3A_39] : memref<16x2048xf32, #tpu.memory_space<vmem>>[vector<16xi32>, vector<16xi32>], vector<16xf32>,
        %parallel_loop3A_233 = arith.index_cast %parallel_loop3A_155 : i32 to index
        %parallel_loop3A_234 = arith.constant 288 : index
        %parallel_loop3A_235 = tpu.vector_load %arg9[%parallel_loop3A_233, %parallel_loop3A_234] {strides = array<i32>} : memref<16x512xf32, #tpu.memory_space<vmem>>, vector<16xf32>,
        tpu.vector_store %arg9[%parallel_loop3A_233, %parallel_loop3A_234], %parallel_loop3A_232 {strides = array<i32>} : memref<16x512xf32, #tpu.memory_space<vmem>>, vector<16xf32>,
        %parallel_loop3A_236 = tpu.vector_load_idx %arg7[%parallel_loop3A_159, %get3A_41] : memref<16x2048xf32, #tpu.memory_space<vmem>>[vector<16xi32>, vector<16xi32>], vector<16xf32>,
        %parallel_loop3A_237 = arith.index_cast %parallel_loop3A_155 : i32 to index
        %parallel_loop3A_238 = arith.constant 304 : index
        %parallel_loop3A_239 = tpu.vector_load %arg9[%parallel_loop3A_237, %parallel_loop3A_238] {strides = array<i32>} : memref<16x512xf32, #tpu.memory_space<vmem>>, vector<16xf32>,
        tpu.vector_store %arg9[%parallel_loop3A_237, %parallel_loop3A_238], %parallel_loop3A_236 {strides = array<i32>} : memref<16x512xf32, #tpu.memory_space<vmem>>, vector<16xf32>,
        %parallel_loop3A_240 = tpu.vector_load_idx %arg7[%parallel_loop3A_159, %get3A_43] : memref<16x2048xf32, #tpu.memory_space<vmem>>[vector<16xi32>, vector<16xi32>], vector<16xf32>,
        %parallel_loop3A_241 = arith.index_cast %parallel_loop3A_155 : i32 to index
        %parallel_loop3A_242 = arith.constant 320 : index
        %parallel_loop3A_243 = tpu.vector_load %arg9[%parallel_loop3A_241, %parallel_loop3A_242] {strides = array<i32>} : memref<16x512xf32, #tpu.memory_space<vmem>>, vector<16xf32>,
        tpu.vector_store %arg9[%parallel_loop3A_241, %parallel_loop3A_242], %parallel_loop3A_240 {strides = array<i32>} : memref<16x512xf32, #tpu.memory_space<vmem>>, vector<16xf32>,
        %parallel_loop3A_244 = tpu.vector_load_idx %arg7[%parallel_loop3A_159, %get3A_45] : memref<16x2048xf32, #tpu.memory_space<vmem>>[vector<16xi32>, vector<16xi32>], vector<16xf32>,
        %parallel_loop3A_245 = arith.index_cast %parallel_loop3A_155 : i32 to index
        %parallel_loop3A_246 = arith.constant 336 : index
        %parallel_loop3A_247 = tpu.vector_load %arg9[%parallel_loop3A_245, %parallel_loop3A_246] {strides = array<i32>} : memref<16x512xf32, #tpu.memory_space<vmem>>, vector<16xf32>,
        tpu.vector_store %arg9[%parallel_loop3A_245, %parallel_loop3A_246], %parallel_loop3A_244 {strides = array<i32>} : memref<16x512xf32, #tpu.memory_space<vmem>>, vector<16xf32>,
        %parallel_loop3A_248 = tpu.vector_load_idx %arg7[%parallel_loop3A_159, %get3A_47] : memref<16x2048xf32, #tpu.memory_space<vmem>>[vector<16xi32>, vector<16xi32>], vector<16xf32>,
        %parallel_loop3A_249 = arith.index_cast %parallel_loop3A_155 : i32 to index
        %parallel_loop3A_250 = arith.constant 352 : index
        %parallel_loop3A_251 = tpu.vector_load %arg9[%parallel_loop3A_249, %parallel_loop3A_250] {strides = array<i32>} : memref<16x512xf32, #tpu.memory_space<vmem>>, vector<16xf32>,
        tpu.vector_store %arg9[%parallel_loop3A_249, %parallel_loop3A_250], %parallel_loop3A_248 {strides = array<i32>} : memref<16x512xf32, #tpu.memory_space<vmem>>, vector<16xf32>,
        %parallel_loop3A_252 = tpu.vector_load_idx %arg7[%parallel_loop3A_159, %get3A_49] : memref<16x2048xf32, #tpu.memory_space<vmem>>[vector<16xi32>, vector<16xi32>], vector<16xf32>,
        %parallel_loop3A_253 = arith.index_cast %parallel_loop3A_155 : i32 to index
        %parallel_loop3A_254 = arith.constant 368 : index
        %parallel_loop3A_255 = tpu.vector_load %arg9[%parallel_loop3A_253, %parallel_loop3A_254] {strides = array<i32>} : memref<16x512xf32, #tpu.memory_space<vmem>>, vector<16xf32>,
        tpu.vector_store %arg9[%parallel_loop3A_253, %parallel_loop3A_254], %parallel_loop3A_252 {strides = array<i32>} : memref<16x512xf32, #tpu.memory_space<vmem>>, vector<16xf32>,
        %parallel_loop3A_256 = tpu.vector_load_idx %arg7[%parallel_loop3A_159, %get3A_51] : memref<16x2048xf32, #tpu.memory_space<vmem>>[vector<16xi32>, vector<16xi32>], vector<16xf32>,
        %parallel_loop3A_257 = arith.index_cast %parallel_loop3A_155 : i32 to index
        %parallel_loop3A_258 = arith.constant 384 : index
        %parallel_loop3A_259 = tpu.vector_load %arg9[%parallel_loop3A_257, %parallel_loop3A_258] {strides = array<i32>} : memref<16x512xf32, #tpu.memory_space<vmem>>, vector<16xf32>,
        tpu.vector_store %arg9[%parallel_loop3A_257, %parallel_loop3A_258], %parallel_loop3A_256 {strides = array<i32>} : memref<16x512xf32, #tpu.memory_space<vmem>>, vector<16xf32>,
        %parallel_loop3A_260 = tpu.vector_load_idx %arg7[%parallel_loop3A_159, %get3A_53] : memref<16x2048xf32, #tpu.memory_space<vmem>>[vector<16xi32>, vector<16xi32>], vector<16xf32>,
        %parallel_loop3A_261 = arith.index_cast %parallel_loop3A_155 : i32 to index
        %parallel_loop3A_262 = arith.constant 400 : index
        %parallel_loop3A_263 = tpu.vector_load %arg9[%parallel_loop3A_261, %parallel_loop3A_262] {strides = array<i32>} : memref<16x512xf32, #tpu.memory_space<vmem>>, vector<16xf32>,
        tpu.vector_store %arg9[%parallel_loop3A_261, %parallel_loop3A_262], %parallel_loop3A_260 {strides = array<i32>} : memref<16x512xf32, #tpu.memory_space<vmem>>, vector<16xf32>,
        %parallel_loop3A_264 = tpu.vector_load_idx %arg7[%parallel_loop3A_159, %get3A_55] : memref<16x2048xf32, #tpu.memory_space<vmem>>[vector<16xi32>, vector<16xi32>], vector<16xf32>,
        %parallel_loop3A_265 = arith.index_cast %parallel_loop3A_155 : i32 to index
        %parallel_loop3A_266 = arith.constant 416 : index
        %parallel_loop3A_267 = tpu.vector_load %arg9[%parallel_loop3A_265, %parallel_loop3A_266] {strides = array<i32>} : memref<16x512xf32, #tpu.memory_space<vmem>>, vector<16xf32>,
        tpu.vector_store %arg9[%parallel_loop3A_265, %parallel_loop3A_266], %parallel_loop3A_264 {strides = array<i32>} : memref<16x512xf32, #tpu.memory_space<vmem>>, vector<16xf32>,
        %parallel_loop3A_268 = tpu.vector_load_idx %arg7[%parallel_loop3A_159, %get3A_57] : memref<16x2048xf32, #tpu.memory_space<vmem>>[vector<16xi32>, vector<16xi32>], vector<16xf32>,
        %parallel_loop3A_269 = arith.index_cast %parallel_loop3A_155 : i32 to index
        %parallel_loop3A_270 = arith.constant 432 : index
        %parallel_loop3A_271 = tpu.vector_load %arg9[%parallel_loop3A_269, %parallel_loop3A_270] {strides = array<i32>} : memref<16x512xf32, #tpu.memory_space<vmem>>, vector<16xf32>,
        tpu.vector_store %arg9[%parallel_loop3A_269, %parallel_loop3A_270], %parallel_loop3A_268 {strides = array<i32>} : memref<16x512xf32, #tpu.memory_space<vmem>>, vector<16xf32>,
        %parallel_loop3A_272 = tpu.vector_load_idx %arg7[%parallel_loop3A_159, %get3A_59] : memref<16x2048xf32, #tpu.memory_space<vmem>>[vector<16xi32>, vector<16xi32>], vector<16xf32>,
        %parallel_loop3A_273 = arith.index_cast %parallel_loop3A_155 : i32 to index
        %parallel_loop3A_274 = arith.constant 448 : index
        %parallel_loop3A_275 = tpu.vector_load %arg9[%parallel_loop3A_273, %parallel_loop3A_274] {strides = array<i32>} : memref<16x512xf32, #tpu.memory_space<vmem>>, vector<16xf32>,
        tpu.vector_store %arg9[%parallel_loop3A_273, %parallel_loop3A_274], %parallel_loop3A_272 {strides = array<i32>} : memref<16x512xf32, #tpu.memory_space<vmem>>, vector<16xf32>,
        %parallel_loop3A_276 = tpu.vector_load_idx %arg7[%parallel_loop3A_159, %get3A_61] : memref<16x2048xf32, #tpu.memory_space<vmem>>[vector<16xi32>, vector<16xi32>], vector<16xf32>,
        %parallel_loop3A_277 = arith.index_cast %parallel_loop3A_155 : i32 to index
        %parallel_loop3A_278 = arith.constant 464 : index
        %parallel_loop3A_279 = tpu.vector_load %arg9[%parallel_loop3A_277, %parallel_loop3A_278] {strides = array<i32>} : memref<16x512xf32, #tpu.memory_space<vmem>>, vector<16xf32>,
        tpu.vector_store %arg9[%parallel_loop3A_277, %parallel_loop3A_278], %parallel_loop3A_276 {strides = array<i32>} : memref<16x512xf32, #tpu.memory_space<vmem>>, vector<16xf32>,
        %parallel_loop3A_280 = tpu.vector_load_idx %arg7[%parallel_loop3A_159, %get3A_63] : memref<16x2048xf32, #tpu.memory_space<vmem>>[vector<16xi32>, vector<16xi32>], vector<16xf32>,
        %parallel_loop3A_281 = arith.index_cast %parallel_loop3A_155 : i32 to index
        %parallel_loop3A_282 = arith.constant 480 : index
        %parallel_loop3A_283 = tpu.vector_load %arg9[%parallel_loop3A_281, %parallel_loop3A_282] {strides = array<i32>} : memref<16x512xf32, #tpu.memory_space<vmem>>, vector<16xf32>,
        tpu.vector_store %arg9[%parallel_loop3A_281, %parallel_loop3A_282], %parallel_loop3A_280 {strides = array<i32>} : memref<16x512xf32, #tpu.memory_space<vmem>>, vector<16xf32>,
        %parallel_loop3A_284 = tpu.vector_load_idx %arg7[%parallel_loop3A_159, %get3A_65] : memref<16x2048xf32, #tpu.memory_space<vmem>>[vector<16xi32>, vector<16xi32>], vector<16xf32>,
        %parallel_loop3A_285 = arith.index_cast %parallel_loop3A_155 : i32 to index
        %parallel_loop3A_286 = arith.constant 496 : index
        %parallel_loop3A_287 = tpu.vector_load %arg9[%parallel_loop3A_285, %parallel_loop3A_286] {strides = array<i32>} : memref<16x512xf32, #tpu.memory_space<vmem>>, vector<16xf32>,
        tpu.vector_store %arg9[%parallel_loop3A_285, %parallel_loop3A_286], %parallel_loop3A_284 {strides = array<i32>} : memref<16x512xf32, #tpu.memory_space<vmem>>, vector<16xf32>,
      } {sc.loop_unroll_factor = 8 : i64, sc.parallel_access}
      %mul3A_141 = arith.constant 16 : i32
      %mul3A_142 = arith.muli %add3A_125, %mul3A_141 : i32
      %add3A_143 = arith.addi %mul3A_2, %mul3A_142 : i32
      %dma_start3A_144 = arith.constant 0 : i32
      %dma_start3A_145 = tpu.memref_slice %arg4[%add3A_143, %dma_start3A_144] : memref<8192x512xf32, #tpu.memory_space<hbm>> -> memref<16x512xf32, #tpu.memory_space<hbm>>
      %dma_start3A_146 = arith.constant 0 : i32
      %dma_start3A_147 = tpu.memref_slice %arg4[%add3A_143, %dma_start3A_146] : memref<8192x512xf32, #tpu.memory_space<hbm>> -> memref<16x512xf32, #tpu.memory_space<hbm>>
      tpu.enqueue_dma source(%arg9 : memref<16x512xf32, #tpu.memory_space<vmem>>) target(%dma_start3A_147 : memref<16x512xf32, #tpu.memory_space<hbm>>) target_semaphore(%arg13 : memref<!tpu.dma_semaphore, #tpu.memory_space<semaphore_mem>>)
      %add3A_148 = arith.constant 2 : i32
      %add3A_149 = arith.addi %add3A_125, %add3A_148 : i32
      %lt3A_150 = arith.constant 16 : i32
      %lt3A_151 = arith.cmpi slt, %add3A_149, %lt3A_150 : i32
      %convert_element_type3A_152 = arith.extui %lt3A_151 : i1 to i32
      %cond3A_153 = arith.constant 0 : i32
      %cond3A_154 = arith.cmpi ne, %convert_element_type3A_152, %cond3A_153 : i32
      scf.if %cond3A_154 {
        %add3A_155 = arith.constant 2 : i32
        %add3A_156 = arith.addi %add3A_125, %add3A_155 : i32
        %mul3A_157 = arith.constant 16 : i32
        %mul3A_158 = arith.muli %add3A_156, %mul3A_157 : i32
        %add3A_159 = arith.addi %mul3A_2, %mul3A_158 : i32
        %dma_start3A_160 = arith.constant 0 : i32
        %dma_start3A_161 = tpu.memref_slice %arg2[%add3A_159, %dma_start3A_160] : memref<8192x2048xf32, #tpu.memory_space<hbm>> -> memref<16x2048xf32, #tpu.memory_space<hbm>>
        %dma_start3A_162 = arith.constant 0 : i32
        %dma_start3A_163 = tpu.memref_slice %arg2[%add3A_159, %dma_start3A_162] : memref<8192x2048xf32, #tpu.memory_space<hbm>> -> memref<16x2048xf32, #tpu.memory_space<hbm>>
        tpu.enqueue_dma source(%dma_start3A_163 : memref<16x2048xf32, #tpu.memory_space<hbm>>) target(%arg7 : memref<16x2048xf32, #tpu.memory_space<vmem>>) target_semaphore(%arg11 : memref<!tpu.dma_semaphore, #tpu.memory_space<semaphore_mem>>)
      } else {
      }
    }
    %scan3A_81 = arith.constant 8 : i32
    %add3A_82 = arith.constant 224 : i32
    %add3A_83 = arith.addi %mul3A_2, %add3A_82 : i32
    %dma_wait3A = arith.constant 0 : i32
    %dma_wait3A_84 = tpu.memref_slice %arg4[%add3A_83, %dma_wait3A] : memref<8192x512xf32, #tpu.memory_space<hbm>> -> memref<16x512xf32, #tpu.memory_space<hbm>>
    %dma_wait3A_85 = arith.constant 0 : i32
    %dma_wait3A_86 = tpu.memref_slice %arg4[%add3A_83, %dma_wait3A_85] : memref<8192x512xf32, #tpu.memory_space<hbm>> -> memref<16x512xf32, #tpu.memory_space<hbm>>
    tpu.wait_dma2 semaphore(%arg12 : memref<!tpu.dma_semaphore, #tpu.memory_space<semaphore_mem>>) src(%arg8 : memref<16x512xf32, #tpu.memory_space<vmem>>) dst(%dma_wait3A_86 : memref<16x512xf32, #tpu.memory_space<hbm>>)
    %add3A_87 = arith.constant 240 : i32
    %add3A_88 = arith.addi %mul3A_2, %add3A_87 : i32
    %dma_wait3A_89 = arith.constant 0 : i32
    %dma_wait3A_90 = tpu.memref_slice %arg4[%add3A_88, %dma_wait3A_89] : memref<8192x512xf32, #tpu.memory_space<hbm>> -> memref<16x512xf32, #tpu.memory_space<hbm>>
    %dma_wait3A_91 = arith.constant 0 : i32
    %dma_wait3A_92 = tpu.memref_slice %arg4[%add3A_88, %dma_wait3A_91] : memref<8192x512xf32, #tpu.memory_space<hbm>> -> memref<16x512xf32, #tpu.memory_space<hbm>>
    tpu.wait_dma2 semaphore(%arg13 : memref<!tpu.dma_semaphore, #tpu.memory_space<semaphore_mem>>) src(%arg9 : memref<16x512xf32, #tpu.memory_space<vmem>>) dst(%dma_wait3A_92 : memref<16x512xf32, #tpu.memory_space<hbm>>)
    return
  }
}

</mosaic_0001>

<sc_bundles>
// kernel: kernel.3.cloned.1.call-start
scs
__scs_entry_jumppad:
0x0: {  	(pc) =	sbr.rel $0x88, $3  }
0x1: {  	(tag) =	ssettag $0x0;
	lr =	simm.s32 $0x1  }
0x2: {  	[smem:$0x3F9F] =	sst lr;
	_ =	strace $0xD0000000  }
0x3: {  	_ = 	snop  }
0x4: {  	_ = 	snop  }
0x5: {  	_ = 	snop  }
0x6: {  	_ = 	snop  }
0x7: {  	_ = 	snop  }
__scs_overlays_trampoline_lowered:
0x8: {  	[smem:$0x3FAE] =	sst s0  }
0x9: {  	[smem:$0x3FAF] =	sst s1  }
0xa: {  	[smem:$0x3FB0] =	sst s2  }
0xb: {  	[smem:$0x3FB1] =	sst s3  }
0xc: {  	[smem:$0x3FB2] =	sst s4  }
0xd: {  	[smem:$0x3FB3] =	sst s5  }
0xe: {  	[smem:$0x3FB4] =	sst s6  }
0xf: {  	[smem:$0x3FB5] =	sst s7  }
0x10: {  	[smem:$0x3FB6] =	sst s8  }
0x11: {  	[smem:$0x3FB7] =	sst s9;
	s0 =	simm.s32 @!p0 $0x0  }
0x12: {  	s1 =	sld [smem:$0x3F9D];
	s0 =	simm.s32 @p0 $0x1  }
0x13: {  	[smem:$0x3FB8] =	sst s0;
	s0 =	simm.s32 @!p1 $0x0  }
0x14: {  	s2 =	sld [smem:$0x3F9C];
	s0 =	simm.s32 @p1 $0x1  }
0x15: {  	[smem:$0x3FB9] =	sst s0;
	s0 =	simm.s32 @!p2 $0x0  }
0x16: {  	s3 =	sld [smem:$0x3FDB];
	s0 =	simm.s32 @p2 $0x1  }
0x17: {  	s4 =	simm.s32 $0x1BF5;
	[smem:$0x3FBB] =	sst s0  }
0x18: {  	s0 =	sld [smem:$0x3F9E];
	_ =	swait.ge [sflag:s4], $0x0  }
0x19: {  	s7 =	sld [smem:$0x3F9F]  }
0x1a: {  	s8 =	sadd.s32 $0xFFFFE003, lr  }
0x1b: {  	s9 =	sadd.s32 $0xFFFFFEF7, lr;
	s5 =	simm.s32 $0xFFFFFFFF;
	p2 =	slt.u32 s8, $0xFFFFF086  }
0x1c: {  	p1 =	slt.u32 s9, $0xF7A;
	s5 =	simm.s32 @!p2 $0x0  }
0x1d: {  	s5 =	simm.s32 @p1 $0x1;
	p0 =	seq.s32 s7, s2  }
0x1e: {  	s7 =	smul.u32 @!p0 $0xF7A, s2;
	p2 =	seq.s32 @!p0 s5, $0x0  }
0x1f: {  	s9 =	smul.u32 $0xF7A, s1;
	s8 =	simm.s32 @!p0 $0x1BF5;
	p2 =	por !p2, p0  }
0x20: {  	[sflag:s8] =	ssyncset.s32 @!p0 $0xFFFFF086;
	s6 =	sadd.s32 @!p0 s3, s7;
	s7 =	simm.s32 @!p0 $0x108  }
0x21: {  	s3 =	sadd.s32 s3, s9;
	s6 =	sadd.s32 @!p0 $0x88, s6;
	s7 =	simm.s32 @p2 $0x1082  }
0x22: {  	[simem:s7], [sflag:s8] =	dma.local @!p0 [hbm:s6], $0xF7A  }
0x23: {  	s9 =	sor.u32 $0xD0000000, s2;
	s6 =	simm.s32 $0x108;
	_ =	swait.ge @!p0 [sflag:s8], $0x0  }
0x24: {  	s3 =	sadd.s32 $0x88, s3;
	s6 =	simm.s32 @!p1 $0x1082;
	[sflag:s4] =	ssyncset.s32 $0xFFFFF086  }
0x25: {  	[simem:s6], [sflag:s4] =	dma.local [hbm:s3], $0xF7A  }
0x26: {  	[smem:$0x3F9F] =	sst s1;
	(tag) =	ssettag s2;
	_ =	strace s9  }
0x27: {  	s1 =	sld [smem:$0x3FAF]  }
0x28: {  	s2 =	sld [smem:$0x3FB0]  }
0x29: {  	s4 =	sld [smem:$0x3FB2]  }
0x2a: {  	p0 =	seq.s32 s5, $0x0;
	s5 =	sld [smem:$0x3FB3]  }
0x2b: {  	s6 =	sld [smem:$0x3FB4]  }
0x2c: {  	s7 =	sld [smem:$0x3FB5]  }
0x2d: {  	s3 =	simm.s32 $0x108;
	s8 =	sld [smem:$0x3FB6]  }
0x2e: {  	s3 =	simm.s32 @!p0 $0x1082;
	s9 =	sld [smem:$0x3FB7]  }
0x2f: {  	lr =	sadd.s32 s0, s3;
	s0 =	sld [smem:$0x3FAE]  }
0x30: {  	s3 =	sld [smem:$0x3FB1]  }
0x31: {  	[smem:$0x3FBA] =	sst s10  }
0x32: {  	s10 =	sld [smem:$0x3FB8];
	_ =	sdelay $0x3  }
0x33: {  	p0 =	seq.s32 s10, $0x1;
	s10 =	sld [smem:$0x3FBA];
	_ =	sdelay $0x3  }
0x34: {  	[smem:$0x3FBA] =	sst s10  }
0x35: {  	s10 =	sld [smem:$0x3FB9];
	_ =	sdelay $0x3  }
0x36: {  	p1 =	seq.s32 s10, $0x1;
	s10 =	sld [smem:$0x3FBA];
	_ =	sdelay $0x3  }
0x37: {  	[smem:$0x3FBA] =	sst s10  }
0x38: {  	s10 =	sld [smem:$0x3FBB]  }
0x39: {  	_ = 	snop;
	(pc) =	sbr.ind lr, $3  }
0x3a: {  	_ = 	snop  }
0x3b: {  	_ = 	snop  }
0x3c: {  	p2 =	seq.s32 s10, $0x1;
	s10 =	sld [smem:$0x3FBA]  }
0x3d: {  	_ =	shalt  }
0x3e: {  	_ =	shalt  }
0x3f: {  	_ =	shalt  }
0x40: {  	_ =	shalt  }
0x41: {  	_ =	shalt  }
0x42: {  	_ =	shalt  }
0x43: {  	_ =	shalt  }
0x44: {  	_ =	shalt  }
0x45: {  	_ =	shalt  }
0x46: {  	_ =	shalt  }
0x47: {  	_ =	shalt  }
0x48: {  	_ =	shalt  }
0x49: {  	_ =	shalt  }
0x4a: {  	_ =	shalt  }
0x4b: {  	_ =	shalt  }
0x4c: {  	_ =	shalt  }
0x4d: {  	_ =	shalt  }
0x4e: {  	_ =	shalt  }
0x4f: {  	_ =	shalt  }
0x50: {  	_ =	shalt  }
0x51: {  	_ =	shalt  }
0x52: {  	_ =	shalt  }
0x53: {  	_ =	shalt  }
0x54: {  	_ =	shalt  }
0x55: {  	_ =	shalt  }
0x56: {  	_ =	shalt  }
0x57: {  	_ =	shalt  }
0x58: {  	_ =	shalt  }
0x59: {  	_ =	shalt  }
0x5a: {  	_ =	shalt  }
0x5b: {  	_ =	shalt  }
0x5c: {  	_ =	shalt  }
0x5d: {  	_ =	shalt  }
0x5e: {  	_ =	shalt  }
0x5f: {  	_ =	shalt  }
0x60: {  	_ =	shalt  }
0x61: {  	_ =	shalt  }
0x62: {  	_ =	shalt  }
0x63: {  	_ =	shalt  }
0x64: {  	_ =	shalt  }
0x65: {  	_ =	shalt  }
0x66: {  	_ =	shalt  }
0x67: {  	_ =	shalt  }
0x68: {  	_ =	shalt  }
0x69: {  	_ =	shalt  }
0x6a: {  	_ =	shalt  }
0x6b: {  	_ =	shalt  }
0x6c: {  	_ =	shalt  }
0x6d: {  	_ =	shalt  }
0x6e: {  	_ =	shalt  }
0x6f: {  	_ =	shalt  }
0x70: {  	_ =	shalt  }
0x71: {  	_ =	shalt  }
0x72: {  	_ =	shalt  }
0x73: {  	_ =	shalt  }
0x74: {  	_ =	shalt  }
0x75: {  	_ =	shalt  }
0x76: {  	_ =	shalt  }
0x77: {  	_ =	shalt  }
0x78: {  	_ =	shalt  }
0x79: {  	_ =	shalt  }
0x7a: {  	_ =	shalt  }
0x7b: {  	_ =	shalt  }
0x7c: {  	_ =	shalt  }
0x7d: {  	_ =	shalt  }
0x7e: {  	_ =	shalt  }
0x7f: {  	_ =	shalt  }
0x80: {  	_ =	shalt  }
0x81: {  	_ =	shalt  }
0x82: {  	_ =	shalt  }
0x83: {  	_ =	shalt  }
0x84: {  	_ =	shalt  }
0x85: {  	_ =	shalt  }
0x86: {  	_ =	shalt  }
0x87: {  	_ =	shalt  }
.Lfunc_end0:
.L_simem_size_0:
called_computation_lowered:
.L_overlay_start_0:
0x88: {  	s2 =	sld [smem:$0x3FD9]  }
0x89: {  	s3 =	sld [smem:$0x3FFE];
	_ =	sdelay $0x1  }
0x8a: {  	s1 =	srdreg.scid  }
0x8b: {  	s0 =	sand.u32 $0x1, s1  }
0x8c: {  	s17 =	sshll.u32 s0, $0xA;
	s2 =	sadd.s32 s3, s2  }
0x8d: {  	s2 =	sadd.s32 s2, s17  }
0x8e: {  	[smem:$0x3FC6] =	sst s2  }
0x8f: {  	_ = 	snop  }
0x90: {  	s2 =	sld [smem:$0x3FC9]  }
0x91: {  	s18 =	sld [smem:$0x3FD0];
	(tm) =	ssettm $0x1  }
0x92: {  	s4 =	sld [smem:$0x3FFB];
	_ =	sdelay $0x3  }
0x93: {  	_ =	strace s4  }
0x94: {  	s4 =	sld [smem:$0x3FFC];
	_ =	sdelay $0x3  }
0x95: {  	_ =	strace s4  }
0x96: {  	s4 =	sld [smem:$0x3FFD];
	_ =	sdelay $0x3  }
0x97: {  	_ =	strace s4  }
0x98: {  	_ =	strace $0x8FFFFFFF  }
0x99: {  	s19 =	sld [smem:$0x3FDB];
	_ =	sdelay $0x1  }
0x9a: {  	s5 =	simm.s32 $_scs_section_size  }
0x9b: {  	s6 =	simm.s32 $_size__tile_overlayer_lowered;
	s7 =	simm.s32 $_tile_overlayer_lowered  }
0x9c: {  	s22 =	simm.s32 $0x1BFF;
	s21 =	sshll.u32 s7, $0x1;
	s4 =	sadd.s32 s5, s19  }
0x9d: {  	s8 =	simm.s32 $0x0;
	s20 =	sshll.u32 s6, $0x1;
	s6 =	sadd.s32 s21, s4  }
0x9e: {  	[timem:s8], [sflag:s22] =	dma.local [hbm:s6], s20  }
0x9f: {  	_ =	swait.ge [sflag:s22], s20  }
0xa0: {  	s5 =	ssub.s32 $0x0, s20;
	[sflag:s22] =	ssyncset.done $0x0  }
0xa1: {  	[sflag:s22] =	ssyncadd.s32 s5;
	_ =	sdelay $0x1  }
0xa2: {  	s23 =	simm.s32 $0x1B8B  }
0xa3: {  	_ =	swait.ge [sflag:s23], $0x1  }
0xa4: {  	[sflag:s23] =	ssyncset.done $0x0  }
0xa5: {  	s25 =	simm.s32 $0x1B8E;
	s24 =	sld [smem:$0x3FFE];
	[sflag:s23] =	ssyncadd.s32 $0xFFFFFFFF  }
0xa6: {  	s26 =	simm.s32 $execute0_lowered;
	[smem:$0x3FD2] =	sst s25  }
0xa7: {  	s6 =	sshll.u32 s26, $0x1;
	_ =	strace $0x80000046;
	[dreg:$0x1] =	wrdreg $0xFFFFFFFF  }
0xa8: {  	s28 =	simm.s32 $_size_execute0_lowered;
	s4 =	sadd.s32 s4, s6;
	[dreg:$0x0] =	wrdreg $0x0  }
0xa9: {  	s6 =	sshll.u32 s28, $0x1;
	[dreg:$0x2] =	wrdreg s4  }
0xaa: {  	[dreg:$0x3] =	wrdreg s6  }
0xab: {  	[dreg:$0x4] =	wrdreg $0xC0  }
0xac: {  	_ =	task [dreg:s8], $0x5FFFF  }
0xad: {  	[dreg:$0x1] =	wrdreg $0xFFFFFFFF  }
0xae: {  	[dreg:$0x0] =	wrdreg $0x60  }
0xaf: {  	[dreg:$0x2] =	wrdreg s2  }
0xb0: {  	[dreg:$0x3] =	wrdreg s24  }
0xb1: {  	[dreg:$0x4] =	wrdreg s18  }
0xb2: {  	[dreg:$0x5] =	wrdreg $0x9  }
0xb3: {  	_ =	task.clear_ibuf [dreg:s8], $0x6FFFF;
	_ =	strace $0x90000046  }
0xb4: {  	s29 =	simm.s32 $0x9;
	_ =	strace $0x80000048  }
0xb5: {  	_ =	swait.ge [sflag:s29], $0x1  }
0xb6: {  	[sflag:s29] =	ssyncadd.s32 $0xFFFFFFFF  }
0xb7: {  	_ =	strace $0x90000048  }
0xb8: {  	_ =	sfence  }
0xb9: {  	s30 =	sld [smem:$0x0];
	_ =	sdelay $0x2  }
0xba: {  	s31 =	sshll.u32 s1, $0xD;
	s1 =	sshrl.u32 s1, $0x2  }
0xbb: {  	s3 =	sand.u32 $0x4000, s31;
	s1 =	sadd.s32 s1, s30  }
0xbc: {  	s0 =	sor.u32 s3, s0;
	s1 =	sshll.u32 s1, $0x11  }
0xbd: {  	s0 =	sor.u32 s1, s0  }
0xbe: {  	s0 =	sadd.s32 $0x8F2B, s0  }
0xbf: {  	[sflag:s0] =	ssyncadd.remote.s32 $0x1  }
0xc0: {  	_ =	sfence.sel $0xFFFF  }
0xc1: {  	[dreg:$0x0] =	wrdreg $0xFFFFFFFF;
	(pc) =	sbr.abs _section_cstart, $3  }
0xc2: {  	[dreg:$0x1] =	wrdreg $0xFFFFFFFF  }
0xc3: {  	_ =	task.clear_ibuf [dreg:s8], $0x2FFFF;
	_ =	strace $0x9FFFFFFF  }
0xc4: {  	(tm) =	ssettm $0x7FFFFFFF  }
0xc5: {  	_ =	shalt  }
tec
execute0_lowered:
.L_overlay_start_1:
0x0: {  	(tag) =	ssettag $0x1  }
0x1: {  	s4 =	rddreg [dreg:$0x0]  }
0x2: {  	s3 =	rddreg [dreg:$0x1]  }
0x3: {  	s6 =	rddreg [dreg:$0x2];
	s2 =	srdreg.scid  }
0x4: {  	s0 =	rddreg [dreg:$0x3];
	s1 =	stileid.u32;
	s11 =	simm.s32 $0x5  }
0x5: {  	s12 =	simm.s32 $0x200;
	s13 =	simm.s32 $0x8200;
	s14 =	simm.s32 $0x1  }
0x6: {  	s15 =	simm.s32 $0x10200;
	s16 =	simm.s32 $0x2;
	s17 =	simm.s32 $0x4  }
0x7: {  	s18 =	simm.s32 $0x12200;
	s19 =	simm.s32 $0x3;
	s20 =	simm.s32 $0x0  }
0x8: {  	s5 =	sand.u32 $0x1, s2;
	s2 =	simm.s32 $0x0;
	s7 =	sshll.u32 s1, $0x9  }
0x9: {  	s3 =	sadd.s32 $0x400, s3;
	s8 =	sshll.u32 s5, $0x8;
	[smem:$0x7FF] =	sst s2  }
.Ltmp0:
0xa: {  	s5 =	ssub.s32 $0x2, s5;
	s7 =	sor.u32 s8, s7;
	(pc) =	sbr.rel .LBB2_1-.Ltmp0, $4  }
0xb: {  	_ =	strace $0x80000047;
	s9 =	sshrl.u32 s5, $0x1;
	s8 =	sshll.u32 s7, $0x8  }
0xc: {  	s9 =	ssub.s32 s5, s9;
	s7 =	sshll.u32 s7, $0x6;
	s4 =	sadd.s32 s4, s8  }
0xd: {  	s6 =	sadd.s32 s6, s7;
	s9 =	smax.u32 s9, $0x1;
	s5 =	sadd.s32 $0x1000, s4  }
0xe: {  	s7 =	sadd.s32 $0x2000, s4;
	s8 =	sadd.s32 $0x3000, s4;
	s10 =	sadd.s32 $0x400, s6  }
.LBB2_12:
0xf: {  	s20 =	sadd.s32 $0x1, s20  }
0x10: {  	_ =	swait.ge [sflag:s19], $0x2000;
	p0 =	sne.s32 s20, s9  }
.Ltmp1:
0x11: {  	[sflag:s19] =	ssyncset.done $0x0;
	(pc) =	sbr.rel @!p0 .LBB2_13-.Ltmp1, $4  }
0x12: {  	[sflag:s19] =	ssyncadd.s32 $0xFFFFE000  }
0x13: {  	_ =	swait.ge [sflag:s17], $0x2000  }
0x14: {  	[sflag:s17] =	ssyncset.done $0x0  }
0x15: {  	[sflag:s17] =	ssyncadd.s32 $0xFFFFE000  }
.LBB2_1:
0x16: {  	[tilespmem:s2], [sflag:$0x5] =	stream.linear.gather [hbm4b:s3+s2], $0x200, $0x38;
	[tilespmem:$0x14200] =	vst v63  }
0x17: {  	_ =	swait.ge [sflag:s11], $0x200  }
0x18: {  	[sflag:s11] =	ssyncset.done $0x0  }
0x19: {  	[sflag:s11] =	ssyncadd.s32 $0xFFFFFE00  }
0x1a: {  	v0 =	vld [tilespmem:$0x0];
	_ =	sdelay $0x4  }
0x1b: {  	v2 =	vshll.u32 v0, $0x3  }
0x1c: {  	v0 =	vand.u32 $0x7F, v0;
	v2 =	vand.u32 $0xFFFFFC00, v2  }
0x1d: {  	v1 =	vld [tilespmem:$0x10];
	v7 =	vor.u32 v0, v2  }
0x1e: {  	v2 =	vor.u32 $0x80, v7  }
0x1f: {  	v3 =	vld [tilespmem:$0x20];
	v5 =	vor.u32 $0x200, v7;
	[tilespmem:$0x1F080] =	vst v2  }
0x20: {  	v6 =	vor.u32 $0x300, v7;
	[tilespmem:$0x1F0B0] =	vst v5  }
0x21: {  	v4 =	vld [tilespmem:$0x30];
	v5 =	vor.u32 $0x280, v7;
	[tilespmem:$0x1F0D0] =	vst v6  }
0x22: {  	v0 =	vld [tilespmem:$0x40];
	v2 =	vor.u32 $0x100, v7;
	[tilespmem:$0x1F0C0] =	vst v5;
	v5 =	vshll.u32 v1, $0x3  }
0x23: {  	v6 =	vld [tilespmem:$0x60];
	[tilespmem:$0x1F090] =	vst v2;
	v2 =	vor.u32 $0x180, v7;
	v1 =	vand.u32 $0x7F, v1;
	v5 =	vand.u32 $0xFFFFFC00, v5  }
0x24: {  	[tilespmem:$0x1F0A0] =	vst v2;
	v2 =	vld [tilespmem:$0x50];
	v11 =	vor.u32 v1, v5;
	v1 =	vshll.u32 v3, $0x3  }
0x25: {  	v10 =	vld [tilespmem:$0xA0];
	[tilespmem:$0x1F0E0] =	vst v7;
	v7 =	vor.u32 $0x380, v7;
	v3 =	vand.u32 $0x7F, v3;
	v1 =	vand.u32 $0xFFFFFC00, v1  }
0x26: {  	[tilespmem:$0x1F0F0] =	vst v7;
	v7 =	vshll.u32 v4, $0x3;
	v5 =	vld [tilespmem:$0x70];
	v12 =	vor.u32 v3, v1;
	v1 =	vand.u32 $0x7F, v4  }
0x27: {  	v3 =	vand.u32 $0xFFFFFC00, v7;
	v7 =	vand.u32 $0x7F, v0;
	v0 =	vshll.u32 v0, $0x3  }
0x28: {  	v4 =	vld [tilespmem:$0x80];
	v0 =	vand.u32 $0xFFFFFC00, v0;
	v13 =	vor.u32 v1, v3  }
0x29: {  	v1 =	vand.u32 $0x7F, v6;
	v8 =	vshll.u32 v2, $0x3;
	v2 =	vand.u32 $0x7F, v2  }
0x2a: {  	v9 =	vld [tilespmem:$0x90];
	v14 =	vor.u32 v7, v0;
	v7 =	vshll.u32 v10, $0x3;
	v8 =	vand.u32 $0xFFFFFC00, v8  }
0x2b: {  	v0 =	vld [tilespmem:$0xB0];
	v3 =	vshll.u32 v5, $0x3;
	v5 =	vand.u32 $0x7F, v5;
	v7 =	vand.u32 $0xFFFFFC00, v7  }
0x2c: {  	v15 =	vor.u32 v2, v8;
	v2 =	vshll.u32 v6, $0x3;
	v3 =	vand.u32 $0xFFFFFC00, v3  }
0x2d: {  	v6 =	vld [tilespmem:$0xC0];
	v2 =	vand.u32 $0xFFFFFC00, v2;
	v17 =	vor.u32 v5, v3;
	v3 =	vand.u32 $0x7F, v4  }
0x2e: {  	v5 =	vand.u32 $0x7F, v10;
	v16 =	vor.u32 v1, v2;
	v1 =	vshll.u32 v4, $0x3;
	v2 =	vld [tilespmem:$0xD0]  }
0x2f: {  	v10 =	vld [tilespmem:$0x100];
	v4 =	vshll.u32 v9, $0x3;
	v20 =	vor.u32 v5, v7;
	v1 =	vand.u32 $0xFFFFFC00, v1  }
0x30: {  	v8 =	vshll.u32 v0, $0x3;
	v18 =	vor.u32 v3, v1;
	v3 =	vand.u32 $0xFFFFFC00, v4;
	v4 =	vld [tilespmem:$0xE0]  }
0x31: {  	v0 =	vand.u32 $0x7F, v0;
	v1 =	vand.u32 $0x7F, v9;
	v9 =	vld [tilespmem:$0xF0];
	v8 =	vand.u32 $0xFFFFFC00, v8  }
0x32: {  	v19 =	vor.u32 v1, v3;
	v21 =	vor.u32 v0, v8;
	v0 =	vld [tilespmem:$0x110];
	v3 =	vshll.u32 v6, $0x3  }
0x33: {  	v1 =	vand.u32 $0x7F, v6;
	v3 =	vand.u32 $0xFFFFFC00, v3;
	v5 =	vshll.u32 v2, $0x3  }
0x34: {  	v7 =	vshll.u32 v10, $0x3;
	v2 =	vand.u32 $0x7F, v2;
	v5 =	vand.u32 $0xFFFFFC00, v5  }
0x35: {  	v6 =	vld [tilespmem:$0x120];
	v22 =	vor.u32 v1, v3;
	v7 =	vand.u32 $0xFFFFFC00, v7;
	v23 =	vor.u32 v2, v5  }
0x36: {  	v1 =	vshll.u32 v4, $0x3;
	v2 =	vld [tilespmem:$0x130];
	v3 =	vand.u32 $0x7F, v4;
	v4 =	vshll.u32 v9, $0x3  }
0x37: {  	[tilespmem:$0x1FD40] =	vst v20;
	v5 =	vand.u32 $0x7F, v10;
	v10 =	vld [tilespmem:$0x160];
	v1 =	vand.u32 $0xFFFFFC00, v1;
	v8 =	vshll.u32 v0, $0x3  }
0x38: {  	[tilespmem:$0x1FD20] =	vst v19;
	v0 =	vand.u32 $0x7F, v0;
	v24 =	vor.u32 v3, v1;
	v3 =	vand.u32 $0xFFFFFC00, v4;
	v4 =	vld [tilespmem:$0x140]  }
0x39: {  	[tilespmem:$0x1FD60] =	vst v21;
	v26 =	vor.u32 v5, v7;
	v1 =	vand.u32 $0x7F, v9;
	v9 =	vld [tilespmem:$0x150];
	v8 =	vand.u32 $0xFFFFFC00, v8  }
0x3a: {  	[tilespmem:$0x1FD80] =	vst v22;
	v25 =	vor.u32 v1, v3;
	v27 =	vor.u32 v0, v8;
	v0 =	vld [tilespmem:$0x170];
	v3 =	vshll.u32 v6, $0x3  }
0x3b: {  	[tilespmem:$0x1FDA0] =	vst v23;
	v1 =	vand.u32 $0x7F, v6;
	v3 =	vand.u32 $0xFFFFFC00, v3;
	v5 =	vshll.u32 v2, $0x3  }
0x3c: {  	[tilespmem:$0x1FE00] =	vst v26;
	v2 =	vand.u32 $0x7F, v2;
	v7 =	vshll.u32 v10, $0x3;
	v5 =	vand.u32 $0xFFFFFC00, v5  }
0x3d: {  	v6 =	vld [tilespmem:$0x180];
	[tilespmem:$0x1FDC0] =	vst v24;
	v28 =	vor.u32 v1, v3;
	v7 =	vand.u32 $0xFFFFFC00, v7;
	v29 =	vor.u32 v2, v5  }
0x3e: {  	[tilespmem:$0x1FDE0] =	vst v25;
	v1 =	vshll.u32 v4, $0x3;
	v2 =	vld [tilespmem:$0x190];
	v3 =	vand.u32 $0x7F, v4;
	v4 =	vshll.u32 v9, $0x3  }
0x3f: {  	[tilespmem:$0x1FE20] =	vst v27;
	v5 =	vand.u32 $0x7F, v10;
	v10 =	vld [tilespmem:$0x1C0];
	v1 =	vand.u32 $0xFFFFFC00, v1;
	v8 =	vshll.u32 v0, $0x3  }
0x40: {  	[tilespmem:$0x1FE40] =	vst v28;
	v0 =	vand.u32 $0x7F, v0;
	v30 =	vor.u32 v3, v1;
	v3 =	vand.u32 $0xFFFFFC00, v4;
	v4 =	vld [tilespmem:$0x1A0]  }
0x41: {  	v32 =	vor.u32 v5, v7;
	[tilespmem:$0x1FE60] =	vst v29;
	v1 =	vand.u32 $0x7F, v9;
	v9 =	vld [tilespmem:$0x1B0];
	v8 =	vand.u32 $0xFFFFFC00, v8  }
0x42: {  	[tilespmem:$0x1FEC0] =	vst v32;
	v31 =	vor.u32 v1, v3;
	v33 =	vor.u32 v0, v8;
	v0 =	vld [tilespmem:$0x1D0];
	v3 =	vshll.u32 v6, $0x3  }
0x43: {  	v1 =	vand.u32 $0x7F, v6;
	[tilespmem:$0x1FE80] =	vst v30;
	v3 =	vand.u32 $0xFFFFFC00, v3;
	v5 =	vshll.u32 v2, $0x3  }
0x44: {  	[tilespmem:$0x1FEA0] =	vst v31;
	v2 =	vand.u32 $0x7F, v2;
	v60 =	vor.u32 v1, v3;
	v5 =	vand.u32 $0xFFFFFC00, v5  }
0x45: {  	v6 =	vld [tilespmem:$0x1E0];
	[tilespmem:$0x1FEE0] =	vst v33;
	v34 =	vor.u32 v2, v5;
	v1 =	vshll.u32 v4, $0x3;
	v3 =	vand.u32 $0x7F, v4  }
0x46: {  	[tilespmem:$0x1FF00] =	vst v60;
	v2 =	vld [tilespmem:$0x1F0];
	v4 =	vshll.u32 v9, $0x3;
	v5 =	vshll.u32 v10, $0x3;
	[tilespmem:s12], [sflag:$0x1] =	stream.linear.gather [hbm4b:s4+s2], $0x8000, $0x38;
	v1 =	vand.u32 $0xFFFFFC00, v1  }
0x47: {  	v7 =	vshll.u32 v0, $0x3;
	v5 =	vand.u32 $0xFFFFFC00, v5;
	v0 =	vand.u32 $0x7F, v0;
	[tilespmem:$0x1FF20] =	vst v34  }
0x48: {  	v35 =	vor.u32 v3, v1;
	v1 =	vand.u32 $0x7F, v9;
	v3 =	vand.u32 $0xFFFFFC00, v4;
	[tilespmem:s13], [sflag:$0x2] =	stream.linear.gather [hbm4b:s5+s2], $0x8000, $0x38;
	[tilespmem:$0x14200] =	vst v63  }
0x49: {  	v4 =	vand.u32 $0x7F, v10;
	v7 =	vand.u32 $0xFFFFFC00, v7;
	v61 =	vor.u32 v1, v3;
	[tilespmem:$0x1FF40] =	vst v35  }
0x4a: {  	v62 =	vor.u32 v4, v5;
	v63 =	vor.u32 v0, v7;
	v1 =	vshll.u32 v6, $0x3;
	[tilespmem:$0x1FF60] =	vst v61  }
0x4b: {  	v0 =	vand.u32 $0x7F, v6;
	v1 =	vand.u32 $0xFFFFFC00, v1;
	[tilespmem:$0x1FF80] =	vst v62;
	v3 =	vshll.u32 v2, $0x3  }
0x4c: {  	[tilespmem:$0x1FFA0] =	vst v63;
	v2 =	vand.u32 $0x7F, v2;
	v0 =	vor.u32 v0, v1;
	v3 =	vand.u32 $0xFFFFFC00, v3  }
0x4d: {  	[tilespmem:$0x1FFC0] =	vst v0;
	v1 =	vor.u32 v2, v3;
	v2 =	vor.u32 $0x80, v11  }
0x4e: {  	v4 =	vmov v12;
	[tilespmem:$0x1F100] =	vst v2  }
0x4f: {  	v2 =	vor.u32 $0x80, v4;
	[tilespmem:$0x1FFE0] =	vst v1  }
0x50: {  	[tilespmem:$0x1F110] =	vst v2;
	v2 =	vor.u32 $0x80, v13  }
0x51: {  	[tilespmem:$0x1F120] =	vst v2;
	v2 =	vor.u32 $0x80, v14  }
0x52: {  	v8 =	vmov v16;
	[tilespmem:$0x1F130] =	vst v2;
	v2 =	vor.u32 $0x80, v15  }
0x53: {  	v9 =	vmov v17;
	[tilespmem:$0x1F140] =	vst v2;
	v2 =	vor.u32 $0x80, v8  }
0x54: {  	v10 =	vmov v18;
	[tilespmem:$0x1F150] =	vst v2;
	v2 =	vor.u32 $0x80, v9  }
0x55: {  	[tilespmem:$0x1F160] =	vst v2;
	v2 =	vor.u32 $0x80, v10  }
0x56: {  	[tilespmem:$0x1F170] =	vst v2;
	v2 =	vor.u32 $0x80, v19  }
0x57: {  	[tilespmem:$0x1F180] =	vst v2;
	v2 =	vor.u32 $0x80, v20  }
0x58: {  	[tilespmem:$0x1F190] =	vst v2;
	v2 =	vor.u32 $0x80, v21  }
0x59: {  	[tilespmem:$0x1F1A0] =	vst v2;
	v2 =	vor.u32 $0x80, v22  }
0x5a: {  	[tilespmem:$0x1F1B0] =	vst v2;
	v2 =	vor.u32 $0x80, v23  }
0x5b: {  	[tilespmem:$0x1F1C0] =	vst v2;
	v2 =	vor.u32 $0x80, v24  }
0x5c: {  	[tilespmem:$0x1F1D0] =	vst v2;
	v2 =	vor.u32 $0x80, v25  }
0x5d: {  	[tilespmem:$0x1F1E0] =	vst v2;
	v2 =	vor.u32 $0x80, v26  }
0x5e: {  	[tilespmem:$0x1F1F0] =	vst v2;
	v2 =	vor.u32 $0x80, v27  }
0x5f: {  	[tilespmem:$0x1F200] =	vst v2;
	v2 =	vor.u32 $0x80, v28  }
0x60: {  	[tilespmem:$0x1F210] =	vst v2;
	v2 =	vor.u32 $0x80, v29  }
0x61: {  	[tilespmem:$0x1F220] =	vst v2;
	v2 =	vor.u32 $0x80, v30  }
0x62: {  	[tilespmem:$0x1F230] =	vst v2;
	v2 =	vor.u32 $0x80, v31  }
0x63: {  	[tilespmem:$0x1F240] =	vst v2;
	v2 =	vor.u32 $0x80, v32  }
0x64: {  	[tilespmem:$0x1F250] =	vst v2;
	v2 =	vor.u32 $0x80, v33  }
0x65: {  	[tilespmem:$0x1F260] =	vst v2;
	v2 =	vor.u32 $0x80, v60  }
0x66: {  	[tilespmem:$0x1F270] =	vst v2;
	v2 =	vor.u32 $0x80, v34  }
0x67: {  	[tilespmem:$0x1F280] =	vst v2;
	v2 =	vor.u32 $0x80, v35  }
0x68: {  	[tilespmem:$0x1F290] =	vst v2;
	v2 =	vor.u32 $0x80, v61  }
0x69: {  	[tilespmem:$0x1F2A0] =	vst v2;
	v2 =	vor.u32 $0x80, v62  }
0x6a: {  	[tilespmem:$0x1F2B0] =	vst v2;
	v2 =	vor.u32 $0x80, v63  }
0x6b: {  	[tilespmem:$0x1F2C0] =	vst v2;
	v2 =	vor.u32 $0x80, v0  }
0x6c: {  	[tilespmem:$0x1F2D0] =	vst v2;
	v2 =	vor.u32 $0x80, v1  }
0x6d: {  	[tilespmem:$0x1F2E0] =	vst v2;
	v2 =	vor.u32 $0x100, v11  }
0x6e: {  	[tilespmem:$0x1F2F0] =	vst v2;
	v2 =	vor.u32 $0x100, v4  }
0x6f: {  	[tilespmem:$0x1F300] =	vst v2;
	v2 =	vor.u32 $0x100, v13  }
0x70: {  	[tilespmem:$0x1F310] =	vst v2;
	v2 =	vor.u32 $0x100, v14  }
0x71: {  	[tilespmem:$0x1F320] =	vst v2;
	v2 =	vor.u32 $0x100, v15  }
0x72: {  	[tilespmem:$0x1F330] =	vst v2;
	v2 =	vor.u32 $0x100, v8  }
0x73: {  	[tilespmem:$0x1F340] =	vst v2;
	v2 =	vor.u32 $0x100, v9  }
0x74: {  	[tilespmem:$0x1F350] =	vst v2;
	v2 =	vor.u32 $0x100, v10  }
0x75: {  	[tilespmem:$0x1F360] =	vst v2;
	v2 =	vor.u32 $0x100, v19  }
0x76: {  	[tilespmem:$0x1F370] =	vst v2;
	v2 =	vor.u32 $0x100, v20  }
0x77: {  	[tilespmem:$0x1F380] =	vst v2;
	v2 =	vor.u32 $0x100, v21  }
0x78: {  	[tilespmem:$0x1F390] =	vst v2;
	v2 =	vor.u32 $0x100, v22  }
0x79: {  	[tilespmem:$0x1F3A0] =	vst v2;
	v2 =	vor.u32 $0x100, v23  }
0x7a: {  	[tilespmem:$0x1F3B0] =	vst v2;
	v2 =	vor.u32 $0x100, v24  }
0x7b: {  	[tilespmem:$0x1F3C0] =	vst v2;
	v2 =	vor.u32 $0x100, v25  }
0x7c: {  	[tilespmem:$0x1F3D0] =	vst v2;
	v2 =	vor.u32 $0x100, v26  }
0x7d: {  	[tilespmem:$0x1F3E0] =	vst v2;
	v2 =	vor.u32 $0x100, v27  }
0x7e: {  	[tilespmem:$0x1F3F0] =	vst v2;
	v2 =	vor.u32 $0x100, v28  }
0x7f: {  	[tilespmem:$0x1F400] =	vst v2;
	v2 =	vor.u32 $0x100, v29  }
0x80: {  	[tilespmem:$0x1F410] =	vst v2;
	v2 =	vor.u32 $0x100, v30  }
0x81: {  	[tilespmem:$0x1F420] =	vst v2;
	v2 =	vor.u32 $0x100, v31  }
0x82: {  	[tilespmem:$0x1F430] =	vst v2;
	v2 =	vor.u32 $0x100, v32  }
0x83: {  	[tilespmem:$0x1F440] =	vst v2;
	v2 =	vor.u32 $0x100, v33  }
0x84: {  	[tilespmem:$0x1F450] =	vst v2;
	v2 =	vor.u32 $0x100, v60  }
0x85: {  	[tilespmem:$0x1F460] =	vst v2;
	v2 =	vor.u32 $0x100, v34  }
0x86: {  	[tilespmem:$0x1F470] =	vst v2;
	v2 =	vor.u32 $0x100, v35  }
0x87: {  	[tilespmem:$0x1F480] =	vst v2;
	v2 =	vor.u32 $0x100, v61  }
0x88: {  	[tilespmem:$0x1F490] =	vst v2;
	v2 =	vor.u32 $0x100, v62  }
0x89: {  	[tilespmem:$0x1F4A0] =	vst v2;
	v2 =	vor.u32 $0x100, v63  }
0x8a: {  	[tilespmem:$0x1F4B0] =	vst v2;
	v2 =	vor.u32 $0x100, v0  }
0x8b: {  	[tilespmem:$0x1F4C0] =	vst v2;
	v2 =	vor.u32 $0x100, v1  }
0x8c: {  	[tilespmem:$0x1F4D0] =	vst v2;
	v2 =	vor.u32 $0x180, v11  }
0x8d: {  	[tilespmem:$0x1F4E0] =	vst v2;
	v2 =	vor.u32 $0x180, v4  }
0x8e: {  	[tilespmem:$0x1F4F0] =	vst v2;
	v2 =	vor.u32 $0x180, v13  }
0x8f: {  	[tilespmem:$0x1F500] =	vst v2;
	v2 =	vor.u32 $0x180, v14  }
0x90: {  	[tilespmem:$0x1F510] =	vst v2;
	v2 =	vor.u32 $0x180, v15  }
0x91: {  	[tilespmem:$0x1F520] =	vst v2;
	v2 =	vor.u32 $0x180, v8  }
0x92: {  	[tilespmem:$0x1F530] =	vst v2;
	v2 =	vor.u32 $0x180, v9  }
0x93: {  	[tilespmem:$0x1F540] =	vst v2;
	v2 =	vor.u32 $0x180, v10  }
0x94: {  	[tilespmem:$0x1F550] =	vst v2;
	v2 =	vor.u32 $0x180, v19  }
0x95: {  	[tilespmem:$0x1F560] =	vst v2;
	v2 =	vor.u32 $0x180, v20  }
0x96: {  	[tilespmem:$0x1F570] =	vst v2;
	v2 =	vor.u32 $0x180, v21  }
0x97: {  	[tilespmem:$0x1F580] =	vst v2;
	v2 =	vor.u32 $0x180, v22  }
0x98: {  	[tilespmem:$0x1F590] =	vst v2;
	v2 =	vor.u32 $0x180, v23  }
0x99: {  	[tilespmem:$0x1F5A0] =	vst v2;
	v2 =	vor.u32 $0x180, v24  }
0x9a: {  	[tilespmem:$0x1F5B0] =	vst v2;
	v2 =	vor.u32 $0x180, v25  }
0x9b: {  	[tilespmem:$0x1F5C0] =	vst v2;
	v2 =	vor.u32 $0x180, v26  }
0x9c: {  	[tilespmem:$0x1F5D0] =	vst v2;
	v2 =	vor.u32 $0x180, v27  }
0x9d: {  	[tilespmem:$0x1F5E0] =	vst v2;
	v2 =	vor.u32 $0x180, v28  }
0x9e: {  	[tilespmem:$0x1F5F0] =	vst v2;
	v2 =	vor.u32 $0x180, v29  }
0x9f: {  	[tilespmem:$0x1F600] =	vst v2;
	v2 =	vor.u32 $0x180, v30  }
0xa0: {  	[tilespmem:$0x1F610] =	vst v2;
	v2 =	vor.u32 $0x180, v31  }
0xa1: {  	[tilespmem:$0x1F620] =	vst v2;
	v2 =	vor.u32 $0x180, v32  }
0xa2: {  	[tilespmem:$0x1F630] =	vst v2;
	v2 =	vor.u32 $0x180, v33  }
0xa3: {  	[tilespmem:$0x1F640] =	vst v2;
	v2 =	vor.u32 $0x180, v60  }
0xa4: {  	[tilespmem:$0x1F650] =	vst v2;
	v2 =	vor.u32 $0x180, v34  }
0xa5: {  	[tilespmem:$0x1F660] =	vst v2;
	v2 =	vor.u32 $0x180, v35  }
0xa6: {  	[tilespmem:$0x1F670] =	vst v2;
	v2 =	vor.u32 $0x180, v61  }
0xa7: {  	[tilespmem:$0x1F680] =	vst v2;
	v2 =	vor.u32 $0x180, v62  }
0xa8: {  	[tilespmem:$0x1F690] =	vst v2;
	v2 =	vor.u32 $0x180, v63  }
0xa9: {  	[tilespmem:$0x1F6A0] =	vst v2;
	v2 =	vor.u32 $0x180, v0  }
0xaa: {  	[tilespmem:$0x1F6B0] =	vst v2;
	v2 =	vor.u32 $0x180, v1  }
0xab: {  	[tilespmem:$0x1F6C0] =	vst v2;
	v2 =	vor.u32 $0x200, v11  }
0xac: {  	[tilespmem:$0x1F6D0] =	vst v2;
	v2 =	vor.u32 $0x200, v4  }
0xad: {  	[tilespmem:$0x1F6E0] =	vst v2;
	v2 =	vor.u32 $0x200, v13  }
0xae: {  	[tilespmem:$0x1F6F0] =	vst v2;
	v2 =	vor.u32 $0x200, v14  }
0xaf: {  	[tilespmem:$0x1F700] =	vst v2;
	v2 =	vor.u32 $0x200, v15  }
0xb0: {  	[tilespmem:$0x1F710] =	vst v2;
	v2 =	vor.u32 $0x200, v8  }
0xb1: {  	[tilespmem:$0x1F720] =	vst v2;
	v2 =	vor.u32 $0x200, v9  }
0xb2: {  	[tilespmem:$0x1F730] =	vst v2;
	v2 =	vor.u32 $0x200, v10  }
0xb3: {  	[tilespmem:$0x1F740] =	vst v2;
	v2 =	vor.u32 $0x200, v19  }
0xb4: {  	[tilespmem:$0x1F750] =	vst v2;
	v2 =	vor.u32 $0x200, v20  }
0xb5: {  	[tilespmem:$0x1F760] =	vst v2;
	v2 =	vor.u32 $0x200, v21  }
0xb6: {  	[tilespmem:$0x1F770] =	vst v2;
	v2 =	vor.u32 $0x200, v22  }
0xb7: {  	[tilespmem:$0x1F780] =	vst v2;
	v2 =	vor.u32 $0x200, v23  }
0xb8: {  	[tilespmem:$0x1F790] =	vst v2;
	v2 =	vor.u32 $0x200, v24  }
0xb9: {  	[tilespmem:$0x1F7A0] =	vst v2;
	v2 =	vor.u32 $0x200, v25  }
0xba: {  	[tilespmem:$0x1F7B0] =	vst v2;
	v2 =	vor.u32 $0x200, v26  }
0xbb: {  	[tilespmem:$0x1F7C0] =	vst v2;
	v2 =	vor.u32 $0x200, v27  }
0xbc: {  	[tilespmem:$0x1F7D0] =	vst v2;
	v2 =	vor.u32 $0x200, v28  }
0xbd: {  	[tilespmem:$0x1F7E0] =	vst v2;
	v2 =	vor.u32 $0x200, v29  }
0xbe: {  	[tilespmem:$0x1F7F0] =	vst v2;
	v2 =	vor.u32 $0x200, v30  }
0xbf: {  	[tilespmem:$0x1F800] =	vst v2;
	v2 =	vor.u32 $0x200, v31  }
0xc0: {  	[tilespmem:$0x1F810] =	vst v2;
	v2 =	vor.u32 $0x200, v32  }
0xc1: {  	[tilespmem:$0x1F820] =	vst v2;
	v2 =	vor.u32 $0x200, v33  }
0xc2: {  	[tilespmem:$0x1F830] =	vst v2;
	v2 =	vor.u32 $0x200, v60  }
0xc3: {  	[tilespmem:$0x1F840] =	vst v2;
	v2 =	vor.u32 $0x200, v34  }
0xc4: {  	[tilespmem:$0x1F850] =	vst v2;
	v2 =	vor.u32 $0x200, v35  }
0xc5: {  	[tilespmem:$0x1F860] =	vst v2;
	v2 =	vor.u32 $0x200, v61  }
0xc6: {  	[tilespmem:$0x1F870] =	vst v2;
	v2 =	vor.u32 $0x200, v62  }
0xc7: {  	[tilespmem:$0x1F880] =	vst v2;
	v2 =	vor.u32 $0x200, v63  }
0xc8: {  	[tilespmem:$0x1F890] =	vst v2;
	v2 =	vor.u32 $0x200, v0  }
0xc9: {  	[tilespmem:$0x1F8A0] =	vst v2;
	v2 =	vor.u32 $0x200, v1  }
0xca: {  	[tilespmem:$0x1F8B0] =	vst v2;
	v2 =	vor.u32 $0x280, v11  }
0xcb: {  	[tilespmem:$0x1F8C0] =	vst v2;
	v2 =	vor.u32 $0x280, v4  }
0xcc: {  	[tilespmem:$0x1F8D0] =	vst v2;
	v2 =	vor.u32 $0x280, v13  }
0xcd: {  	[tilespmem:$0x1F8E0] =	vst v2;
	v2 =	vor.u32 $0x280, v14  }
0xce: {  	[tilespmem:$0x1F8F0] =	vst v2;
	v2 =	vor.u32 $0x280, v15  }
0xcf: {  	[tilespmem:$0x1F900] =	vst v2;
	v2 =	vor.u32 $0x280, v8  }
0xd0: {  	[tilespmem:$0x1F910] =	vst v2;
	v2 =	vor.u32 $0x280, v9  }
0xd1: {  	[tilespmem:$0x1F920] =	vst v2;
	v2 =	vor.u32 $0x280, v10  }
0xd2: {  	[tilespmem:$0x1F930] =	vst v2;
	v2 =	vor.u32 $0x280, v19  }
0xd3: {  	[tilespmem:$0x1F940] =	vst v2;
	v2 =	vor.u32 $0x280, v20  }
0xd4: {  	[tilespmem:$0x1F950] =	vst v2;
	v2 =	vor.u32 $0x280, v21  }
0xd5: {  	[tilespmem:$0x1F960] =	vst v2;
	v2 =	vor.u32 $0x280, v22  }
0xd6: {  	[tilespmem:$0x1F970] =	vst v2;
	v2 =	vor.u32 $0x280, v23  }
0xd7: {  	[tilespmem:$0x1F980] =	vst v2;
	v2 =	vor.u32 $0x280, v24  }
0xd8: {  	[tilespmem:$0x1F990] =	vst v2;
	v2 =	vor.u32 $0x280, v25  }
0xd9: {  	[tilespmem:$0x1F9A0] =	vst v2;
	v2 =	vor.u32 $0x280, v26  }
0xda: {  	[tilespmem:$0x1F9B0] =	vst v2;
	v2 =	vor.u32 $0x280, v27  }
0xdb: {  	[tilespmem:$0x1F9C0] =	vst v2;
	v2 =	vor.u32 $0x280, v28  }
0xdc: {  	[tilespmem:$0x1F9D0] =	vst v2;
	v2 =	vor.u32 $0x280, v29  }
0xdd: {  	[tilespmem:$0x1F9E0] =	vst v2;
	v2 =	vor.u32 $0x280, v30  }
0xde: {  	[tilespmem:$0x1F9F0] =	vst v2;
	v2 =	vor.u32 $0x280, v31  }
0xdf: {  	[tilespmem:$0x1FA00] =	vst v2;
	v2 =	vor.u32 $0x280, v32  }
0xe0: {  	[tilespmem:$0x1FA10] =	vst v2;
	v2 =	vor.u32 $0x280, v33  }
0xe1: {  	[tilespmem:$0x1FA20] =	vst v2;
	v2 =	vor.u32 $0x280, v60  }
0xe2: {  	[tilespmem:$0x1FA30] =	vst v2;
	v2 =	vor.u32 $0x280, v34  }
0xe3: {  	[tilespmem:$0x1FA40] =	vst v2;
	v2 =	vor.u32 $0x280, v35  }
0xe4: {  	[tilespmem:$0x1FA50] =	vst v2;
	v2 =	vor.u32 $0x280, v61  }
0xe5: {  	[tilespmem:$0x1FA60] =	vst v2;
	v2 =	vor.u32 $0x280, v62  }
0xe6: {  	[tilespmem:$0x1FA70] =	vst v2;
	v2 =	vor.u32 $0x280, v63  }
0xe7: {  	[tilespmem:$0x1FA80] =	vst v2;
	v2 =	vor.u32 $0x280, v0  }
0xe8: {  	[tilespmem:$0x1FA90] =	vst v2;
	v2 =	vor.u32 $0x280, v1  }
0xe9: {  	[tilespmem:$0x1FAA0] =	vst v2;
	v2 =	vor.u32 $0x300, v11  }
0xea: {  	[tilespmem:$0x1FAB0] =	vst v2;
	v2 =	vor.u32 $0x300, v4  }
0xeb: {  	[tilespmem:$0x1FAC0] =	vst v2;
	v2 =	vor.u32 $0x300, v13  }
0xec: {  	[tilespmem:$0x1FAD0] =	vst v2;
	v2 =	vor.u32 $0x300, v14  }
0xed: {  	[tilespmem:$0x1FAE0] =	vst v2;
	v2 =	vor.u32 $0x300, v15  }
0xee: {  	[tilespmem:$0x1FAF0] =	vst v2;
	v2 =	vor.u32 $0x300, v8  }
0xef: {  	[tilespmem:$0x1FB00] =	vst v2;
	v2 =	vor.u32 $0x300, v9  }
0xf0: {  	[tilespmem:$0x1FB10] =	vst v2;
	v2 =	vor.u32 $0x300, v10  }
0xf1: {  	[tilespmem:$0x1FB20] =	vst v2;
	v2 =	vor.u32 $0x300, v19  }
0xf2: {  	[tilespmem:$0x1FB30] =	vst v2;
	v2 =	vor.u32 $0x300, v20  }
0xf3: {  	[tilespmem:$0x1FB40] =	vst v2;
	v2 =	vor.u32 $0x300, v21  }
0xf4: {  	[tilespmem:$0x1FB50] =	vst v2;
	v2 =	vor.u32 $0x300, v22  }
0xf5: {  	[tilespmem:$0x1FB60] =	vst v2;
	v2 =	vor.u32 $0x300, v23  }
0xf6: {  	[tilespmem:$0x1FB70] =	vst v2;
	v2 =	vor.u32 $0x300, v24  }
0xf7: {  	[tilespmem:$0x1FB80] =	vst v2;
	v2 =	vor.u32 $0x300, v25  }
0xf8: {  	[tilespmem:$0x1FB90] =	vst v2;
	v2 =	vor.u32 $0x300, v26  }
0xf9: {  	[tilespmem:$0x1FBA0] =	vst v2;
	v2 =	vor.u32 $0x300, v27  }
0xfa: {  	[tilespmem:$0x1FBB0] =	vst v2;
	v2 =	vor.u32 $0x300, v28  }
0xfb: {  	[tilespmem:$0x1FBC0] =	vst v2;
	v2 =	vor.u32 $0x300, v29  }
0xfc: {  	[tilespmem:$0x1FBD0] =	vst v2;
	v2 =	vor.u32 $0x300, v30  }
0xfd: {  	[tilespmem:$0x1FBE0] =	vst v2;
	v2 =	vor.u32 $0x300, v31  }
0xfe: {  	[tilespmem:$0x1FBF0] =	vst v2;
	v2 =	vor.u32 $0x300, v32  }
0xff: {  	[tilespmem:$0x1FC00] =	vst v2;
	v2 =	vor.u32 $0x300, v33  }
0x100: {  	[tilespmem:$0x1FC10] =	vst v2;
	v2 =	vor.u32 $0x300, v60  }
0x101: {  	[tilespmem:$0x1FC20] =	vst v2;
	v2 =	vor.u32 $0x300, v34  }
0x102: {  	[tilespmem:$0x1FC30] =	vst v2;
	v2 =	vor.u32 $0x300, v35  }
0x103: {  	[tilespmem:$0x1FC40] =	vst v2;
	v2 =	vor.u32 $0x300, v61  }
0x104: {  	[tilespmem:$0x1FC50] =	vst v2;
	v2 =	vor.u32 $0x300, v62  }
0x105: {  	[tilespmem:$0x1FC60] =	vst v2;
	v2 =	vor.u32 $0x300, v63  }
0x106: {  	[tilespmem:$0x1FC70] =	vst v2;
	v2 =	vor.u32 $0x300, v0  }
0x107: {  	v0 =	vor.u32 $0x380, v0;
	[tilespmem:$0x1FC80] =	vst v2  }
0x108: {  	v2 =	vor.u32 $0x300, v1;
	[tilespmem:$0x1FFD0] =	vst v0  }
0x109: {  	v0 =	vor.u32 $0x380, v1;
	[tilespmem:$0x1FC90] =	vst v2  }
0x10a: {  	v2 =	vor.u32 $0x380, v11;
	[tilespmem:$0x1FFF0] =	vst v0  }
0x10b: {  	[tilespmem:$0x1FCA0] =	vst v2;
	v2 =	vor.u32 $0x380, v4  }
0x10c: {  	[tilespmem:$0x1FCB0] =	vst v2;
	v2 =	vor.u32 $0x380, v13  }
0x10d: {  	[tilespmem:$0x1FCC0] =	vst v2;
	v2 =	vor.u32 $0x380, v14  }
0x10e: {  	[tilespmem:$0x1FCD0] =	vst v2;
	v2 =	vor.u32 $0x380, v15  }
0x10f: {  	[tilespmem:$0x1FCE0] =	vst v2;
	v2 =	vor.u32 $0x380, v8  }
0x110: {  	[tilespmem:$0x1FCF0] =	vst v2;
	v2 =	vor.u32 $0x380, v9  }
0x111: {  	[tilespmem:$0x1FD00] =	vst v2;
	v2 =	vor.u32 $0x380, v10  }
0x112: {  	[tilespmem:$0x1FD10] =	vst v2;
	v2 =	vor.u32 $0x380, v19  }
0x113: {  	[tilespmem:$0x1FD30] =	vst v2;
	v2 =	vor.u32 $0x380, v20  }
0x114: {  	[tilespmem:$0x1FD50] =	vst v2;
	v2 =	vor.u32 $0x380, v21  }
0x115: {  	[tilespmem:$0x1FD70] =	vst v2;
	v2 =	vor.u32 $0x380, v22  }
0x116: {  	[tilespmem:$0x1FD90] =	vst v2;
	v2 =	vor.u32 $0x380, v23  }
0x117: {  	[tilespmem:$0x1FDB0] =	vst v2;
	v2 =	vor.u32 $0x380, v24  }
0x118: {  	[tilespmem:$0x1FDD0] =	vst v2;
	v2 =	vor.u32 $0x380, v25  }
0x119: {  	[tilespmem:$0x1FDF0] =	vst v2;
	v2 =	vor.u32 $0x380, v26  }
0x11a: {  	[tilespmem:$0x1FE10] =	vst v2;
	v2 =	vor.u32 $0x380, v27  }
0x11b: {  	[tilespmem:$0x1FE30] =	vst v2;
	v2 =	vor.u32 $0x380, v28  }
0x11c: {  	[tilespmem:$0x1FE50] =	vst v2;
	v2 =	vor.u32 $0x380, v29  }
0x11d: {  	[tilespmem:$0x1FE70] =	vst v2;
	v2 =	vor.u32 $0x380, v30  }
0x11e: {  	[tilespmem:$0x1FE90] =	vst v2;
	v2 =	vor.u32 $0x380, v31  }
0x11f: {  	[tilespmem:$0x1FEB0] =	vst v2;
	v2 =	vor.u32 $0x380, v32  }
0x120: {  	[tilespmem:$0x1FED0] =	vst v2;
	v2 =	vor.u32 $0x380, v33  }
0x121: {  	[tilespmem:$0x1FEF0] =	vst v2;
	v2 =	vor.u32 $0x380, v60  }
0x122: {  	[tilespmem:$0x1FF10] =	vst v2;
	v2 =	vor.u32 $0x380, v34  }
0x123: {  	[tilespmem:$0x1FF30] =	vst v2;
	v2 =	vor.u32 $0x380, v35  }
0x124: {  	[tilespmem:$0x1FF50] =	vst v2;
	v2 =	vor.u32 $0x380, v61  }
0x125: {  	[tilespmem:$0x1FF70] =	vst v2;
	v2 =	vor.u32 $0x380, v62  }
0x126: {  	[tilespmem:$0x1FF90] =	vst v2;
	v2 =	vor.u32 $0x380, v63  }
0x127: {  	s21 =	simm.s32 $0x0;
	v6 =	vmovc v14;
	v5 =	vmov v13;
	v7 =	vmov v15;
	v3 =	vmov v11;
	[tilespmem:$0x1FFB0] =	vst v2  }
.LBB2_2:
0x128: {  	_ =	swait.ge [sflag:s14], $0x8000  }
0x129: {  	p0 =	seq.s32 s21, $0x0;
	[sflag:s14] =	ssyncset.done $0x0  }
0x12a: {  	s23 =	simm.s32 @!p0 $0x3;
	[sflag:s14] =	ssyncadd.s32 $0xFFFF8000  }
0x12b: {  	_ =	swait.ge @!p0 [sflag:s23], $0x2000  }
0x12c: {  	v52 =	vld [tilespmem:$0x1F990]  }
0x12d: {  	v53 =	vld [tilespmem:$0x1F9A0]  }
0x12e: {  	v54 =	vld [tilespmem:$0x1F9B0]  }
0x12f: {  	v55 =	vld [tilespmem:$0x1F9C0]  }
0x130: {  	v56 =	vld [tilespmem:$0x1F9D0]  }
0x131: {  	v57 =	vld [tilespmem:$0x1F9E0]  }
0x132: {  	v58 =	vld [tilespmem:$0x1F9F0]  }
0x133: {  	v59 =	vld [tilespmem:$0x1FA00]  }
0x134: {  	v60 =	vld [tilespmem:$0x1FA10]  }
0x135: {  	v61 =	vld [tilespmem:$0x1FA20]  }
0x136: {  	v62 =	vld [tilespmem:$0x1FA30]  }
0x137: {  	v63 =	vld [tilespmem:$0x1FA40]  }
0x138: {  	v11 =	vld [tilespmem:$0x1FA50]  }
0x139: {  	v12 =	vld [tilespmem:$0x1FA60]  }
0x13a: {  	v13 =	vld [tilespmem:$0x1FA70]  }
0x13b: {  	v14 =	vld [tilespmem:$0x1FA80]  }
0x13c: {  	v15 =	vld [tilespmem:$0x1FA90]  }
0x13d: {  	v16 =	vld [tilespmem:$0x1FAA0]  }
0x13e: {  	v17 =	vld [tilespmem:$0x1FAB0]  }
0x13f: {  	v18 =	vld [tilespmem:$0x1FAC0]  }
0x140: {  	v27 =	vld [tilespmem:$0x1FAD0]  }
0x141: {  	v28 =	vld [tilespmem:$0x1FAE0]  }
0x142: {  	v29 =	vld [tilespmem:$0x1FAF0]  }
0x143: {  	v30 =	vld [tilespmem:$0x1FB00]  }
0x144: {  	v31 =	vld [tilespmem:$0x1FB10]  }
0x145: {  	v32 =	vld [tilespmem:$0x1FB20]  }
0x146: {  	v33 =	vld [tilespmem:$0x1FB30]  }
0x147: {  	v34 =	vld [tilespmem:$0x1FB40]  }
0x148: {  	v35 =	vld [tilespmem:$0x1FB50]  }
0x149: {  	v36 =	vld [tilespmem:$0x1FB60]  }
0x14a: {  	v39 =	vld [tilespmem:$0x1FB70]  }
0x14b: {  	v40 =	vld [tilespmem:$0x1FB80]  }
0x14c: {  	v41 =	vld [tilespmem:$0x1FB90]  }
0x14d: {  	v42 =	vld [tilespmem:$0x1FBA0]  }
0x14e: {  	v43 =	vld [tilespmem:$0x1FBB0]  }
0x14f: {  	v37 =	vld [tilespmem:$0x1FBC0]  }
0x150: {  	v44 =	vld [tilespmem:$0x1FBD0]  }
0x151: {  	v38 =	vld [tilespmem:$0x1FBE0]  }
0x152: {  	v45 =	vld [tilespmem:$0x1FBF0]  }
0x153: {  	v46 =	vld [tilespmem:$0x1FC00]  }
0x154: {  	v47 =	vld [tilespmem:$0x1FC10]  }
0x155: {  	v48 =	vld [tilespmem:$0x1FC20]  }
0x156: {  	s22 =	sshll.u32 s21, $0xD;
	[sflag:s23] =	ssyncset.done @!p0 $0x0;
	v49 =	vld [tilespmem:$0x1FC30]  }
0x157: {  	p1 =	por $0x1, $0x1;
	v50 =	vld [tilespmem:$0x1FC40];
	[sflag:s23] =	ssyncadd.s32 @!p0 $0xFFFFE000;
	s23 =	simm.s32 $0x0  }
.LBB2_3:
0x158: {  	v1 =	vmov s23;
	v0 =	vld [tilespmem:$0x1F0E0]  }
0x159: {  	v1 =	vshrl.u32 v1, $0x3  }
0x15a: {  	v1 =	vshll.u32 v1, $0xE  }
0x15b: {  	v1 =	vbroadcast v1, $0x0;
	_ =	sdelay $0x1  }
0x15c: {  	v2 =	vadd.s32 v0, v1;
	_ =	sdelay $0x4  }
0x15d: {  	v2 =	vld.idx.msk [tilespmem:v2+s12+$0x0], $0xffff  }
0x15e: {  	v19 =	vmov v3;
	v3 =	vadd.s32 v3, v1;
	_ =	sdelay $0x1  }
0x15f: {  	s31 =	sshll.u32 s23, $0x9  }
0x160: {  	s23 =	sand.u32 $0x3FFFFE00, s31  }
0x161: {  	[tilespmem:s23+$0x10200] =	vst v2  }
0x162: {  	v2 =	vld.idx.msk [tilespmem:v3+s12+$0x0], $0xffff  }
0x163: {  	v3 =	vadd.s32 v4, v1;
	_ =	sdelay $0x3  }
0x164: {  	[tilespmem:s23+$0x10210] =	vst v2  }
0x165: {  	v2 =	vld.idx.msk [tilespmem:v3+s12+$0x0], $0xffff  }
0x166: {  	v3 =	vadd.s32 v5, v1;
	_ =	sdelay $0x3  }
0x167: {  	[tilespmem:s23+$0x10220] =	vst v2  }
0x168: {  	v2 =	vld.idx.msk [tilespmem:v3+s12+$0x0], $0xffff  }
0x169: {  	v3 =	vadd.s32 v6, v1;
	_ =	sdelay $0x3  }
0x16a: {  	[tilespmem:s23+$0x10230] =	vst v2  }
0x16b: {  	v2 =	vld.idx.msk [tilespmem:v3+s12+$0x0], $0xffff  }
0x16c: {  	v3 =	vadd.s32 v7, v1;
	_ =	sdelay $0x1  }
0x16d: {  	v0 =	vld [tilespmem:$0x1F080];
	_ =	sdelay $0x1  }
0x16e: {  	[tilespmem:s23+$0x10240] =	vst v2  }
0x16f: {  	v2 =	vld.idx.msk [tilespmem:v3+s12+$0x0], $0xffff  }
0x170: {  	v3 =	vadd.s32 v8, v1  }
0x171: {  	v20 =	vmov v4;
	v4 =	vadd.s32 v0, v1  }
0x172: {  	v0 =	vld [tilespmem:$0x1F100];
	_ =	sdelay $0x1  }
0x173: {  	[tilespmem:s23+$0x10250] =	vst v2  }
0x174: {  	v2 =	vld.idx.msk [tilespmem:v3+s12+$0x0], $0xffff  }
0x175: {  	v3 =	vld.idx.msk [tilespmem:v4+s12+$0x0], $0xffff  }
0x176: {  	v4 =	vadd.s32 v0, v1  }
0x177: {  	v0 =	vld [tilespmem:$0x1F110];
	_ =	sdelay $0x2  }
0x178: {  	[tilespmem:s23+$0x10280] =	vst v3  }
0x179: {  	v3 =	vld.idx.msk [tilespmem:v4+s12+$0x0], $0xffff  }
0x17a: {  	v4 =	vadd.s32 v0, v1  }
0x17b: {  	v0 =	vld [tilespmem:$0x1F120];
	_ =	sdelay $0x2  }
0x17c: {  	[tilespmem:s23+$0x10290] =	vst v3  }
0x17d: {  	v3 =	vld.idx.msk [tilespmem:v4+s12+$0x0], $0xffff  }
0x17e: {  	v4 =	vadd.s32 v0, v1  }
0x17f: {  	v0 =	vld [tilespmem:$0x1F130];
	_ =	sdelay $0x2  }
0x180: {  	[tilespmem:s23+$0x102A0] =	vst v3  }
0x181: {  	v3 =	vld.idx.msk [tilespmem:v4+s12+$0x0], $0xffff  }
0x182: {  	v4 =	vadd.s32 v0, v1  }
0x183: {  	v0 =	vld [tilespmem:$0x1F140];
	_ =	sdelay $0x2  }
0x184: {  	[tilespmem:s23+$0x102B0] =	vst v3  }
0x185: {  	v3 =	vld.idx.msk [tilespmem:v4+s12+$0x0], $0xffff  }
0x186: {  	v4 =	vadd.s32 v0, v1  }
0x187: {  	v0 =	vld [tilespmem:$0x1F150];
	_ =	sdelay $0x2  }
0x188: {  	[tilespmem:s23+$0x102C0] =	vst v3  }
0x189: {  	v3 =	vld.idx.msk [tilespmem:v4+s12+$0x0], $0xffff  }
0x18a: {  	v4 =	vadd.s32 v0, v1;
	_ =	sdelay $0x3  }
0x18b: {  	v0 =	vld [tilespmem:$0x1F160];
	[tilespmem:s23+$0x102D0] =	vst v3  }
0x18c: {  	v4 =	vld.idx.msk [tilespmem:v4+s12+$0x0], $0xffff;
	_ =	sdelay $0x2  }
0x18d: {  	v3 =	vadd.s32 v9, v1  }
0x18e: {  	v0 =	vadd.s32 v0, v1  }
0x18f: {  	[tilespmem:s23+$0x102E0] =	vst v4;
	v4 =	vld [tilespmem:$0x1F170];
	_ =	sdelay $0x1  }
0x190: {  	[tilespmem:s23+$0x10260] =	vst v2  }
0x191: {  	v2 =	vld.idx.msk [tilespmem:v3+s12+$0x0], $0xffff  }
0x192: {  	v3 =	vadd.s32 v10, v1;
	v0 =	vld.idx.msk [tilespmem:v0+s12+$0x0], $0xffff  }
0x193: {  	v4 =	vadd.s32 v4, v1;
	_ =	sdelay $0x2  }
0x194: {  	[tilespmem:s23+$0x10270] =	vst v2  }
0x195: {  	v2 =	vld.idx.msk [tilespmem:v3+s12+$0x0], $0xffff;
	[tilespmem:s23+$0x102F0] =	vst v0  }
0x196: {  	v3 =	vld.idx.msk [tilespmem:v4+s12+$0x0], $0xffff  }
0x197: {  	v4 =	vld [tilespmem:$0x1F180];
	_ =	sdelay $0x1  }
0x198: {  	v0 =	vld [tilespmem:$0x1FD20];
	_ =	sdelay $0x2  }
0x199: {  	v4 =	vadd.s32 v4, v1;
	_ =	sdelay $0x1  }
0x19a: {  	v0 =	vadd.s32 v0, v1  }
0x19b: {  	[tilespmem:s23+$0x10600] =	vst v2;
	v2 =	vld [tilespmem:$0x1FD40]  }
0x19c: {  	[tilespmem:s23+$0x10680] =	vst v3  }
0x19d: {  	v3 =	vld.idx.msk [tilespmem:v4+s12+$0x0], $0xffff  }
0x19e: {  	v4 =	vld [tilespmem:$0x1F190]  }
0x19f: {  	v0 =	vld.idx.msk [tilespmem:v0+s12+$0x0], $0xffff  }
0x1a0: {  	v2 =	vadd.s32 v2, v1;
	_ =	sdelay $0x2  }
0x1a1: {  	v4 =	vadd.s32 v4, v1  }
0x1a2: {  	[tilespmem:s23+$0x10610] =	vst v0  }
0x1a3: {  	v0 =	vld.idx.msk [tilespmem:v2+s12+$0x0], $0xffff  }
0x1a4: {  	v2 =	vld [tilespmem:$0x1FD60]  }
0x1a5: {  	[tilespmem:s23+$0x10690] =	vst v3  }
0x1a6: {  	v3 =	vld.idx.msk [tilespmem:v4+s12+$0x0], $0xffff  }
0x1a7: {  	v4 =	vld [tilespmem:$0x1F1A0];
	_ =	sdelay $0x1  }
0x1a8: {  	v2 =	vadd.s32 v2, v1;
	_ =	sdelay $0x2  }
0x1a9: {  	v4 =	vadd.s32 v4, v1  }
0x1aa: {  	[tilespmem:s23+$0x10620] =	vst v0  }
0x1ab: {  	v0 =	vld.idx.msk [tilespmem:v2+s12+$0x0], $0xffff  }
0x1ac: {  	v2 =	vld [tilespmem:$0x1FD80]  }
0x1ad: {  	[tilespmem:s23+$0x106A0] =	vst v3  }
0x1ae: {  	v3 =	vld.idx.msk [tilespmem:v4+s12+$0x0], $0xffff  }
0x1af: {  	v4 =	vld [tilespmem:$0x1F1B0];
	_ =	sdelay $0x1  }
0x1b0: {  	v2 =	vadd.s32 v2, v1;
	_ =	sdelay $0x2  }
0x1b1: {  	v4 =	vadd.s32 v4, v1  }
0x1b2: {  	[tilespmem:s23+$0x10630] =	vst v0  }
0x1b3: {  	v0 =	vld.idx.msk [tilespmem:v2+s12+$0x0], $0xffff  }
0x1b4: {  	v2 =	vld [tilespmem:$0x1FDA0]  }
0x1b5: {  	[tilespmem:s23+$0x106B0] =	vst v3  }
0x1b6: {  	v3 =	vld.idx.msk [tilespmem:v4+s12+$0x0], $0xffff  }
0x1b7: {  	v4 =	vld [tilespmem:$0x1F1C0];
	_ =	sdelay $0x1  }
0x1b8: {  	v2 =	vadd.s32 v2, v1;
	_ =	sdelay $0x2  }
0x1b9: {  	v4 =	vadd.s32 v4, v1  }
0x1ba: {  	[tilespmem:s23+$0x10640] =	vst v0  }
0x1bb: {  	v0 =	vld.idx.msk [tilespmem:v2+s12+$0x0], $0xffff  }
0x1bc: {  	v2 =	vld [tilespmem:$0x1FDC0]  }
0x1bd: {  	[tilespmem:s23+$0x106C0] =	vst v3  }
0x1be: {  	v3 =	vld.idx.msk [tilespmem:v4+s12+$0x0], $0xffff  }
0x1bf: {  	v4 =	vld [tilespmem:$0x1F1D0];
	_ =	sdelay $0x1  }
0x1c0: {  	v2 =	vadd.s32 v2, v1;
	_ =	sdelay $0x2  }
0x1c1: {  	v4 =	vadd.s32 v4, v1  }
0x1c2: {  	[tilespmem:s23+$0x10650] =	vst v0  }
0x1c3: {  	v0 =	vld.idx.msk [tilespmem:v2+s12+$0x0], $0xffff  }
0x1c4: {  	v2 =	vld [tilespmem:$0x1FDE0]  }
0x1c5: {  	[tilespmem:s23+$0x106D0] =	vst v3  }
0x1c6: {  	v3 =	vld.idx.msk [tilespmem:v4+s12+$0x0], $0xffff  }
0x1c7: {  	v4 =	vld [tilespmem:$0x1F1E0];
	_ =	sdelay $0x1  }
0x1c8: {  	v2 =	vadd.s32 v2, v1;
	_ =	sdelay $0x2  }
0x1c9: {  	v4 =	vadd.s32 v4, v1  }
0x1ca: {  	[tilespmem:s23+$0x10660] =	vst v0  }
0x1cb: {  	v0 =	vld.idx.msk [tilespmem:v2+s12+$0x0], $0xffff  }
0x1cc: {  	v2 =	vld [tilespmem:$0x1FE00]  }
0x1cd: {  	[tilespmem:s23+$0x106E0] =	vst v3  }
0x1ce: {  	v3 =	vld.idx.msk [tilespmem:v4+s12+$0x0], $0xffff  }
0x1cf: {  	v4 =	vld [tilespmem:$0x1F1F0];
	_ =	sdelay $0x1  }
0x1d0: {  	v2 =	vadd.s32 v2, v1;
	_ =	sdelay $0x2  }
0x1d1: {  	v4 =	vadd.s32 v4, v1  }
0x1d2: {  	[tilespmem:s23+$0x10670] =	vst v0  }
0x1d3: {  	v0 =	vld.idx.msk [tilespmem:v2+s12+$0x0], $0xffff  }
0x1d4: {  	v2 =	vld [tilespmem:$0x1FE20]  }
0x1d5: {  	[tilespmem:s23+$0x106F0] =	vst v3  }
0x1d6: {  	v3 =	vld.idx.msk [tilespmem:v4+s12+$0x0], $0xffff  }
0x1d7: {  	v4 =	vld [tilespmem:$0x1F200];
	_ =	sdelay $0x1  }
0x1d8: {  	v2 =	vadd.s32 v2, v1;
	_ =	sdelay $0x2  }
0x1d9: {  	v4 =	vadd.s32 v4, v1  }
0x1da: {  	[tilespmem:s23+$0x10A00] =	vst v0  }
0x1db: {  	v0 =	vld.idx.msk [tilespmem:v2+s12+$0x0], $0xffff  }
0x1dc: {  	v2 =	vld [tilespmem:$0x1FE40]  }
0x1dd: {  	[tilespmem:s23+$0x10A80] =	vst v3  }
0x1de: {  	v3 =	vld.idx.msk [tilespmem:v4+s12+$0x0], $0xffff  }
0x1df: {  	v4 =	vld [tilespmem:$0x1F210];
	_ =	sdelay $0x1  }
0x1e0: {  	v2 =	vadd.s32 v2, v1;
	_ =	sdelay $0x2  }
0x1e1: {  	v4 =	vadd.s32 v4, v1  }
0x1e2: {  	[tilespmem:s23+$0x10A10] =	vst v0  }
0x1e3: {  	v0 =	vld.idx.msk [tilespmem:v2+s12+$0x0], $0xffff  }
0x1e4: {  	v2 =	vld [tilespmem:$0x1FE60]  }
0x1e5: {  	[tilespmem:s23+$0x10A90] =	vst v3  }
0x1e6: {  	v3 =	vld.idx.msk [tilespmem:v4+s12+$0x0], $0xffff  }
0x1e7: {  	v4 =	vld [tilespmem:$0x1F220];
	_ =	sdelay $0x1  }
0x1e8: {  	v2 =	vadd.s32 v2, v1;
	_ =	sdelay $0x2  }
0x1e9: {  	v4 =	vadd.s32 v4, v1  }
0x1ea: {  	[tilespmem:s23+$0x10A20] =	vst v0  }
0x1eb: {  	v0 =	vld.idx.msk [tilespmem:v2+s12+$0x0], $0xffff  }
0x1ec: {  	v2 =	vld [tilespmem:$0x1FE80]  }
0x1ed: {  	[tilespmem:s23+$0x10AA0] =	vst v3  }
0x1ee: {  	v3 =	vld.idx.msk [tilespmem:v4+s12+$0x0], $0xffff  }
0x1ef: {  	v4 =	vld [tilespmem:$0x1F230];
	_ =	sdelay $0x1  }
0x1f0: {  	v2 =	vadd.s32 v2, v1;
	_ =	sdelay $0x2  }
0x1f1: {  	v4 =	vadd.s32 v4, v1  }
0x1f2: {  	[tilespmem:s23+$0x10A30] =	vst v0  }
0x1f3: {  	v0 =	vld.idx.msk [tilespmem:v2+s12+$0x0], $0xffff  }
0x1f4: {  	v2 =	vld [tilespmem:$0x1FEA0]  }
0x1f5: {  	[tilespmem:s23+$0x10AB0] =	vst v3  }
0x1f6: {  	v3 =	vld.idx.msk [tilespmem:v4+s12+$0x0], $0xffff  }
0x1f7: {  	v4 =	vld [tilespmem:$0x1F240];
	_ =	sdelay $0x1  }
0x1f8: {  	v2 =	vadd.s32 v2, v1;
	_ =	sdelay $0x2  }
0x1f9: {  	v4 =	vadd.s32 v4, v1  }
0x1fa: {  	[tilespmem:s23+$0x10A40] =	vst v0  }
0x1fb: {  	v0 =	vld.idx.msk [tilespmem:v2+s12+$0x0], $0xffff  }
0x1fc: {  	v2 =	vld [tilespmem:$0x1FEC0]  }
0x1fd: {  	[tilespmem:s23+$0x10AC0] =	vst v3  }
0x1fe: {  	v3 =	vld.idx.msk [tilespmem:v4+s12+$0x0], $0xffff  }
0x1ff: {  	v4 =	vld [tilespmem:$0x1F250];
	_ =	sdelay $0x1  }
0x200: {  	v2 =	vadd.s32 v2, v1;
	_ =	sdelay $0x2  }
0x201: {  	v4 =	vadd.s32 v4, v1  }
0x202: {  	[tilespmem:s23+$0x10A50] =	vst v0  }
0x203: {  	v0 =	vld.idx.msk [tilespmem:v2+s12+$0x0], $0xffff  }
0x204: {  	v2 =	vld [tilespmem:$0x1FEE0]  }
0x205: {  	[tilespmem:s23+$0x10AD0] =	vst v3  }
0x206: {  	v3 =	vld.idx.msk [tilespmem:v4+s12+$0x0], $0xffff  }
0x207: {  	v4 =	vld [tilespmem:$0x1F260];
	_ =	sdelay $0x1  }
0x208: {  	v2 =	vadd.s32 v2, v1;
	_ =	sdelay $0x2  }
0x209: {  	v4 =	vadd.s32 v4, v1  }
0x20a: {  	[tilespmem:s23+$0x10A60] =	vst v0  }
0x20b: {  	v0 =	vld.idx.msk [tilespmem:v2+s12+$0x0], $0xffff  }
0x20c: {  	v2 =	vld [tilespmem:$0x1FF00]  }
0x20d: {  	[tilespmem:s23+$0x10AE0] =	vst v3  }
0x20e: {  	v3 =	vld.idx.msk [tilespmem:v4+s12+$0x0], $0xffff  }
0x20f: {  	v4 =	vld [tilespmem:$0x1F270];
	_ =	sdelay $0x1  }
0x210: {  	v2 =	vadd.s32 v2, v1;
	_ =	sdelay $0x2  }
0x211: {  	v4 =	vadd.s32 v4, v1  }
0x212: {  	[tilespmem:s23+$0x10A70] =	vst v0  }
0x213: {  	v0 =	vld.idx.msk [tilespmem:v2+s12+$0x0], $0xffff  }
0x214: {  	v2 =	vld [tilespmem:$0x1FF20]  }
0x215: {  	[tilespmem:s23+$0x10AF0] =	vst v3  }
0x216: {  	v3 =	vld.idx.msk [tilespmem:v4+s12+$0x0], $0xffff  }
0x217: {  	v4 =	vld [tilespmem:$0x1F280];
	_ =	sdelay $0x1  }
0x218: {  	v2 =	vadd.s32 v2, v1;
	_ =	sdelay $0x2  }
0x219: {  	v4 =	vadd.s32 v4, v1  }
0x21a: {  	[tilespmem:s23+$0x10E00] =	vst v0  }
0x21b: {  	v0 =	vld.idx.msk [tilespmem:v2+s12+$0x0], $0xffff  }
0x21c: {  	v2 =	vld [tilespmem:$0x1FF40]  }
0x21d: {  	[tilespmem:s23+$0x10E80] =	vst v3  }
0x21e: {  	v3 =	vld.idx.msk [tilespmem:v4+s12+$0x0], $0xffff  }
0x21f: {  	v4 =	vld [tilespmem:$0x1F290];
	_ =	sdelay $0x1  }
0x220: {  	v2 =	vadd.s32 v2, v1;
	_ =	sdelay $0x2  }
0x221: {  	v4 =	vadd.s32 v4, v1  }
0x222: {  	[tilespmem:s23+$0x10E10] =	vst v0  }
0x223: {  	v0 =	vld.idx.msk [tilespmem:v2+s12+$0x0], $0xffff  }
0x224: {  	v2 =	vld [tilespmem:$0x1FF60]  }
0x225: {  	[tilespmem:s23+$0x10E90] =	vst v3  }
0x226: {  	v3 =	vld.idx.msk [tilespmem:v4+s12+$0x0], $0xffff  }
0x227: {  	v4 =	vld [tilespmem:$0x1F2A0];
	_ =	sdelay $0x1  }
0x228: {  	v2 =	vadd.s32 v2, v1;
	_ =	sdelay $0x2  }
0x229: {  	v4 =	vadd.s32 v4, v1  }
0x22a: {  	[tilespmem:s23+$0x10E20] =	vst v0  }
0x22b: {  	v0 =	vld.idx.msk [tilespmem:v2+s12+$0x0], $0xffff  }
0x22c: {  	v2 =	vld [tilespmem:$0x1FF80]  }
0x22d: {  	[tilespmem:s23+$0x10EA0] =	vst v3  }
0x22e: {  	v3 =	vld.idx.msk [tilespmem:v4+s12+$0x0], $0xffff  }
0x22f: {  	v4 =	vld [tilespmem:$0x1F2B0];
	_ =	sdelay $0x1  }
0x230: {  	v2 =	vadd.s32 v2, v1;
	_ =	sdelay $0x2  }
0x231: {  	v4 =	vadd.s32 v4, v1  }
0x232: {  	[tilespmem:s23+$0x10E30] =	vst v0  }
0x233: {  	v0 =	vld.idx.msk [tilespmem:v2+s12+$0x0], $0xffff  }
0x234: {  	v2 =	vld [tilespmem:$0x1FFA0]  }
0x235: {  	[tilespmem:s23+$0x10EB0] =	vst v3  }
0x236: {  	v3 =	vld.idx.msk [tilespmem:v4+s12+$0x0], $0xffff  }
0x237: {  	v4 =	vld [tilespmem:$0x1F2C0];
	_ =	sdelay $0x1  }
0x238: {  	v2 =	vadd.s32 v2, v1;
	_ =	sdelay $0x2  }
0x239: {  	v4 =	vadd.s32 v4, v1  }
0x23a: {  	[tilespmem:s23+$0x10E40] =	vst v0  }
0x23b: {  	v0 =	vld.idx.msk [tilespmem:v2+s12+$0x0], $0xffff  }
0x23c: {  	v2 =	vld [tilespmem:$0x1FFC0]  }
0x23d: {  	v22 =	vmov v6;
	v6 =	vld [tilespmem:$0x1F0A0];
	[tilespmem:s23+$0x10EC0] =	vst v3  }
0x23e: {  	v3 =	vld.idx.msk [tilespmem:v4+s12+$0x0], $0xffff  }
0x23f: {  	v4 =	vld [tilespmem:$0x1F2D0];
	_ =	sdelay $0x1  }
0x240: {  	v2 =	vadd.s32 v2, v1  }
0x241: {  	v6 =	vadd.s32 v6, v1;
	_ =	sdelay $0x1  }
0x242: {  	v21 =	vmov v5;
	v5 =	vld [tilespmem:$0x1F090];
	v4 =	vadd.s32 v4, v1  }
0x243: {  	v23 =	vmov v7;
	v7 =	vld [tilespmem:$0x1F0D0];
	[tilespmem:s23+$0x10E50] =	vst v0  }
0x244: {  	v0 =	vld.idx.msk [tilespmem:v2+s12+$0x0], $0xffff  }
0x245: {  	v6 =	vld.idx.msk [tilespmem:v6+s12+$0x0], $0xffff  }
0x246: {  	v2 =	vld [tilespmem:$0x1FFE0];
	[tilespmem:s23+$0x10ED0] =	vst v3  }
0x247: {  	v5 =	vadd.s32 v5, v1;
	v3 =	vld.idx.msk [tilespmem:v4+s12+$0x0], $0xffff  }
0x248: {  	v4 =	vld [tilespmem:$0x1F2E0]  }
0x249: {  	v7 =	vadd.s32 v7, v1;
	[tilespmem:s23+$0x10E60] =	vst v0;
	v0 =	vld [tilespmem:$0x1F0B0]  }
0x24a: {  	v24 =	vmov v8;
	v8 =	vld [tilespmem:$0x1F0F0];
	_ =	sdelay $0x1  }
0x24b: {  	v5 =	vld.idx.msk [tilespmem:v5+s12+$0x0], $0xffff;
	v2 =	vadd.s32 v2, v1  }
0x24c: {  	[tilespmem:s23+$0x10380] =	vst v6;
	v6 =	vld [tilespmem:$0x1FCA0];
	v4 =	vadd.s32 v4, v1  }
0x24d: {  	v7 =	vld.idx.msk [tilespmem:v7+s12+$0x0], $0xffff;
	v0 =	vadd.s32 v0, v1  }
0x24e: {  	v8 =	vadd.s32 v8, v1;
	[tilespmem:s23+$0x10EE0] =	vst v3;
	v3 =	vld [tilespmem:$0x1F0C0]  }
0x24f: {  	v25 =	vmov v9;
	v9 =	vld [tilespmem:$0x1F2F0]  }
0x250: {  	v2 =	vld.idx.msk [tilespmem:v2+s12+$0x0], $0xffff  }
0x251: {  	v4 =	vld.idx.msk [tilespmem:v4+s12+$0x0], $0xffff  }
0x252: {  	v0 =	vld.idx.msk [tilespmem:v0+s12+$0x0], $0xffff  }
0x253: {  	v8 =	vld.idx.msk [tilespmem:v8+s12+$0x0], $0xffff;
	v3 =	vadd.s32 v3, v1  }
0x254: {  	v26 =	vmov v10;
	[tilespmem:s23+$0x10300] =	vst v5;
	v10 =	vld [tilespmem:$0x1F4E0]  }
0x255: {  	v5 =	vadd.s32 v17, v1;
	[tilespmem:s23+$0x10E70] =	vst v2;
	v2 =	vld [tilespmem:$0x1F6D0]  }
0x256: {  	v9 =	vadd.s32 v9, v1;
	[tilespmem:s23+$0x10EF0] =	vst v4;
	v4 =	vld [tilespmem:$0x1F8C0]  }
0x257: {  	[tilespmem:s23+$0x10400] =	vst v0;
	v0 =	vld [tilespmem:$0x1F300]  }
0x258: {  	v3 =	vld.idx.msk [tilespmem:v3+s12+$0x0], $0xffff  }
0x259: {  	[tilespmem:s23+$0x10500] =	vst v7;
	v7 =	vld [tilespmem:$0x1F6E0];
	v10 =	vadd.s32 v10, v1  }
0x25a: {  	v5 =	vld.idx.msk [tilespmem:v5+s12+$0x0], $0xffff;
	v2 =	vadd.s32 v2, v1  }
0x25b: {  	v9 =	vld.idx.msk [tilespmem:v9+s12+$0x0], $0xffff;
	v4 =	vadd.s32 v4, v1  }
0x25c: {  	v6 =	vadd.s32 v6, v1;
	[tilespmem:s23+$0x10580] =	vst v8;
	v8 =	vld [tilespmem:$0x1F8D0]  }
0x25d: {  	v0 =	vadd.s32 v0, v1;
	[tilespmem:s23+$0x10480] =	vst v3;
	v3 =	vld [tilespmem:$0x1F4F0]  }
0x25e: {  	v10 =	vld.idx.msk [tilespmem:v10+s12+$0x0], $0xffff  }
0x25f: {  	v2 =	vld.idx.msk [tilespmem:v2+s12+$0x0], $0xffff  }
0x260: {  	v7 =	vadd.s32 v7, v1;
	v4 =	vld.idx.msk [tilespmem:v4+s12+$0x0], $0xffff;
	[tilespmem:s23+$0x10310] =	vst v9  }
0x261: {  	v6 =	vld.idx.msk [tilespmem:v6+s12+$0x0], $0xffff  }
0x262: {  	v3 =	vadd.s32 v3, v1;
	v0 =	vld.idx.msk [tilespmem:v0+s12+$0x0], $0xffff  }
0x263: {  	[tilespmem:s23+$0x10390] =	vst v10;
	v10 =	vld [tilespmem:$0x1FCB0]  }
0x264: {  	v9 =	vadd.s32 v18, v1;
	[tilespmem:s23+$0x10410] =	vst v2;
	v2 =	vld [tilespmem:$0x1F310]  }
0x265: {  	v8 =	vadd.s32 v8, v1;
	v7 =	vld.idx.msk [tilespmem:v7+s12+$0x0], $0xffff  }
0x266: {  	[tilespmem:s23+$0x10510] =	vst v5;
	v5 =	vld [tilespmem:$0x1F6F0]  }
0x267: {  	v3 =	vld.idx.msk [tilespmem:v3+s12+$0x0], $0xffff  }
0x268: {  	[tilespmem:s23+$0x10490] =	vst v4;
	v4 =	vld [tilespmem:$0x1F500]  }
0x269: {  	v9 =	vld.idx.msk [tilespmem:v9+s12+$0x0], $0xffff  }
0x26a: {  	v10 =	vadd.s32 v10, v1;
	v8 =	vld.idx.msk [tilespmem:v8+s12+$0x0], $0xffff;
	[tilespmem:s23+$0x10590] =	vst v6  }
0x26b: {  	v2 =	vadd.s32 v2, v1;
	v6 =	vld [tilespmem:$0x1F8E0];
	[tilespmem:s23+$0x10320] =	vst v0  }
0x26c: {  	[tilespmem:s23+$0x10420] =	vst v7;
	v7 =	vld [tilespmem:$0x1F320]  }
0x26d: {  	v5 =	vadd.s32 v5, v1;
	[tilespmem:s23+$0x103A0] =	vst v3;
	v3 =	vld [tilespmem:$0x1FCC0]  }
0x26e: {  	v0 =	vadd.s32 v27, v1;
	[tilespmem:s23+$0x10520] =	vst v9;
	v9 =	vld [tilespmem:$0x1F700]  }
0x26f: {  	v4 =	vadd.s32 v4, v1;
	v10 =	vld.idx.msk [tilespmem:v10+s12+$0x0], $0xffff  }
0x270: {  	v6 =	vadd.s32 v6, v1;
	v2 =	vld.idx.msk [tilespmem:v2+s12+$0x0], $0xffff  }
0x271: {  	[tilespmem:s23+$0x104A0] =	vst v8;
	v8 =	vld [tilespmem:$0x1F510]  }
0x272: {  	v5 =	vld.idx.msk [tilespmem:v5+s12+$0x0], $0xffff  }
0x273: {  	v0 =	vld.idx.msk [tilespmem:v0+s12+$0x0], $0xffff  }
0x274: {  	v7 =	vadd.s32 v7, v1;
	v4 =	vld.idx.msk [tilespmem:v4+s12+$0x0], $0xffff  }
0x275: {  	v3 =	vadd.s32 v3, v1;
	v6 =	vld.idx.msk [tilespmem:v6+s12+$0x0], $0xffff;
	[tilespmem:s23+$0x105A0] =	vst v10  }
0x276: {  	v10 =	vld [tilespmem:$0x1F8F0];
	[tilespmem:s23+$0x10330] =	vst v2  }
0x277: {  	v9 =	vadd.s32 v9, v1;
	[tilespmem:s23+$0x10430] =	vst v5;
	v5 =	vld [tilespmem:$0x1F330]  }
0x278: {  	v8 =	vadd.s32 v8, v1;
	[tilespmem:s23+$0x10530] =	vst v0;
	v0 =	vld [tilespmem:$0x1F710]  }
0x279: {  	v7 =	vld.idx.msk [tilespmem:v7+s12+$0x0], $0xffff  }
0x27a: {  	v2 =	vadd.s32 v28, v1;
	v3 =	vld.idx.msk [tilespmem:v3+s12+$0x0], $0xffff  }
0x27b: {  	[tilespmem:s23+$0x103B0] =	vst v4;
	v4 =	vld [tilespmem:$0x1FCD0]  }
0x27c: {  	v9 =	vld.idx.msk [tilespmem:v9+s12+$0x0], $0xffff  }
0x27d: {  	v10 =	vadd.s32 v10, v1;
	v8 =	vld.idx.msk [tilespmem:v8+s12+$0x0], $0xffff  }
0x27e: {  	v5 =	vadd.s32 v5, v1;
	[tilespmem:s23+$0x104B0] =	vst v6;
	v6 =	vld [tilespmem:$0x1F520]  }
0x27f: {  	v2 =	vld.idx.msk [tilespmem:v2+s12+$0x0], $0xffff  }
0x280: {  	v0 =	vadd.s32 v0, v1;
	[tilespmem:s23+$0x105B0] =	vst v3;
	v3 =	vld [tilespmem:$0x1F900]  }
0x281: {  	[tilespmem:s23+$0x10440] =	vst v9;
	v9 =	vld [tilespmem:$0x1F340]  }
0x282: {  	[tilespmem:s23+$0x10340] =	vst v7;
	v7 =	vadd.s32 v29, v1;
	v10 =	vld.idx.msk [tilespmem:v10+s12+$0x0], $0xffff  }
0x283: {  	v4 =	vadd.s32 v4, v1;
	v5 =	vld.idx.msk [tilespmem:v5+s12+$0x0], $0xffff  }
0x284: {  	v6 =	vadd.s32 v6, v1;
	[tilespmem:s23+$0x103C0] =	vst v8;
	v8 =	vld [tilespmem:$0x1FCE0]  }
0x285: {  	v0 =	vld.idx.msk [tilespmem:v0+s12+$0x0], $0xffff  }
0x286: {  	[tilespmem:s23+$0x10540] =	vst v2;
	v2 =	vld [tilespmem:$0x1F720]  }
0x287: {  	v7 =	vld.idx.msk [tilespmem:v7+s12+$0x0], $0xffff  }
0x288: {  	v3 =	vadd.s32 v3, v1;
	v4 =	vld.idx.msk [tilespmem:v4+s12+$0x0], $0xffff  }
0x289: {  	v6 =	vld.idx.msk [tilespmem:v6+s12+$0x0], $0xffff  }
0x28a: {  	v9 =	vadd.s32 v9, v1;
	[tilespmem:s23+$0x104C0] =	vst v10;
	v10 =	vld [tilespmem:$0x1F530]  }
0x28b: {  	v8 =	vadd.s32 v8, v1;
	[tilespmem:s23+$0x10450] =	vst v0;
	v0 =	vld [tilespmem:$0x1F350]  }
0x28c: {  	[tilespmem:s23+$0x10550] =	vst v7;
	v7 =	vld [tilespmem:$0x1F730]  }
0x28d: {  	v2 =	vadd.s32 v2, v1;
	[tilespmem:s23+$0x10350] =	vst v5;
	v3 =	vld.idx.msk [tilespmem:v3+s12+$0x0], $0xffff  }
0x28e: {  	v5 =	vadd.s32 v30, v1;
	[tilespmem:s23+$0x105C0] =	vst v4;
	v4 =	vld [tilespmem:$0x1F910]  }
0x28f: {  	v9 =	vld.idx.msk [tilespmem:v9+s12+$0x0], $0xffff  }
0x290: {  	v10 =	vadd.s32 v10, v1;
	v8 =	vld.idx.msk [tilespmem:v8+s12+$0x0], $0xffff  }
0x291: {  	[tilespmem:s23+$0x103D0] =	vst v6;
	v6 =	vld [tilespmem:$0x1FCF0]  }
0x292: {  	v0 =	vadd.s32 v0, v1;
	v2 =	vld.idx.msk [tilespmem:v2+s12+$0x0], $0xffff  }
0x293: {  	v5 =	vld.idx.msk [tilespmem:v5+s12+$0x0], $0xffff  }
0x294: {  	[tilespmem:s23+$0x104D0] =	vst v3;
	v3 =	vld [tilespmem:$0x1F540]  }
0x295: {  	v7 =	vadd.s32 v7, v1;
	[tilespmem:s23+$0x10360] =	vst v9;
	v10 =	vld.idx.msk [tilespmem:v10+s12+$0x0], $0xffff  }
0x296: {  	v4 =	vadd.s32 v4, v1;
	[tilespmem:s23+$0x105D0] =	vst v8;
	v8 =	vld [tilespmem:$0x1F920]  }
0x297: {  	v9 =	vadd.s32 v31, v1;
	v0 =	vld.idx.msk [tilespmem:v0+s12+$0x0], $0xffff  }
0x298: {  	v6 =	vadd.s32 v6, v1;
	[tilespmem:s23+$0x10460] =	vst v2;
	v2 =	vld [tilespmem:$0x1F360]  }
0x299: {  	[tilespmem:s23+$0x10560] =	vst v5;
	v5 =	vld [tilespmem:$0x1F740]  }
0x29a: {  	v7 =	vld.idx.msk [tilespmem:v7+s12+$0x0], $0xffff  }
0x29b: {  	v3 =	vadd.s32 v3, v1;
	v4 =	vld.idx.msk [tilespmem:v4+s12+$0x0], $0xffff  }
0x29c: {  	v9 =	vld.idx.msk [tilespmem:v9+s12+$0x0], $0xffff  }
0x29d: {  	v6 =	vld.idx.msk [tilespmem:v6+s12+$0x0], $0xffff  }
0x29e: {  	v8 =	vadd.s32 v8, v1;
	[tilespmem:s23+$0x103E0] =	vst v10;
	v10 =	vld [tilespmem:$0x1FD00]  }
0x29f: {  	[tilespmem:s23+$0x10470] =	vst v7;
	v7 =	vld [tilespmem:$0x1F370]  }
0x2a0: {  	v2 =	vadd.s32 v2, v1;
	[tilespmem:s23+$0x10370] =	vst v0;
	v3 =	vld.idx.msk [tilespmem:v3+s12+$0x0], $0xffff  }
0x2a1: {  	v5 =	vadd.s32 v5, v1;
	[tilespmem:s23+$0x104E0] =	vst v4;
	v4 =	vld [tilespmem:$0x1F550]  }
0x2a2: {  	v0 =	vadd.s32 v32, v1;
	[tilespmem:s23+$0x10570] =	vst v9;
	v9 =	vld [tilespmem:$0x1F750]  }
0x2a3: {  	v8 =	vld.idx.msk [tilespmem:v8+s12+$0x0], $0xffff  }
0x2a4: {  	v10 =	vadd.s32 v10, v1;
	[tilespmem:s23+$0x105E0] =	vst v6;
	v6 =	vld [tilespmem:$0x1F930]  }
0x2a5: {  	v2 =	vld.idx.msk [tilespmem:v2+s12+$0x0], $0xffff  }
0x2a6: {  	v5 =	vld.idx.msk [tilespmem:v5+s12+$0x0], $0xffff  }
0x2a7: {  	v0 =	vld.idx.msk [tilespmem:v0+s12+$0x0], $0xffff  }
0x2a8: {  	v7 =	vadd.s32 v7, v1;
	[tilespmem:s23+$0x103F0] =	vst v3;
	v3 =	vld [tilespmem:$0x1FD10]  }
0x2a9: {  	v4 =	vadd.s32 v4, v1;
	v10 =	vld.idx.msk [tilespmem:v10+s12+$0x0], $0xffff;
	[tilespmem:s23+$0x104F0] =	vst v8  }
0x2aa: {  	v9 =	vadd.s32 v9, v1;
	v8 =	vld [tilespmem:$0x1F560];
	[tilespmem:s23+$0x10700] =	vst v2  }
0x2ab: {  	v6 =	vadd.s32 v6, v1;
	[tilespmem:s23+$0x10800] =	vst v5;
	v5 =	vld [tilespmem:$0x1F380]  }
0x2ac: {  	[tilespmem:s23+$0x10900] =	vst v0;
	v0 =	vld [tilespmem:$0x1F760]  }
0x2ad: {  	v2 =	vadd.s32 v33, v1;
	v7 =	vld.idx.msk [tilespmem:v7+s12+$0x0], $0xffff  }
0x2ae: {  	v3 =	vadd.s32 v3, v1;
	v4 =	vld.idx.msk [tilespmem:v4+s12+$0x0], $0xffff  }
0x2af: {  	v9 =	vld.idx.msk [tilespmem:v9+s12+$0x0], $0xffff  }
0x2b0: {  	v6 =	vld.idx.msk [tilespmem:v6+s12+$0x0], $0xffff  }
0x2b1: {  	v8 =	vadd.s32 v8, v1;
	[tilespmem:s23+$0x105F0] =	vst v10;
	v10 =	vld [tilespmem:$0x1F940]  }
0x2b2: {  	v2 =	vld.idx.msk [tilespmem:v2+s12+$0x0], $0xffff  }
0x2b3: {  	v5 =	vadd.s32 v5, v1;
	v3 =	vld.idx.msk [tilespmem:v3+s12+$0x0], $0xffff  }
0x2b4: {  	v0 =	vadd.s32 v0, v1;
	[tilespmem:s23+$0x10780] =	vst v4;
	v4 =	vld [tilespmem:$0x1FD30]  }
0x2b5: {  	[tilespmem:s23+$0x10810] =	vst v9;
	v9 =	vld [tilespmem:$0x1F390]  }
0x2b6: {  	[tilespmem:s23+$0x10710] =	vst v7;
	v7 =	vadd.s32 v34, v1;
	v8 =	vld.idx.msk [tilespmem:v8+s12+$0x0], $0xffff  }
0x2b7: {  	[tilespmem:s23+$0x10880] =	vst v6;
	v6 =	vld [tilespmem:$0x1F570]  }
0x2b8: {  	v10 =	vadd.s32 v10, v1;
	v5 =	vld.idx.msk [tilespmem:v5+s12+$0x0], $0xffff  }
0x2b9: {  	v0 =	vld.idx.msk [tilespmem:v0+s12+$0x0], $0xffff  }
0x2ba: {  	[tilespmem:s23+$0x10910] =	vst v2;
	v2 =	vld [tilespmem:$0x1F770]  }
0x2bb: {  	v7 =	vld.idx.msk [tilespmem:v7+s12+$0x0], $0xffff  }
0x2bc: {  	v4 =	vadd.s32 v4, v1;
	[tilespmem:s23+$0x10980] =	vst v3;
	v3 =	vld [tilespmem:$0x1F950]  }
0x2bd: {  	v9 =	vadd.s32 v9, v1;
	v10 =	vld.idx.msk [tilespmem:v10+s12+$0x0], $0xffff  }
0x2be: {  	v6 =	vadd.s32 v6, v1;
	[tilespmem:s23+$0x10790] =	vst v8;
	v8 =	vld [tilespmem:$0x1FD50]  }
0x2bf: {  	[tilespmem:s23+$0x10820] =	vst v0;
	v0 =	vld [tilespmem:$0x1F3A0]  }
0x2c0: {  	v2 =	vadd.s32 v2, v1;
	[tilespmem:s23+$0x10920] =	vst v7;
	v7 =	vld [tilespmem:$0x1F780]  }
0x2c1: {  	[tilespmem:s23+$0x10720] =	vst v5;
	v5 =	vadd.s32 v35, v1;
	v4 =	vld.idx.msk [tilespmem:v4+s12+$0x0], $0xffff  }
0x2c2: {  	v3 =	vadd.s32 v3, v1;
	v9 =	vld.idx.msk [tilespmem:v9+s12+$0x0], $0xffff  }
0x2c3: {  	v6 =	vld.idx.msk [tilespmem:v6+s12+$0x0], $0xffff  }
0x2c4: {  	v8 =	vadd.s32 v8, v1;
	[tilespmem:s23+$0x10890] =	vst v10;
	v10 =	vld [tilespmem:$0x1F580]  }
0x2c5: {  	v2 =	vld.idx.msk [tilespmem:v2+s12+$0x0], $0xffff  }
0x2c6: {  	v0 =	vadd.s32 v0, v1;
	v5 =	vld.idx.msk [tilespmem:v5+s12+$0x0], $0xffff  }
0x2c7: {  	v3 =	vld.idx.msk [tilespmem:v3+s12+$0x0], $0xffff  }
0x2c8: {  	[tilespmem:s23+$0x10990] =	vst v4;
	v4 =	vld [tilespmem:$0x1F960]  }
0x2c9: {  	v7 =	vadd.s32 v7, v1;
	[tilespmem:s23+$0x10730] =	vst v9;
	v8 =	vld.idx.msk [tilespmem:v8+s12+$0x0], $0xffff  }
0x2ca: {  	[tilespmem:s23+$0x107A0] =	vst v6;
	v6 =	vld [tilespmem:$0x1FD70]  }
0x2cb: {  	v9 =	vadd.s32 v36, v1;
	v0 =	vld.idx.msk [tilespmem:v0+s12+$0x0], $0xffff  }
0x2cc: {  	v10 =	vadd.s32 v10, v1;
	[tilespmem:s23+$0x10830] =	vst v2;
	v2 =	vld [tilespmem:$0x1F3B0]  }
0x2cd: {  	[tilespmem:s23+$0x10930] =	vst v5;
	v5 =	vld [tilespmem:$0x1F790]  }
0x2ce: {  	v7 =	vld.idx.msk [tilespmem:v7+s12+$0x0], $0xffff  }
0x2cf: {  	v4 =	vadd.s32 v4, v1;
	[tilespmem:s23+$0x108A0] =	vst v3;
	v3 =	vld [tilespmem:$0x1F590]  }
0x2d0: {  	v9 =	vld.idx.msk [tilespmem:v9+s12+$0x0], $0xffff  }
0x2d1: {  	v6 =	vadd.s32 v6, v1;
	v10 =	vld.idx.msk [tilespmem:v10+s12+$0x0], $0xffff  }
0x2d2: {  	[tilespmem:s23+$0x109A0] =	vst v8;
	v8 =	vld [tilespmem:$0x1F970]  }
0x2d3: {  	v2 =	vadd.s32 v2, v1;
	[tilespmem:s23+$0x10840] =	vst v7;
	v7 =	vld [tilespmem:$0x1F3C0]  }
0x2d4: {  	v5 =	vadd.s32 v5, v1;
	[tilespmem:s23+$0x10740] =	vst v0;
	v4 =	vld.idx.msk [tilespmem:v4+s12+$0x0], $0xffff  }
0x2d5: {  	v0 =	vadd.s32 v39, v1;
	[tilespmem:s23+$0x10940] =	vst v9;
	v9 =	vld [tilespmem:$0x1F7A0]  }
0x2d6: {  	v3 =	vadd.s32 v3, v1;
	v6 =	vld.idx.msk [tilespmem:v6+s12+$0x0], $0xffff  }
0x2d7: {  	[tilespmem:s23+$0x107B0] =	vst v10;
	v10 =	vld [tilespmem:$0x1FD90]  }
0x2d8: {  	v8 =	vadd.s32 v8, v1;
	v2 =	vld.idx.msk [tilespmem:v2+s12+$0x0], $0xffff  }
0x2d9: {  	v5 =	vld.idx.msk [tilespmem:v5+s12+$0x0], $0xffff  }
0x2da: {  	v0 =	vld.idx.msk [tilespmem:v0+s12+$0x0], $0xffff  }
0x2db: {  	v3 =	vld.idx.msk [tilespmem:v3+s12+$0x0], $0xffff  }
0x2dc: {  	v7 =	vadd.s32 v7, v1;
	[tilespmem:s23+$0x108B0] =	vst v4;
	v4 =	vld [tilespmem:$0x1F5A0]  }
0x2dd: {  	v8 =	vld.idx.msk [tilespmem:v8+s12+$0x0], $0xffff;
	[tilespmem:s23+$0x109B0] =	vst v6  }
0x2de: {  	v9 =	vadd.s32 v9, v1;
	v6 =	vld [tilespmem:$0x1F980];
	[tilespmem:s23+$0x10750] =	vst v2  }
0x2df: {  	v10 =	vadd.s32 v10, v1;
	[tilespmem:s23+$0x10850] =	vst v5;
	v5 =	vld [tilespmem:$0x1F3D0]  }
0x2e0: {  	[tilespmem:s23+$0x10950] =	vst v0;
	v0 =	vld [tilespmem:$0x1F7B0]  }
0x2e1: {  	v2 =	vadd.s32 v40, v1;
	v7 =	vld.idx.msk [tilespmem:v7+s12+$0x0], $0xffff  }
0x2e2: {  	v4 =	vadd.s32 v4, v1;
	[tilespmem:s23+$0x107C0] =	vst v3;
	v3 =	vld [tilespmem:$0x1FDB0]  }
0x2e3: {  	v9 =	vld.idx.msk [tilespmem:v9+s12+$0x0], $0xffff  }
0x2e4: {  	v6 =	vadd.s32 v6, v1;
	v10 =	vld.idx.msk [tilespmem:v10+s12+$0x0], $0xffff  }
0x2e5: {  	[tilespmem:s23+$0x108C0] =	vst v8;
	v8 =	vld [tilespmem:$0x1F5B0];
	v5 =	vadd.s32 v5, v1  }
0x2e6: {  	v0 =	vadd.s32 v0, v1;
	v2 =	vld.idx.msk [tilespmem:v2+s12+$0x0], $0xffff  }
0x2e7: {  	[tilespmem:s23+$0x10760] =	vst v7;
	v4 =	vld.idx.msk [tilespmem:v4+s12+$0x0], $0xffff  }
0x2e8: {  	v7 =	vadd.s32 v41, v1;
	[tilespmem:s23+$0x10860] =	vst v9;
	v9 =	vld [tilespmem:$0x1F3E0]  }
0x2e9: {  	v3 =	vadd.s32 v3, v1;
	v6 =	vld.idx.msk [tilespmem:v6+s12+$0x0], $0xffff  }
0x2ea: {  	v5 =	vld.idx.msk [tilespmem:v5+s12+$0x0], $0xffff  }
0x2eb: {  	v8 =	vadd.s32 v8, v1;
	v0 =	vld.idx.msk [tilespmem:v0+s12+$0x0], $0xffff  }
0x2ec: {  	[tilespmem:s23+$0x10960] =	vst v2;
	v2 =	vld [tilespmem:$0x1F7C0]  }
0x2ed: {  	[tilespmem:s23+$0x109C0] =	vst v10;
	v7 =	vld.idx.msk [tilespmem:v7+s12+$0x0], $0xffff  }
0x2ee: {  	v10 =	vadd.s32 v52, v1;
	v3 =	vld.idx.msk [tilespmem:v3+s12+$0x0], $0xffff  }
0x2ef: {  	[tilespmem:s23+$0x107D0] =	vst v4;
	v4 =	vld [tilespmem:$0x1FDD0]  }
0x2f0: {  	v9 =	vadd.s32 v9, v1;
	v8 =	vld.idx.msk [tilespmem:v8+s12+$0x0], $0xffff  }
0x2f1: {  	[tilespmem:s23+$0x108D0] =	vst v6;
	v6 =	vld [tilespmem:$0x1F5C0]  }
0x2f2: {  	v2 =	vadd.s32 v2, v1;
	[tilespmem:s23+$0x10870] =	vst v0;
	v0 =	vld [tilespmem:$0x1F3F0]  }
0x2f3: {  	[tilespmem:s23+$0x10770] =	vst v5;
	v5 =	vadd.s32 v42, v1;
	v10 =	vld.idx.msk [tilespmem:v10+s12+$0x0], $0xffff  }
0x2f4: {  	[tilespmem:s23+$0x10970] =	vst v7;
	v7 =	vld [tilespmem:$0x1F7D0]  }
0x2f5: {  	v4 =	vadd.s32 v4, v1;
	[tilespmem:s23+$0x109D0] =	vst v3;
	v9 =	vld.idx.msk [tilespmem:v9+s12+$0x0], $0xffff  }
0x2f6: {  	v3 =	vadd.s32 v53, v1;
	[tilespmem:s23+$0x107E0] =	vst v8;
	v8 =	vld [tilespmem:$0x1FDF0]  }
0x2f7: {  	v6 =	vadd.s32 v6, v1;
	v2 =	vld.idx.msk [tilespmem:v2+s12+$0x0], $0xffff  }
0x2f8: {  	v0 =	vadd.s32 v0, v1;
	v5 =	vld.idx.msk [tilespmem:v5+s12+$0x0], $0xffff  }
0x2f9: {  	[tilespmem:s23+$0x108E0] =	vst v10;
	v10 =	vld [tilespmem:$0x1F5D0]  }
0x2fa: {  	v4 =	vld.idx.msk [tilespmem:v4+s12+$0x0], $0xffff  }
0x2fb: {  	v7 =	vadd.s32 v7, v1;
	v3 =	vld.idx.msk [tilespmem:v3+s12+$0x0], $0xffff  }
0x2fc: {  	[tilespmem:s23+$0x10B00] =	vst v9;
	v6 =	vld.idx.msk [tilespmem:v6+s12+$0x0], $0xffff  }
0x2fd: {  	v9 =	vadd.s32 v43, v1;
	v0 =	vld.idx.msk [tilespmem:v0+s12+$0x0], $0xffff  }
0x2fe: {  	v8 =	vadd.s32 v8, v1;
	[tilespmem:s23+$0x10C00] =	vst v2;
	v2 =	vld [tilespmem:$0x1F400]  }
0x2ff: {  	[tilespmem:s23+$0x10D00] =	vst v5;
	v5 =	vld [tilespmem:$0x1F7E0]  }
0x300: {  	v10 =	vadd.s32 v10, v1;
	v7 =	vld.idx.msk [tilespmem:v7+s12+$0x0], $0xffff  }
0x301: {  	[tilespmem:s23+$0x108F0] =	vst v3;
	v3 =	vld [tilespmem:$0x1F5E0]  }
0x302: {  	[tilespmem:s23+$0x109E0] =	vst v4;
	v4 =	vadd.s32 v54, v1;
	v9 =	vld.idx.msk [tilespmem:v9+s12+$0x0], $0xffff  }
0x303: {  	v8 =	vld.idx.msk [tilespmem:v8+s12+$0x0], $0xffff  }
0x304: {  	[tilespmem:s23+$0x107F0] =	vst v6;
	v6 =	vld [tilespmem:$0x1FE10];
	v2 =	vadd.s32 v2, v1  }
0x305: {  	v5 =	vadd.s32 v5, v1;
	[tilespmem:s23+$0x10B10] =	vst v0;
	v10 =	vld.idx.msk [tilespmem:v10+s12+$0x0], $0xffff  }
0x306: {  	v0 =	vadd.s32 v37, v1;
	[tilespmem:s23+$0x10C10] =	vst v7;
	v7 =	vld [tilespmem:$0x1F410]  }
0x307: {  	v4 =	vld.idx.msk [tilespmem:v4+s12+$0x0], $0xffff  }
0x308: {  	v3 =	vadd.s32 v3, v1;
	[tilespmem:s23+$0x10D10] =	vst v9;
	v9 =	vld [tilespmem:$0x1F7F0]  }
0x309: {  	v2 =	vld.idx.msk [tilespmem:v2+s12+$0x0], $0xffff  }
0x30a: {  	v6 =	vadd.s32 v6, v1;
	v5 =	vld.idx.msk [tilespmem:v5+s12+$0x0], $0xffff  }
0x30b: {  	[tilespmem:s23+$0x109F0] =	vst v8;
	v8 =	vadd.s32 v55, v1;
	v0 =	vld.idx.msk [tilespmem:v0+s12+$0x0], $0xffff  }
0x30c: {  	[tilespmem:s23+$0x10B80] =	vst v10;
	v10 =	vld [tilespmem:$0x1FE30]  }
0x30d: {  	v3 =	vld.idx.msk [tilespmem:v3+s12+$0x0], $0xffff  }
0x30e: {  	v7 =	vadd.s32 v7, v1;
	[tilespmem:s23+$0x10C80] =	vst v4;
	v4 =	vld [tilespmem:$0x1F5F0]  }
0x30f: {  	v6 =	vld.idx.msk [tilespmem:v6+s12+$0x0], $0xffff  }
0x310: {  	v9 =	vadd.s32 v9, v1;
	v8 =	vld.idx.msk [tilespmem:v8+s12+$0x0], $0xffff;
	[tilespmem:s23+$0x10B20] =	vst v2  }
0x311: {  	[tilespmem:s23+$0x10C20] =	vst v5;
	v5 =	vld [tilespmem:$0x1F420]  }
0x312: {  	v2 =	vadd.s32 v44, v1;
	[tilespmem:s23+$0x10D20] =	vst v0;
	v0 =	vld [tilespmem:$0x1F800]  }
0x313: {  	v10 =	vadd.s32 v10, v1;
	v7 =	vld.idx.msk [tilespmem:v7+s12+$0x0], $0xffff  }
0x314: {  	v4 =	vadd.s32 v4, v1;
	[tilespmem:s23+$0x10B90] =	vst v3;
	v3 =	vld [tilespmem:$0x1FE50]  }
0x315: {  	v9 =	vld.idx.msk [tilespmem:v9+s12+$0x0], $0xffff;
	[tilespmem:s23+$0x10D80] =	vst v6  }
0x316: {  	v6 =	vadd.s32 v56, v1;
	[tilespmem:s23+$0x10C90] =	vst v8;
	v8 =	vld [tilespmem:$0x1F600]  }
0x317: {  	v5 =	vadd.s32 v5, v1;
	v2 =	vld.idx.msk [tilespmem:v2+s12+$0x0], $0xffff  }
0x318: {  	v0 =	vadd.s32 v0, v1;
	v10 =	vld.idx.msk [tilespmem:v10+s12+$0x0], $0xffff  }
0x319: {  	[tilespmem:s23+$0x10B30] =	vst v7;
	v4 =	vld.idx.msk [tilespmem:v4+s12+$0x0], $0xffff  }
0x31a: {  	v7 =	vadd.s32 v38, v1;
	[tilespmem:s23+$0x10C30] =	vst v9;
	v9 =	vld [tilespmem:$0x1F430]  }
0x31b: {  	v3 =	vadd.s32 v3, v1;
	v6 =	vld.idx.msk [tilespmem:v6+s12+$0x0], $0xffff  }
0x31c: {  	v5 =	vld.idx.msk [tilespmem:v5+s12+$0x0], $0xffff  }
0x31d: {  	v8 =	vadd.s32 v8, v1;
	v0 =	vld.idx.msk [tilespmem:v0+s12+$0x0], $0xffff  }
0x31e: {  	[tilespmem:s23+$0x10D30] =	vst v2;
	v2 =	vld [tilespmem:$0x1F810]  }
0x31f: {  	[tilespmem:s23+$0x10D90] =	vst v10;
	v7 =	vld.idx.msk [tilespmem:v7+s12+$0x0], $0xffff  }
0x320: {  	v10 =	vadd.s32 v57, v1;
	v3 =	vld.idx.msk [tilespmem:v3+s12+$0x0], $0xffff  }
0x321: {  	[tilespmem:s23+$0x10BA0] =	vst v4;
	v4 =	vld [tilespmem:$0x1FE70]  }
0x322: {  	v9 =	vadd.s32 v9, v1;
	v8 =	vld.idx.msk [tilespmem:v8+s12+$0x0], $0xffff  }
0x323: {  	[tilespmem:s23+$0x10CA0] =	vst v6;
	v6 =	vld [tilespmem:$0x1F610]  }
0x324: {  	v2 =	vadd.s32 v2, v1;
	[tilespmem:s23+$0x10C40] =	vst v0;
	v0 =	vld [tilespmem:$0x1F440]  }
0x325: {  	[tilespmem:s23+$0x10B40] =	vst v5;
	v5 =	vadd.s32 v45, v1;
	v10 =	vld.idx.msk [tilespmem:v10+s12+$0x0], $0xffff  }
0x326: {  	[tilespmem:s23+$0x10D40] =	vst v7;
	v7 =	vld [tilespmem:$0x1F820]  }
0x327: {  	v4 =	vadd.s32 v4, v1;
	[tilespmem:s23+$0x10DA0] =	vst v3;
	v9 =	vld.idx.msk [tilespmem:v9+s12+$0x0], $0xffff  }
0x328: {  	v3 =	vadd.s32 v58, v1;
	[tilespmem:s23+$0x10BB0] =	vst v8;
	v8 =	vld [tilespmem:$0x1FE90]  }
0x329: {  	v6 =	vadd.s32 v6, v1;
	v2 =	vld.idx.msk [tilespmem:v2+s12+$0x0], $0xffff  }
0x32a: {  	v0 =	vadd.s32 v0, v1;
	v5 =	vld.idx.msk [tilespmem:v5+s12+$0x0], $0xffff  }
0x32b: {  	[tilespmem:s23+$0x10CB0] =	vst v10;
	v10 =	vld [tilespmem:$0x1F620]  }
0x32c: {  	v4 =	vld.idx.msk [tilespmem:v4+s12+$0x0], $0xffff  }
0x32d: {  	v7 =	vadd.s32 v7, v1;
	v3 =	vld.idx.msk [tilespmem:v3+s12+$0x0], $0xffff  }
0x32e: {  	[tilespmem:s23+$0x10B50] =	vst v9;
	v6 =	vld.idx.msk [tilespmem:v6+s12+$0x0], $0xffff  }
0x32f: {  	v9 =	vadd.s32 v46, v1;
	v0 =	vld.idx.msk [tilespmem:v0+s12+$0x0], $0xffff  }
0x330: {  	v8 =	vadd.s32 v8, v1;
	[tilespmem:s23+$0x10C50] =	vst v2;
	v2 =	vld [tilespmem:$0x1F450]  }
0x331: {  	[tilespmem:s23+$0x10D50] =	vst v5;
	v5 =	vld [tilespmem:$0x1F830]  }
0x332: {  	v10 =	vadd.s32 v10, v1;
	v7 =	vld.idx.msk [tilespmem:v7+s12+$0x0], $0xffff  }
0x333: {  	[tilespmem:s23+$0x10CC0] =	vst v3;
	v3 =	vld [tilespmem:$0x1F630]  }
0x334: {  	[tilespmem:s23+$0x10DB0] =	vst v4;
	v4 =	vadd.s32 v59, v1;
	v9 =	vld.idx.msk [tilespmem:v9+s12+$0x0], $0xffff  }
0x335: {  	v8 =	vld.idx.msk [tilespmem:v8+s12+$0x0], $0xffff  }
0x336: {  	[tilespmem:s23+$0x10BC0] =	vst v6;
	v6 =	vld [tilespmem:$0x1FEB0];
	v2 =	vadd.s32 v2, v1  }
0x337: {  	v5 =	vadd.s32 v5, v1;
	[tilespmem:s23+$0x10B60] =	vst v0;
	v10 =	vld.idx.msk [tilespmem:v10+s12+$0x0], $0xffff  }
0x338: {  	v0 =	vadd.s32 v47, v1;
	[tilespmem:s23+$0x10C60] =	vst v7;
	v7 =	vld [tilespmem:$0x1F460]  }
0x339: {  	v4 =	vld.idx.msk [tilespmem:v4+s12+$0x0], $0xffff  }
0x33a: {  	v3 =	vadd.s32 v3, v1;
	[tilespmem:s23+$0x10D60] =	vst v9;
	v9 =	vld [tilespmem:$0x1F840]  }
0x33b: {  	v2 =	vld.idx.msk [tilespmem:v2+s12+$0x0], $0xffff  }
0x33c: {  	v6 =	vadd.s32 v6, v1;
	v5 =	vld.idx.msk [tilespmem:v5+s12+$0x0], $0xffff  }
0x33d: {  	[tilespmem:s23+$0x10DC0] =	vst v8;
	v8 =	vadd.s32 v60, v1;
	v0 =	vld.idx.msk [tilespmem:v0+s12+$0x0], $0xffff  }
0x33e: {  	[tilespmem:s23+$0x10BD0] =	vst v10;
	v10 =	vld [tilespmem:$0x1FED0]  }
0x33f: {  	v3 =	vld.idx.msk [tilespmem:v3+s12+$0x0], $0xffff  }
0x340: {  	v7 =	vadd.s32 v7, v1;
	[tilespmem:s23+$0x10CD0] =	vst v4;
	v4 =	vld [tilespmem:$0x1F640]  }
0x341: {  	v6 =	vld.idx.msk [tilespmem:v6+s12+$0x0], $0xffff  }
0x342: {  	v9 =	vadd.s32 v9, v1;
	v8 =	vld.idx.msk [tilespmem:v8+s12+$0x0], $0xffff;
	[tilespmem:s23+$0x10B70] =	vst v2  }
0x343: {  	[tilespmem:s23+$0x10C70] =	vst v5;
	v5 =	vld [tilespmem:$0x1F470]  }
0x344: {  	v2 =	vadd.s32 v48, v1;
	[tilespmem:s23+$0x10D70] =	vst v0;
	v0 =	vld [tilespmem:$0x1F850]  }
0x345: {  	v10 =	vadd.s32 v10, v1;
	v7 =	vld.idx.msk [tilespmem:v7+s12+$0x0], $0xffff  }
0x346: {  	v4 =	vadd.s32 v4, v1;
	[tilespmem:s23+$0x10BE0] =	vst v3;
	v3 =	vld [tilespmem:$0x1FEF0]  }
0x347: {  	v9 =	vld.idx.msk [tilespmem:v9+s12+$0x0], $0xffff;
	[tilespmem:s23+$0x10DD0] =	vst v6  }
0x348: {  	v6 =	vadd.s32 v61, v1;
	[tilespmem:s23+$0x10CE0] =	vst v8;
	v8 =	vld [tilespmem:$0x1F650]  }
0x349: {  	v5 =	vadd.s32 v5, v1;
	v2 =	vld.idx.msk [tilespmem:v2+s12+$0x0], $0xffff  }
0x34a: {  	v0 =	vadd.s32 v0, v1;
	v10 =	vld.idx.msk [tilespmem:v10+s12+$0x0], $0xffff  }
0x34b: {  	[tilespmem:s23+$0x10F00] =	vst v7;
	v4 =	vld.idx.msk [tilespmem:v4+s12+$0x0], $0xffff  }
0x34c: {  	v7 =	vadd.s32 v49, v1;
	[tilespmem:s23+$0x11000] =	vst v9;
	v9 =	vld [tilespmem:$0x1F480]  }
0x34d: {  	v3 =	vadd.s32 v3, v1;
	v6 =	vld.idx.msk [tilespmem:v6+s12+$0x0], $0xffff  }
0x34e: {  	v5 =	vld.idx.msk [tilespmem:v5+s12+$0x0], $0xffff  }
0x34f: {  	v8 =	vadd.s32 v8, v1;
	v0 =	vld.idx.msk [tilespmem:v0+s12+$0x0], $0xffff  }
0x350: {  	[tilespmem:s23+$0x11100] =	vst v2;
	v2 =	vld [tilespmem:$0x1F860]  }
0x351: {  	[tilespmem:s23+$0x10DE0] =	vst v10;
	v7 =	vld.idx.msk [tilespmem:v7+s12+$0x0], $0xffff  }
0x352: {  	v10 =	vadd.s32 v62, v1;
	v3 =	vld.idx.msk [tilespmem:v3+s12+$0x0], $0xffff  }
0x353: {  	[tilespmem:s23+$0x10BF0] =	vst v4;
	v4 =	vld [tilespmem:$0x1FF10]  }
0x354: {  	v9 =	vadd.s32 v9, v1;
	v8 =	vld.idx.msk [tilespmem:v8+s12+$0x0], $0xffff  }
0x355: {  	[tilespmem:s23+$0x10CF0] =	vst v6;
	v6 =	vld [tilespmem:$0x1F660]  }
0x356: {  	v2 =	vadd.s32 v2, v1;
	[tilespmem:s23+$0x11010] =	vst v0;
	v0 =	vld [tilespmem:$0x1F490]  }
0x357: {  	[tilespmem:s23+$0x10F10] =	vst v5;
	v5 =	vadd.s32 v50, v1;
	v10 =	vld.idx.msk [tilespmem:v10+s12+$0x0], $0xffff  }
0x358: {  	[tilespmem:s23+$0x11110] =	vst v7;
	v7 =	vld [tilespmem:$0x1F870]  }
0x359: {  	v4 =	vadd.s32 v4, v1;
	[tilespmem:s23+$0x10DF0] =	vst v3;
	v9 =	vld.idx.msk [tilespmem:v9+s12+$0x0], $0xffff  }
0x35a: {  	v3 =	vadd.s32 v63, v1;
	[tilespmem:s23+$0x10F80] =	vst v8;
	v8 =	vld [tilespmem:$0x1FF30]  }
0x35b: {  	v2 =	vld.idx.msk [tilespmem:v2+s12+$0x0], $0xffff  }
0x35c: {  	v6 =	vadd.s32 v6, v1;
	v5 =	vld.idx.msk [tilespmem:v5+s12+$0x0], $0xffff  }
0x35d: {  	v0 =	vadd.s32 v0, v1;
	[tilespmem:s23+$0x11080] =	vst v10;
	v10 =	vld [tilespmem:$0x1F670]  }
0x35e: {  	v4 =	vld.idx.msk [tilespmem:v4+s12+$0x0], $0xffff  }
0x35f: {  	v3 =	vld.idx.msk [tilespmem:v3+s12+$0x0], $0xffff  }
0x360: {  	v7 =	vadd.s32 v7, v1;
	[tilespmem:s23+$0x10F20] =	vst v9;
	v9 =	vld [tilespmem:$0x1FC50]  }
0x361: {  	v6 =	vld.idx.msk [tilespmem:v6+s12+$0x0], $0xffff  }
0x362: {  	v8 =	vadd.s32 v8, v1;
	v0 =	vld.idx.msk [tilespmem:v0+s12+$0x0], $0xffff  }
0x363: {  	[tilespmem:s23+$0x11020] =	vst v2;
	v2 =	vld [tilespmem:$0x1F4A0]  }
0x364: {  	[tilespmem:s23+$0x11120] =	vst v5;
	v5 =	vld [tilespmem:$0x1F880]  }
0x365: {  	v10 =	vadd.s32 v10, v1;
	v7 =	vld.idx.msk [tilespmem:v7+s12+$0x0], $0xffff;
	[tilespmem:s23+$0x11180] =	vst v4  }
0x366: {  	[tilespmem:s23+$0x11090] =	vst v3;
	v3 =	vld [tilespmem:$0x1F680]  }
0x367: {  	v4 =	vadd.s32 v11, v1;
	v8 =	vld.idx.msk [tilespmem:v8+s12+$0x0], $0xffff  }
0x368: {  	v9 =	vadd.s32 v9, v1;
	[tilespmem:s23+$0x10F90] =	vst v6;
	v6 =	vld [tilespmem:$0x1FF50]  }
0x369: {  	v2 =	vadd.s32 v2, v1;
	[tilespmem:s23+$0x10F30] =	vst v0;
	v0 =	vld [tilespmem:$0x1FC60]  }
0x36a: {  	v5 =	vadd.s32 v5, v1;
	v10 =	vld.idx.msk [tilespmem:v10+s12+$0x0], $0xffff  }
0x36b: {  	[tilespmem:s23+$0x11030] =	vst v7;
	v7 =	vld [tilespmem:$0x1F4B0]  }
0x36c: {  	v3 =	vadd.s32 v3, v1;
	v4 =	vld.idx.msk [tilespmem:v4+s12+$0x0], $0xffff  }
0x36d: {  	v9 =	vld.idx.msk [tilespmem:v9+s12+$0x0], $0xffff  }
0x36e: {  	v2 =	vld.idx.msk [tilespmem:v2+s12+$0x0], $0xffff  }
0x36f: {  	v6 =	vadd.s32 v6, v1;
	[tilespmem:s23+$0x11190] =	vst v8;
	v5 =	vld.idx.msk [tilespmem:v5+s12+$0x0], $0xffff  }
0x370: {  	v8 =	vadd.s32 v12, v1;
	[tilespmem:s23+$0x10FA0] =	vst v10;
	v10 =	vld [tilespmem:$0x1FF70]  }
0x371: {  	v0 =	vadd.s32 v0, v1;
	v3 =	vld.idx.msk [tilespmem:v3+s12+$0x0], $0xffff  }
0x372: {  	[tilespmem:s23+$0x110A0] =	vst v4;
	v4 =	vld [tilespmem:$0x1F690]  }
0x373: {  	[tilespmem:s23+$0x11130] =	vst v9;
	v9 =	vld [tilespmem:$0x1F890]  }
0x374: {  	v7 =	vadd.s32 v7, v1;
	v6 =	vld.idx.msk [tilespmem:v6+s12+$0x0], $0xffff  }
0x375: {  	v8 =	vld.idx.msk [tilespmem:v8+s12+$0x0], $0xffff  }
0x376: {  	v0 =	vld.idx.msk [tilespmem:v0+s12+$0x0], $0xffff  }
0x377: {  	[tilespmem:s23+$0x10F40] =	vst v2;
	v2 =	vld [tilespmem:$0x1FC70]  }
0x378: {  	[tilespmem:s23+$0x11040] =	vst v5;
	v5 =	vld [tilespmem:$0x1F4C0];
	v10 =	vadd.s32 v10, v1  }
0x379: {  	v7 =	vld.idx.msk [tilespmem:v7+s12+$0x0], $0xffff;
	[tilespmem:s23+$0x10FB0] =	vst v3  }
0x37a: {  	v4 =	vadd.s32 v4, v1;
	v3 =	vld [tilespmem:$0x1FF90];
	[tilespmem:s23+$0x111A0] =	vst v6  }
0x37b: {  	v9 =	vadd.s32 v9, v1;
	[tilespmem:s23+$0x110B0] =	vst v8;
	v8 =	vld [tilespmem:$0x1F6A0]  }
0x37c: {  	v6 =	vadd.s32 v13, v1;
	[tilespmem:s23+$0x11140] =	vst v0;
	v0 =	vld [tilespmem:$0x1F8A0]  }
0x37d: {  	v2 =	vadd.s32 v2, v1;
	v10 =	vld.idx.msk [tilespmem:v10+s12+$0x0], $0xffff  }
0x37e: {  	v5 =	vadd.s32 v5, v1;
	[tilespmem:s23+$0x10F50] =	vst v7;
	v7 =	vld [tilespmem:$0x1FC80]  }
0x37f: {  	v4 =	vld.idx.msk [tilespmem:v4+s12+$0x0], $0xffff  }
0x380: {  	v9 =	vld.idx.msk [tilespmem:v9+s12+$0x0], $0xffff;
	v8 =	vadd.s32 v8, v1  }
0x381: {  	v3 =	vadd.s32 v3, v1;
	v6 =	vld.idx.msk [tilespmem:v6+s12+$0x0], $0xffff  }
0x382: {  	v2 =	vld.idx.msk [tilespmem:v2+s12+$0x0], $0xffff  }
0x383: {  	v5 =	vld.idx.msk [tilespmem:v5+s12+$0x0], $0xffff;
	[tilespmem:s23+$0x111B0] =	vst v10;
	v10 =	vadd.s32 v14, v1  }
0x384: {  	[tilespmem:s23+$0x10FC0] =	vst v4;
	v4 =	vld [tilespmem:$0x1FFB0]  }
0x385: {  	v8 =	vld.idx.msk [tilespmem:v8+s12+$0x0], $0xffff  }
0x386: {  	v3 =	vld.idx.msk [tilespmem:v3+s12+$0x0], $0xffff  }
0x387: {  	v0 =	vadd.s32 v0, v1;
	[tilespmem:s23+$0x110C0] =	vst v6;
	v6 =	vld [tilespmem:$0x1F6B0]  }
0x388: {  	v10 =	vld.idx.msk [tilespmem:v10+s12+$0x0], $0xffff  }
0x389: {  	[tilespmem:s23+$0x11050] =	vst v9;
	v9 =	vld [tilespmem:$0x1F4D0];
	v4 =	vadd.s32 v4, v1  }
0x38a: {  	[tilespmem:s23+$0x10FD0] =	vst v8;
	v8 =	vld [tilespmem:$0x1FFD0]  }
0x38b: {  	[tilespmem:s23+$0x11150] =	vst v2;
	v2 =	vld [tilespmem:$0x1F8B0]  }
0x38c: {  	v0 =	vld.idx.msk [tilespmem:v0+s12+$0x0], $0xffff;
	[tilespmem:s23+$0x111C0] =	vst v3;
	v6 =	vadd.s32 v6, v1  }
0x38d: {  	v3 =	vadd.s32 v15, v1;
	[tilespmem:s23+$0x110D0] =	vst v10;
	v10 =	vld [tilespmem:$0x1F6C0]  }
0x38e: {  	v7 =	vadd.s32 v7, v1;
	v4 =	vld.idx.msk [tilespmem:v4+s12+$0x0], $0xffff  }
0x38f: {  	[tilespmem:s23+$0x10F60] =	vst v5;
	v5 =	vld [tilespmem:$0x1FC90];
	v8 =	vadd.s32 v8, v1  }
0x390: {  	v51 =	vld [tilespmem:$0x1FFF0];
	v2 =	vadd.s32 v2, v1  }
0x391: {  	v9 =	vadd.s32 v9, v1;
	v6 =	vld.idx.msk [tilespmem:v6+s12+$0x0], $0xffff  }
0x392: {  	v3 =	vld.idx.msk [tilespmem:v3+s12+$0x0], $0xffff;
	v10 =	vadd.s32 v10, v1  }
0x393: {  	v7 =	vld.idx.msk [tilespmem:v7+s12+$0x0], $0xffff;
	[tilespmem:s23+$0x111D0] =	vst v4;
	v4 =	vadd.s32 v16, v1  }
0x394: {  	v5 =	vadd.s32 v5, v1;
	[tilespmem:s23+$0x11060] =	vst v0;
	v8 =	vld.idx.msk [tilespmem:v8+s12+$0x0], $0xffff  }
0x395: {  	v2 =	vld.idx.msk [tilespmem:v2+s12+$0x0], $0xffff;
	v1 =	vadd.s32 v51, v1  }
0x396: {  	[tilespmem:s23+$0x10FE0] =	vst v6;
	v6 =	vld.idx.msk [tilespmem:v9+s12+$0x0], $0xffff  }
0x397: {  	[tilespmem:s23+$0x110E0] =	vst v3;
	v0 =	vld.idx.msk [tilespmem:v10+s12+$0x0], $0xffff  }
0x398: {  	[tilespmem:s23+$0x11160] =	vst v7;
	v3 =	vld.idx.msk [tilespmem:v4+s12+$0x0], $0xffff  }
0x399: {  	v4 =	vld.idx.msk [tilespmem:v5+s12+$0x0], $0xffff;
	[tilespmem:s23+$0x111E0] =	vst v8  }
0x39a: {  	p2 =	por p1, p1;
	[tilespmem:s23+$0x11070] =	vst v2;
	v1 =	vld.idx.msk [tilespmem:v1+s12+$0x0], $0xffff  }
.Ltmp2:
0x39b: {  	[tilespmem:s23+$0x10F70] =	vst v6;
	(pc) =	sbr.rel @p2 .LBB2_3-.Ltmp2, $4  }
0x39c: {  	[tilespmem:s23+$0x10FF0] =	vst v0  }
0x39d: {  	[tilespmem:s23+$0x110F0] =	vst v3  }
0x39e: {  	v7 =	vmov v23;
	v9 =	vmov v25;
	v10 =	vmov v26;
	[tilespmem:s23+$0x11170] =	vst v4  }
0x39f: {  	p1 =	por $0x0, $0x0;
	v5 =	vmovc v21;
	v8 =	vmovc v24;
	v6 =	vmov v22;
	v3 =	vmov v19;
	v4 =	vmov v20;
	[tilespmem:s23+$0x111F0] =	vst v1;
	s23 =	simm.s32 $0x8  }
0x3a0: {  	p1 =	sne.s32 s21, $0x7  }
.Ltmp3:
0x3a1: {  	_ = 	snop;
	(pc) =	sbr.rel @p1 .LBB2_6-.Ltmp3, $4  }
0x3a2: {  	_ = 	snop  }
0x3a3: {  	s23 =	sshll.u32 s21, $0xB  }
0x3a4: {  	s24 =	sadd.s32 s23, s6  }
0x3a5: {  	[hbm4b:s24+s2] =	stream.linear.scatter [tilespmem:s15], [sflag:$0x3], $0x2000, $0x38;
	[tilespmem:$0x14200] =	vst v63  }
.Ltmp4:
0x3a6: {  	(pc) =	sbr.rel .LBB2_7-.Ltmp4, $4  }
0x3a7: {  	_ = 	snop  }
0x3a8: {  	_ =	swait.ge [sflag:s16], $0x8000  }
0x3a9: {  	[sflag:s16] =	ssyncset.done $0x0  }
0x3aa: {  	[sflag:s16] =	ssyncadd.s32 $0xFFFF8000  }
.LBB2_6:
.Ltmp5:
0x3ab: {  	s24 =	sadd.s32 s22, s7;
	(pc) =	sbr.rel @p0 .LBB2_8-.Ltmp5, $4  }
0x3ac: {  	[tilespmem:s12], [sflag:$0x1] =	stream.linear.gather [hbm4b:s24+s2], $0x8000, $0x38;
	[tilespmem:$0x14200] =	vst v63  }
0x3ad: {  	_ =	swait.ge [sflag:s16], $0x8000  }
0x3ae: {  	[sflag:s16] =	ssyncset.done $0x0  }
0x3af: {  	[sflag:s16] =	ssyncadd.s32 $0xFFFF8000  }
.LBB2_7:
0x3b0: {  	_ =	swait.ge [sflag:s17], $0x2000  }
0x3b1: {  	[sflag:s17] =	ssyncset.done $0x0  }
0x3b2: {  	[sflag:s17] =	ssyncadd.s32 $0xFFFFE000  }
.LBB2_8:
0x3b3: {  	v52 =	vld [tilespmem:$0x1F990]  }
0x3b4: {  	v53 =	vld [tilespmem:$0x1F9A0]  }
0x3b5: {  	v54 =	vld [tilespmem:$0x1F9B0]  }
0x3b6: {  	v55 =	vld [tilespmem:$0x1F9C0]  }
0x3b7: {  	v56 =	vld [tilespmem:$0x1F9D0]  }
0x3b8: {  	v57 =	vld [tilespmem:$0x1F9E0]  }
0x3b9: {  	v58 =	vld [tilespmem:$0x1F9F0]  }
0x3ba: {  	v59 =	vld [tilespmem:$0x1FA00]  }
0x3bb: {  	v60 =	vld [tilespmem:$0x1FA10]  }
0x3bc: {  	v61 =	vld [tilespmem:$0x1FA20]  }
0x3bd: {  	v62 =	vld [tilespmem:$0x1FA30]  }
0x3be: {  	v63 =	vld [tilespmem:$0x1FA40]  }
0x3bf: {  	v11 =	vld [tilespmem:$0x1FA50]  }
0x3c0: {  	v12 =	vld [tilespmem:$0x1FA60]  }
0x3c1: {  	v13 =	vld [tilespmem:$0x1FA70]  }
0x3c2: {  	v14 =	vld [tilespmem:$0x1FA80]  }
0x3c3: {  	v15 =	vld [tilespmem:$0x1FA90]  }
0x3c4: {  	v16 =	vld [tilespmem:$0x1FAA0]  }
0x3c5: {  	v17 =	vld [tilespmem:$0x1FAB0]  }
0x3c6: {  	v18 =	vld [tilespmem:$0x1FAC0]  }
0x3c7: {  	v27 =	vld [tilespmem:$0x1FAD0]  }
0x3c8: {  	v28 =	vld [tilespmem:$0x1FAE0]  }
0x3c9: {  	v29 =	vld [tilespmem:$0x1FAF0]  }
0x3ca: {  	v30 =	vld [tilespmem:$0x1FB00]  }
0x3cb: {  	v31 =	vld [tilespmem:$0x1FB10]  }
0x3cc: {  	v32 =	vld [tilespmem:$0x1FB20]  }
0x3cd: {  	v33 =	vld [tilespmem:$0x1FB30]  }
0x3ce: {  	v34 =	vld [tilespmem:$0x1FB40]  }
0x3cf: {  	v35 =	vld [tilespmem:$0x1FB50]  }
0x3d0: {  	v36 =	vld [tilespmem:$0x1FB60]  }
0x3d1: {  	v39 =	vld [tilespmem:$0x1FB70]  }
0x3d2: {  	v40 =	vld [tilespmem:$0x1FB80]  }
0x3d3: {  	v41 =	vld [tilespmem:$0x1FB90]  }
0x3d4: {  	v42 =	vld [tilespmem:$0x1FBA0]  }
0x3d5: {  	v43 =	vld [tilespmem:$0x1FBB0]  }
0x3d6: {  	v37 =	vld [tilespmem:$0x1FBC0]  }
0x3d7: {  	v44 =	vld [tilespmem:$0x1FBD0]  }
0x3d8: {  	v38 =	vld [tilespmem:$0x1FBE0]  }
0x3d9: {  	v45 =	vld [tilespmem:$0x1FBF0]  }
0x3da: {  	v46 =	vld [tilespmem:$0x1FC00]  }
0x3db: {  	v47 =	vld [tilespmem:$0x1FC10]  }
0x3dc: {  	v48 =	vld [tilespmem:$0x1FC20]  }
0x3dd: {  	v49 =	vld [tilespmem:$0x1FC30]  }
0x3de: {  	s24 =	simm.s32 $0x0;
	p0 =	por $0x1, $0x1;
	v50 =	vld [tilespmem:$0x1FC40]  }
.LBB2_9:
0x3df: {  	v0 =	vmov s24  }
0x3e0: {  	v0 =	vshrl.u32 v0, $0x3  }
0x3e1: {  	v0 =	vshll.u32 v0, $0xE  }
0x3e2: {  	v1 =	vbroadcast v0, $0x0;
	v0 =	vld [tilespmem:$0x1F0E0];
	_ =	sdelay $0x4  }
0x3e3: {  	v0 =	vadd.s32 v0, v1;
	_ =	sdelay $0x4  }
0x3e4: {  	v0 =	vld.idx.msk [tilespmem:v0+s13+$0x0], $0xffff  }
0x3e5: {  	v2 =	vadd.s32 v3, v1;
	_ =	sdelay $0x1  }
0x3e6: {  	s31 =	sshll.u32 s24, $0x9  }
0x3e7: {  	s24 =	sand.u32 $0x3FFFFE00, s31  }
0x3e8: {  	[tilespmem:s24+$0x12200] =	vst v0  }
0x3e9: {  	v0 =	vld.idx.msk [tilespmem:v2+s13+$0x0], $0xffff  }
0x3ea: {  	v2 =	vadd.s32 v4, v1;
	_ =	sdelay $0x3  }
0x3eb: {  	[tilespmem:s24+$0x12210] =	vst v0  }
0x3ec: {  	v0 =	vld.idx.msk [tilespmem:v2+s13+$0x0], $0xffff  }
0x3ed: {  	v2 =	vadd.s32 v5, v1;
	_ =	sdelay $0x3  }
0x3ee: {  	[tilespmem:s24+$0x12220] =	vst v0  }
0x3ef: {  	v0 =	vld.idx.msk [tilespmem:v2+s13+$0x0], $0xffff  }
0x3f0: {  	v2 =	vadd.s32 v6, v1;
	_ =	sdelay $0x3  }
0x3f1: {  	[tilespmem:s24+$0x12230] =	vst v0  }
0x3f2: {  	v0 =	vld.idx.msk [tilespmem:v2+s13+$0x0], $0xffff  }
0x3f3: {  	v2 =	vadd.s32 v7, v1;
	_ =	sdelay $0x1  }
0x3f4: {  	v3 =	vld [tilespmem:$0x1F080];
	_ =	sdelay $0x1  }
0x3f5: {  	[tilespmem:s24+$0x12240] =	vst v0  }
0x3f6: {  	v0 =	vld.idx.msk [tilespmem:v2+s13+$0x0], $0xffff  }
0x3f7: {  	v2 =	vadd.s32 v8, v1  }
0x3f8: {  	v3 =	vadd.s32 v3, v1;
	_ =	sdelay $0x2  }
0x3f9: {  	[tilespmem:s24+$0x12250] =	vst v0  }
0x3fa: {  	v0 =	vld.idx.msk [tilespmem:v2+s13+$0x0], $0xffff  }
0x3fb: {  	v2 =	vld.idx.msk [tilespmem:v3+s13+$0x0], $0xffff  }
0x3fc: {  	v3 =	vld [tilespmem:$0x1F100];
	_ =	sdelay $0x4  }
0x3fd: {  	v3 =	vadd.s32 v3, v1;
	_ =	sdelay $0x3  }
0x3fe: {  	[tilespmem:s24+$0x12280] =	vst v2  }
0x3ff: {  	v2 =	vld.idx.msk [tilespmem:v3+s13+$0x0], $0xffff  }
0x400: {  	v3 =	vld [tilespmem:$0x1F110];
	_ =	sdelay $0x4  }
0x401: {  	v3 =	vadd.s32 v3, v1;
	_ =	sdelay $0x3  }
0x402: {  	[tilespmem:s24+$0x12290] =	vst v2  }
0x403: {  	v2 =	vld.idx.msk [tilespmem:v3+s13+$0x0], $0xffff  }
0x404: {  	v3 =	vld [tilespmem:$0x1F120];
	_ =	sdelay $0x4  }
0x405: {  	v3 =	vadd.s32 v3, v1;
	_ =	sdelay $0x3  }
0x406: {  	[tilespmem:s24+$0x122A0] =	vst v2  }
0x407: {  	v2 =	vld.idx.msk [tilespmem:v3+s13+$0x0], $0xffff  }
0x408: {  	v3 =	vld [tilespmem:$0x1F130];
	_ =	sdelay $0x4  }
0x409: {  	v3 =	vadd.s32 v3, v1;
	_ =	sdelay $0x3  }
0x40a: {  	[tilespmem:s24+$0x122B0] =	vst v2  }
0x40b: {  	v2 =	vld.idx.msk [tilespmem:v3+s13+$0x0], $0xffff  }
0x40c: {  	v3 =	vld [tilespmem:$0x1F140];
	_ =	sdelay $0x4  }
0x40d: {  	v3 =	vadd.s32 v3, v1;
	_ =	sdelay $0x3  }
0x40e: {  	[tilespmem:s24+$0x122C0] =	vst v2  }
0x40f: {  	v2 =	vld.idx.msk [tilespmem:v3+s13+$0x0], $0xffff  }
0x410: {  	v3 =	vld [tilespmem:$0x1F150];
	_ =	sdelay $0x4  }
0x411: {  	v3 =	vadd.s32 v3, v1  }
0x412: {  	v4 =	vld [tilespmem:$0x1F160];
	_ =	sdelay $0x2  }
0x413: {  	[tilespmem:s24+$0x122D0] =	vst v2  }
0x414: {  	v3 =	vld.idx.msk [tilespmem:v3+s13+$0x0], $0xffff  }
0x415: {  	v4 =	vadd.s32 v4, v1;
	_ =	sdelay $0x1  }
0x416: {  	v2 =	vadd.s32 v9, v1;
	_ =	sdelay $0x1  }
0x417: {  	[tilespmem:s24+$0x122E0] =	vst v3  }
0x418: {  	v3 =	vld.idx.msk [tilespmem:v4+s13+$0x0], $0xffff  }
0x419: {  	[tilespmem:s24+$0x12260] =	vst v0;
	v4 =	vld [tilespmem:$0x1F170]  }
0x41a: {  	v0 =	vld.idx.msk [tilespmem:v2+s13+$0x0], $0xffff  }
0x41b: {  	v2 =	vadd.s32 v10, v1;
	_ =	sdelay $0x2  }
0x41c: {  	v4 =	vadd.s32 v4, v1  }
0x41d: {  	[tilespmem:s24+$0x12270] =	vst v0  }
0x41e: {  	v0 =	vld.idx.msk [tilespmem:v2+s13+$0x0], $0xffff  }
0x41f: {  	v2 =	vld [tilespmem:$0x1FD20]  }
0x420: {  	[tilespmem:s24+$0x122F0] =	vst v3  }
0x421: {  	v3 =	vld.idx.msk [tilespmem:v4+s13+$0x0], $0xffff  }
0x422: {  	v4 =	vld [tilespmem:$0x1F180];
	_ =	sdelay $0x1  }
0x423: {  	v2 =	vadd.s32 v2, v1;
	_ =	sdelay $0x2  }
0x424: {  	v4 =	vadd.s32 v4, v1  }
0x425: {  	[tilespmem:s24+$0x12600] =	vst v0  }
0x426: {  	v0 =	vld.idx.msk [tilespmem:v2+s13+$0x0], $0xffff  }
0x427: {  	v2 =	vld [tilespmem:$0x1FD40]  }
0x428: {  	[tilespmem:s24+$0x12680] =	vst v3  }
0x429: {  	v3 =	vld.idx.msk [tilespmem:v4+s13+$0x0], $0xffff  }
0x42a: {  	v4 =	vld [tilespmem:$0x1F190];
	_ =	sdelay $0x1  }
0x42b: {  	v2 =	vadd.s32 v2, v1;
	_ =	sdelay $0x2  }
0x42c: {  	v4 =	vadd.s32 v4, v1  }
0x42d: {  	[tilespmem:s24+$0x12610] =	vst v0  }
0x42e: {  	v0 =	vld.idx.msk [tilespmem:v2+s13+$0x0], $0xffff  }
0x42f: {  	v2 =	vld [tilespmem:$0x1FD60]  }
0x430: {  	[tilespmem:s24+$0x12690] =	vst v3  }
0x431: {  	v3 =	vld.idx.msk [tilespmem:v4+s13+$0x0], $0xffff  }
0x432: {  	v4 =	vld [tilespmem:$0x1F1A0];
	_ =	sdelay $0x1  }
0x433: {  	v2 =	vadd.s32 v2, v1;
	_ =	sdelay $0x2  }
0x434: {  	v4 =	vadd.s32 v4, v1  }
0x435: {  	[tilespmem:s24+$0x12620] =	vst v0  }
0x436: {  	v0 =	vld.idx.msk [tilespmem:v2+s13+$0x0], $0xffff  }
0x437: {  	v2 =	vld [tilespmem:$0x1FD80]  }
0x438: {  	[tilespmem:s24+$0x126A0] =	vst v3  }
0x439: {  	v3 =	vld.idx.msk [tilespmem:v4+s13+$0x0], $0xffff  }
0x43a: {  	v4 =	vld [tilespmem:$0x1F1B0];
	_ =	sdelay $0x1  }
0x43b: {  	v2 =	vadd.s32 v2, v1;
	_ =	sdelay $0x2  }
0x43c: {  	v4 =	vadd.s32 v4, v1  }
0x43d: {  	[tilespmem:s24+$0x12630] =	vst v0  }
0x43e: {  	v0 =	vld.idx.msk [tilespmem:v2+s13+$0x0], $0xffff  }
0x43f: {  	v2 =	vld [tilespmem:$0x1FDA0]  }
0x440: {  	[tilespmem:s24+$0x126B0] =	vst v3  }
0x441: {  	v3 =	vld.idx.msk [tilespmem:v4+s13+$0x0], $0xffff  }
0x442: {  	v4 =	vld [tilespmem:$0x1F1C0];
	_ =	sdelay $0x1  }
0x443: {  	v2 =	vadd.s32 v2, v1;
	_ =	sdelay $0x2  }
0x444: {  	v4 =	vadd.s32 v4, v1  }
0x445: {  	[tilespmem:s24+$0x12640] =	vst v0  }
0x446: {  	v0 =	vld.idx.msk [tilespmem:v2+s13+$0x0], $0xffff  }
0x447: {  	v2 =	vld [tilespmem:$0x1FDC0]  }
0x448: {  	[tilespmem:s24+$0x126C0] =	vst v3  }
0x449: {  	v3 =	vld.idx.msk [tilespmem:v4+s13+$0x0], $0xffff  }
0x44a: {  	v4 =	vld [tilespmem:$0x1F1D0];
	_ =	sdelay $0x1  }
0x44b: {  	v2 =	vadd.s32 v2, v1;
	_ =	sdelay $0x2  }
0x44c: {  	v4 =	vadd.s32 v4, v1  }
0x44d: {  	[tilespmem:s24+$0x12650] =	vst v0  }
0x44e: {  	v0 =	vld.idx.msk [tilespmem:v2+s13+$0x0], $0xffff  }
0x44f: {  	v2 =	vld [tilespmem:$0x1FDE0]  }
0x450: {  	[tilespmem:s24+$0x126D0] =	vst v3  }
0x451: {  	v3 =	vld.idx.msk [tilespmem:v4+s13+$0x0], $0xffff  }
0x452: {  	v4 =	vld [tilespmem:$0x1F1E0];
	_ =	sdelay $0x1  }
0x453: {  	v2 =	vadd.s32 v2, v1;
	_ =	sdelay $0x2  }
0x454: {  	v4 =	vadd.s32 v4, v1  }
0x455: {  	[tilespmem:s24+$0x12660] =	vst v0  }
0x456: {  	v0 =	vld.idx.msk [tilespmem:v2+s13+$0x0], $0xffff  }
0x457: {  	v2 =	vld [tilespmem:$0x1FE00]  }
0x458: {  	[tilespmem:s24+$0x126E0] =	vst v3  }
0x459: {  	v3 =	vld.idx.msk [tilespmem:v4+s13+$0x0], $0xffff  }
0x45a: {  	v4 =	vld [tilespmem:$0x1F1F0];
	_ =	sdelay $0x1  }
0x45b: {  	v2 =	vadd.s32 v2, v1;
	_ =	sdelay $0x2  }
0x45c: {  	v4 =	vadd.s32 v4, v1  }
0x45d: {  	[tilespmem:s24+$0x12670] =	vst v0  }
0x45e: {  	v0 =	vld.idx.msk [tilespmem:v2+s13+$0x0], $0xffff  }
0x45f: {  	v2 =	vld [tilespmem:$0x1FE20]  }
0x460: {  	[tilespmem:s24+$0x126F0] =	vst v3  }
0x461: {  	v3 =	vld.idx.msk [tilespmem:v4+s13+$0x0], $0xffff  }
0x462: {  	v4 =	vld [tilespmem:$0x1F200];
	_ =	sdelay $0x1  }
0x463: {  	v2 =	vadd.s32 v2, v1;
	_ =	sdelay $0x2  }
0x464: {  	v4 =	vadd.s32 v4, v1  }
0x465: {  	[tilespmem:s24+$0x12A00] =	vst v0  }
0x466: {  	v0 =	vld.idx.msk [tilespmem:v2+s13+$0x0], $0xffff  }
0x467: {  	v2 =	vld [tilespmem:$0x1FE40]  }
0x468: {  	[tilespmem:s24+$0x12A80] =	vst v3  }
0x469: {  	v3 =	vld.idx.msk [tilespmem:v4+s13+$0x0], $0xffff  }
0x46a: {  	v4 =	vld [tilespmem:$0x1F210];
	_ =	sdelay $0x1  }
0x46b: {  	v2 =	vadd.s32 v2, v1;
	_ =	sdelay $0x2  }
0x46c: {  	v4 =	vadd.s32 v4, v1  }
0x46d: {  	[tilespmem:s24+$0x12A10] =	vst v0  }
0x46e: {  	v0 =	vld.idx.msk [tilespmem:v2+s13+$0x0], $0xffff  }
0x46f: {  	v2 =	vld [tilespmem:$0x1FE60]  }
0x470: {  	[tilespmem:s24+$0x12A90] =	vst v3  }
0x471: {  	v3 =	vld.idx.msk [tilespmem:v4+s13+$0x0], $0xffff  }
0x472: {  	v4 =	vld [tilespmem:$0x1F220];
	_ =	sdelay $0x1  }
0x473: {  	v2 =	vadd.s32 v2, v1;
	_ =	sdelay $0x2  }
0x474: {  	v4 =	vadd.s32 v4, v1  }
0x475: {  	[tilespmem:s24+$0x12A20] =	vst v0  }
0x476: {  	v0 =	vld.idx.msk [tilespmem:v2+s13+$0x0], $0xffff  }
0x477: {  	v2 =	vld [tilespmem:$0x1FE80]  }
0x478: {  	[tilespmem:s24+$0x12AA0] =	vst v3  }
0x479: {  	v3 =	vld.idx.msk [tilespmem:v4+s13+$0x0], $0xffff  }
0x47a: {  	v4 =	vld [tilespmem:$0x1F230];
	_ =	sdelay $0x1  }
0x47b: {  	v2 =	vadd.s32 v2, v1;
	_ =	sdelay $0x2  }
0x47c: {  	v4 =	vadd.s32 v4, v1  }
0x47d: {  	[tilespmem:s24+$0x12A30] =	vst v0  }
0x47e: {  	v0 =	vld.idx.msk [tilespmem:v2+s13+$0x0], $0xffff  }
0x47f: {  	v2 =	vld [tilespmem:$0x1FEA0]  }
0x480: {  	[tilespmem:s24+$0x12AB0] =	vst v3  }
0x481: {  	v3 =	vld.idx.msk [tilespmem:v4+s13+$0x0], $0xffff  }
0x482: {  	v4 =	vld [tilespmem:$0x1F240];
	_ =	sdelay $0x1  }
0x483: {  	v2 =	vadd.s32 v2, v1;
	_ =	sdelay $0x2  }
0x484: {  	v4 =	vadd.s32 v4, v1  }
0x485: {  	[tilespmem:s24+$0x12A40] =	vst v0  }
0x486: {  	v0 =	vld.idx.msk [tilespmem:v2+s13+$0x0], $0xffff  }
0x487: {  	v2 =	vld [tilespmem:$0x1FEC0]  }
0x488: {  	[tilespmem:s24+$0x12AC0] =	vst v3  }
0x489: {  	v3 =	vld.idx.msk [tilespmem:v4+s13+$0x0], $0xffff  }
0x48a: {  	v4 =	vld [tilespmem:$0x1F250];
	_ =	sdelay $0x1  }
0x48b: {  	v2 =	vadd.s32 v2, v1;
	_ =	sdelay $0x2  }
0x48c: {  	v4 =	vadd.s32 v4, v1  }
0x48d: {  	[tilespmem:s24+$0x12A50] =	vst v0  }
0x48e: {  	v0 =	vld.idx.msk [tilespmem:v2+s13+$0x0], $0xffff  }
0x48f: {  	v2 =	vld [tilespmem:$0x1FEE0]  }
0x490: {  	[tilespmem:s24+$0x12AD0] =	vst v3  }
0x491: {  	v3 =	vld.idx.msk [tilespmem:v4+s13+$0x0], $0xffff  }
0x492: {  	v4 =	vld [tilespmem:$0x1F260];
	_ =	sdelay $0x1  }
0x493: {  	v2 =	vadd.s32 v2, v1;
	_ =	sdelay $0x2  }
0x494: {  	v4 =	vadd.s32 v4, v1  }
0x495: {  	[tilespmem:s24+$0x12A60] =	vst v0  }
0x496: {  	v0 =	vld.idx.msk [tilespmem:v2+s13+$0x0], $0xffff  }
0x497: {  	v2 =	vld [tilespmem:$0x1FF00]  }
0x498: {  	[tilespmem:s24+$0x12AE0] =	vst v3  }
0x499: {  	v3 =	vld.idx.msk [tilespmem:v4+s13+$0x0], $0xffff  }
0x49a: {  	v4 =	vld [tilespmem:$0x1F270];
	_ =	sdelay $0x1  }
0x49b: {  	v2 =	vadd.s32 v2, v1;
	_ =	sdelay $0x2  }
0x49c: {  	v4 =	vadd.s32 v4, v1  }
0x49d: {  	[tilespmem:s24+$0x12A70] =	vst v0  }
0x49e: {  	v0 =	vld.idx.msk [tilespmem:v2+s13+$0x0], $0xffff  }
0x49f: {  	v2 =	vld [tilespmem:$0x1FF20]  }
0x4a0: {  	[tilespmem:s24+$0x12AF0] =	vst v3  }
0x4a1: {  	v3 =	vld.idx.msk [tilespmem:v4+s13+$0x0], $0xffff  }
0x4a2: {  	v4 =	vld [tilespmem:$0x1F280];
	_ =	sdelay $0x1  }
0x4a3: {  	v2 =	vadd.s32 v2, v1;
	_ =	sdelay $0x2  }
0x4a4: {  	v4 =	vadd.s32 v4, v1  }
0x4a5: {  	[tilespmem:s24+$0x12E00] =	vst v0  }
0x4a6: {  	v0 =	vld.idx.msk [tilespmem:v2+s13+$0x0], $0xffff  }
0x4a7: {  	v2 =	vld [tilespmem:$0x1FF40]  }
0x4a8: {  	[tilespmem:s24+$0x12E80] =	vst v3  }
0x4a9: {  	v3 =	vld.idx.msk [tilespmem:v4+s13+$0x0], $0xffff  }
0x4aa: {  	v4 =	vld [tilespmem:$0x1F290];
	_ =	sdelay $0x1  }
0x4ab: {  	v2 =	vadd.s32 v2, v1;
	_ =	sdelay $0x2  }
0x4ac: {  	v4 =	vadd.s32 v4, v1  }
0x4ad: {  	[tilespmem:s24+$0x12E10] =	vst v0  }
0x4ae: {  	v0 =	vld.idx.msk [tilespmem:v2+s13+$0x0], $0xffff  }
0x4af: {  	v2 =	vld [tilespmem:$0x1FF60]  }
0x4b0: {  	[tilespmem:s24+$0x12E90] =	vst v3  }
0x4b1: {  	v3 =	vld.idx.msk [tilespmem:v4+s13+$0x0], $0xffff  }
0x4b2: {  	v4 =	vld [tilespmem:$0x1F2A0];
	_ =	sdelay $0x1  }
0x4b3: {  	v2 =	vadd.s32 v2, v1;
	_ =	sdelay $0x2  }
0x4b4: {  	v4 =	vadd.s32 v4, v1  }
0x4b5: {  	[tilespmem:s24+$0x12E20] =	vst v0  }
0x4b6: {  	v0 =	vld.idx.msk [tilespmem:v2+s13+$0x0], $0xffff  }
0x4b7: {  	v2 =	vld [tilespmem:$0x1FF80]  }
0x4b8: {  	[tilespmem:s24+$0x12EA0] =	vst v3  }
0x4b9: {  	v3 =	vld.idx.msk [tilespmem:v4+s13+$0x0], $0xffff  }
0x4ba: {  	v4 =	vld [tilespmem:$0x1F2B0];
	_ =	sdelay $0x1  }
0x4bb: {  	v2 =	vadd.s32 v2, v1;
	_ =	sdelay $0x2  }
0x4bc: {  	v4 =	vadd.s32 v4, v1  }
0x4bd: {  	[tilespmem:s24+$0x12E30] =	vst v0  }
0x4be: {  	v0 =	vld.idx.msk [tilespmem:v2+s13+$0x0], $0xffff  }
0x4bf: {  	v2 =	vld [tilespmem:$0x1FFA0]  }
0x4c0: {  	[tilespmem:s24+$0x12EB0] =	vst v3  }
0x4c1: {  	v3 =	vld.idx.msk [tilespmem:v4+s13+$0x0], $0xffff  }
0x4c2: {  	v4 =	vld [tilespmem:$0x1F2C0];
	_ =	sdelay $0x1  }
0x4c3: {  	v2 =	vadd.s32 v2, v1;
	_ =	sdelay $0x2  }
0x4c4: {  	v4 =	vadd.s32 v4, v1  }
0x4c5: {  	[tilespmem:s24+$0x12E40] =	vst v0  }
0x4c6: {  	v0 =	vld.idx.msk [tilespmem:v2+s13+$0x0], $0xffff  }
0x4c7: {  	v2 =	vld [tilespmem:$0x1FFC0]  }
0x4c8: {  	v6 =	vld [tilespmem:$0x1F0A0];
	[tilespmem:s24+$0x12EC0] =	vst v3  }
0x4c9: {  	v3 =	vld.idx.msk [tilespmem:v4+s13+$0x0], $0xffff  }
0x4ca: {  	v4 =	vld [tilespmem:$0x1F2D0];
	_ =	sdelay $0x1  }
0x4cb: {  	v2 =	vadd.s32 v2, v1  }
0x4cc: {  	v6 =	vadd.s32 v6, v1;
	_ =	sdelay $0x1  }
0x4cd: {  	v5 =	vld [tilespmem:$0x1F090];
	v4 =	vadd.s32 v4, v1  }
0x4ce: {  	v7 =	vld [tilespmem:$0x1F0D0];
	[tilespmem:s24+$0x12E50] =	vst v0  }
0x4cf: {  	v0 =	vld.idx.msk [tilespmem:v2+s13+$0x0], $0xffff  }
0x4d0: {  	v6 =	vld.idx.msk [tilespmem:v6+s13+$0x0], $0xffff  }
0x4d1: {  	v2 =	vld [tilespmem:$0x1FFE0];
	[tilespmem:s24+$0x12ED0] =	vst v3  }
0x4d2: {  	v5 =	vadd.s32 v5, v1;
	v3 =	vld.idx.msk [tilespmem:v4+s13+$0x0], $0xffff  }
0x4d3: {  	v4 =	vld [tilespmem:$0x1F2E0]  }
0x4d4: {  	v7 =	vadd.s32 v7, v1;
	[tilespmem:s24+$0x12E60] =	vst v0;
	v0 =	vld [tilespmem:$0x1F0B0]  }
0x4d5: {  	v8 =	vld [tilespmem:$0x1F0F0];
	_ =	sdelay $0x1  }
0x4d6: {  	v5 =	vld.idx.msk [tilespmem:v5+s13+$0x0], $0xffff;
	v2 =	vadd.s32 v2, v1  }
0x4d7: {  	[tilespmem:s24+$0x12380] =	vst v6;
	v6 =	vld [tilespmem:$0x1FCA0];
	v4 =	vadd.s32 v4, v1  }
0x4d8: {  	v7 =	vld.idx.msk [tilespmem:v7+s13+$0x0], $0xffff;
	v0 =	vadd.s32 v0, v1  }
0x4d9: {  	v8 =	vadd.s32 v8, v1;
	[tilespmem:s24+$0x12EE0] =	vst v3;
	v3 =	vld [tilespmem:$0x1F0C0]  }
0x4da: {  	v9 =	vld [tilespmem:$0x1F2F0]  }
0x4db: {  	v2 =	vld.idx.msk [tilespmem:v2+s13+$0x0], $0xffff  }
0x4dc: {  	v4 =	vld.idx.msk [tilespmem:v4+s13+$0x0], $0xffff  }
0x4dd: {  	v0 =	vld.idx.msk [tilespmem:v0+s13+$0x0], $0xffff  }
0x4de: {  	v8 =	vld.idx.msk [tilespmem:v8+s13+$0x0], $0xffff;
	v3 =	vadd.s32 v3, v1  }
0x4df: {  	[tilespmem:s24+$0x12300] =	vst v5;
	v10 =	vld [tilespmem:$0x1F4E0]  }
0x4e0: {  	v5 =	vadd.s32 v17, v1;
	[tilespmem:s24+$0x12E70] =	vst v2;
	v2 =	vld [tilespmem:$0x1F6D0]  }
0x4e1: {  	v9 =	vadd.s32 v9, v1;
	[tilespmem:s24+$0x12EF0] =	vst v4;
	v4 =	vld [tilespmem:$0x1F8C0]  }
0x4e2: {  	[tilespmem:s24+$0x12400] =	vst v0;
	v0 =	vld [tilespmem:$0x1F300]  }
0x4e3: {  	v3 =	vld.idx.msk [tilespmem:v3+s13+$0x0], $0xffff  }
0x4e4: {  	[tilespmem:s24+$0x12500] =	vst v7;
	v7 =	vld [tilespmem:$0x1F6E0];
	v10 =	vadd.s32 v10, v1  }
0x4e5: {  	v5 =	vld.idx.msk [tilespmem:v5+s13+$0x0], $0xffff;
	v2 =	vadd.s32 v2, v1  }
0x4e6: {  	v9 =	vld.idx.msk [tilespmem:v9+s13+$0x0], $0xffff;
	v4 =	vadd.s32 v4, v1  }
0x4e7: {  	v6 =	vadd.s32 v6, v1;
	[tilespmem:s24+$0x12580] =	vst v8;
	v8 =	vld [tilespmem:$0x1F8D0]  }
0x4e8: {  	v0 =	vadd.s32 v0, v1;
	[tilespmem:s24+$0x12480] =	vst v3;
	v3 =	vld [tilespmem:$0x1F4F0]  }
0x4e9: {  	v10 =	vld.idx.msk [tilespmem:v10+s13+$0x0], $0xffff  }
0x4ea: {  	v2 =	vld.idx.msk [tilespmem:v2+s13+$0x0], $0xffff  }
0x4eb: {  	v7 =	vadd.s32 v7, v1;
	v4 =	vld.idx.msk [tilespmem:v4+s13+$0x0], $0xffff;
	[tilespmem:s24+$0x12310] =	vst v9  }
0x4ec: {  	v6 =	vld.idx.msk [tilespmem:v6+s13+$0x0], $0xffff  }
0x4ed: {  	v3 =	vadd.s32 v3, v1;
	v0 =	vld.idx.msk [tilespmem:v0+s13+$0x0], $0xffff  }
0x4ee: {  	[tilespmem:s24+$0x12390] =	vst v10;
	v10 =	vld [tilespmem:$0x1FCB0]  }
0x4ef: {  	v9 =	vadd.s32 v18, v1;
	[tilespmem:s24+$0x12410] =	vst v2;
	v2 =	vld [tilespmem:$0x1F310]  }
0x4f0: {  	v8 =	vadd.s32 v8, v1;
	v7 =	vld.idx.msk [tilespmem:v7+s13+$0x0], $0xffff  }
0x4f1: {  	[tilespmem:s24+$0x12510] =	vst v5;
	v5 =	vld [tilespmem:$0x1F6F0]  }
0x4f2: {  	v3 =	vld.idx.msk [tilespmem:v3+s13+$0x0], $0xffff  }
0x4f3: {  	[tilespmem:s24+$0x12490] =	vst v4;
	v4 =	vld [tilespmem:$0x1F500]  }
0x4f4: {  	v9 =	vld.idx.msk [tilespmem:v9+s13+$0x0], $0xffff  }
0x4f5: {  	v10 =	vadd.s32 v10, v1;
	v8 =	vld.idx.msk [tilespmem:v8+s13+$0x0], $0xffff;
	[tilespmem:s24+$0x12590] =	vst v6  }
0x4f6: {  	v2 =	vadd.s32 v2, v1;
	v6 =	vld [tilespmem:$0x1F8E0];
	[tilespmem:s24+$0x12320] =	vst v0  }
0x4f7: {  	[tilespmem:s24+$0x12420] =	vst v7;
	v7 =	vld [tilespmem:$0x1F320]  }
0x4f8: {  	v5 =	vadd.s32 v5, v1;
	[tilespmem:s24+$0x123A0] =	vst v3;
	v3 =	vld [tilespmem:$0x1FCC0]  }
0x4f9: {  	v0 =	vadd.s32 v27, v1;
	[tilespmem:s24+$0x12520] =	vst v9;
	v9 =	vld [tilespmem:$0x1F700]  }
0x4fa: {  	v4 =	vadd.s32 v4, v1;
	v10 =	vld.idx.msk [tilespmem:v10+s13+$0x0], $0xffff  }
0x4fb: {  	v6 =	vadd.s32 v6, v1;
	v2 =	vld.idx.msk [tilespmem:v2+s13+$0x0], $0xffff  }
0x4fc: {  	[tilespmem:s24+$0x124A0] =	vst v8;
	v8 =	vld [tilespmem:$0x1F510]  }
0x4fd: {  	v5 =	vld.idx.msk [tilespmem:v5+s13+$0x0], $0xffff  }
0x4fe: {  	v0 =	vld.idx.msk [tilespmem:v0+s13+$0x0], $0xffff  }
0x4ff: {  	v7 =	vadd.s32 v7, v1;
	v4 =	vld.idx.msk [tilespmem:v4+s13+$0x0], $0xffff  }
0x500: {  	v3 =	vadd.s32 v3, v1;
	v6 =	vld.idx.msk [tilespmem:v6+s13+$0x0], $0xffff;
	[tilespmem:s24+$0x125A0] =	vst v10  }
0x501: {  	v10 =	vld [tilespmem:$0x1F8F0];
	[tilespmem:s24+$0x12330] =	vst v2  }
0x502: {  	v9 =	vadd.s32 v9, v1;
	[tilespmem:s24+$0x12430] =	vst v5;
	v5 =	vld [tilespmem:$0x1F330]  }
0x503: {  	v8 =	vadd.s32 v8, v1;
	[tilespmem:s24+$0x12530] =	vst v0;
	v0 =	vld [tilespmem:$0x1F710]  }
0x504: {  	v7 =	vld.idx.msk [tilespmem:v7+s13+$0x0], $0xffff  }
0x505: {  	v2 =	vadd.s32 v28, v1;
	v3 =	vld.idx.msk [tilespmem:v3+s13+$0x0], $0xffff  }
0x506: {  	[tilespmem:s24+$0x123B0] =	vst v4;
	v4 =	vld [tilespmem:$0x1FCD0]  }
0x507: {  	v9 =	vld.idx.msk [tilespmem:v9+s13+$0x0], $0xffff  }
0x508: {  	v10 =	vadd.s32 v10, v1;
	v8 =	vld.idx.msk [tilespmem:v8+s13+$0x0], $0xffff  }
0x509: {  	v5 =	vadd.s32 v5, v1;
	[tilespmem:s24+$0x124B0] =	vst v6;
	v6 =	vld [tilespmem:$0x1F520]  }
0x50a: {  	v2 =	vld.idx.msk [tilespmem:v2+s13+$0x0], $0xffff  }
0x50b: {  	v0 =	vadd.s32 v0, v1;
	[tilespmem:s24+$0x125B0] =	vst v3;
	v3 =	vld [tilespmem:$0x1F900]  }
0x50c: {  	[tilespmem:s24+$0x12440] =	vst v9;
	v9 =	vld [tilespmem:$0x1F340]  }
0x50d: {  	[tilespmem:s24+$0x12340] =	vst v7;
	v7 =	vadd.s32 v29, v1;
	v10 =	vld.idx.msk [tilespmem:v10+s13+$0x0], $0xffff  }
0x50e: {  	v4 =	vadd.s32 v4, v1;
	v5 =	vld.idx.msk [tilespmem:v5+s13+$0x0], $0xffff  }
0x50f: {  	v6 =	vadd.s32 v6, v1;
	[tilespmem:s24+$0x123C0] =	vst v8;
	v8 =	vld [tilespmem:$0x1FCE0]  }
0x510: {  	v0 =	vld.idx.msk [tilespmem:v0+s13+$0x0], $0xffff  }
0x511: {  	[tilespmem:s24+$0x12540] =	vst v2;
	v2 =	vld [tilespmem:$0x1F720]  }
0x512: {  	v7 =	vld.idx.msk [tilespmem:v7+s13+$0x0], $0xffff  }
0x513: {  	v3 =	vadd.s32 v3, v1;
	v4 =	vld.idx.msk [tilespmem:v4+s13+$0x0], $0xffff  }
0x514: {  	v6 =	vld.idx.msk [tilespmem:v6+s13+$0x0], $0xffff  }
0x515: {  	v9 =	vadd.s32 v9, v1;
	[tilespmem:s24+$0x124C0] =	vst v10;
	v10 =	vld [tilespmem:$0x1F530]  }
0x516: {  	v8 =	vadd.s32 v8, v1;
	[tilespmem:s24+$0x12450] =	vst v0;
	v0 =	vld [tilespmem:$0x1F350]  }
0x517: {  	[tilespmem:s24+$0x12550] =	vst v7;
	v7 =	vld [tilespmem:$0x1F730]  }
0x518: {  	v2 =	vadd.s32 v2, v1;
	[tilespmem:s24+$0x12350] =	vst v5;
	v3 =	vld.idx.msk [tilespmem:v3+s13+$0x0], $0xffff  }
0x519: {  	v5 =	vadd.s32 v30, v1;
	[tilespmem:s24+$0x125C0] =	vst v4;
	v4 =	vld [tilespmem:$0x1F910]  }
0x51a: {  	v9 =	vld.idx.msk [tilespmem:v9+s13+$0x0], $0xffff  }
0x51b: {  	v10 =	vadd.s32 v10, v1;
	v8 =	vld.idx.msk [tilespmem:v8+s13+$0x0], $0xffff  }
0x51c: {  	[tilespmem:s24+$0x123D0] =	vst v6;
	v6 =	vld [tilespmem:$0x1FCF0]  }
0x51d: {  	v0 =	vadd.s32 v0, v1;
	v2 =	vld.idx.msk [tilespmem:v2+s13+$0x0], $0xffff  }
0x51e: {  	v5 =	vld.idx.msk [tilespmem:v5+s13+$0x0], $0xffff  }
0x51f: {  	[tilespmem:s24+$0x124D0] =	vst v3;
	v3 =	vld [tilespmem:$0x1F540]  }
0x520: {  	v7 =	vadd.s32 v7, v1;
	[tilespmem:s24+$0x12360] =	vst v9;
	v10 =	vld.idx.msk [tilespmem:v10+s13+$0x0], $0xffff  }
0x521: {  	v4 =	vadd.s32 v4, v1;
	[tilespmem:s24+$0x125D0] =	vst v8;
	v8 =	vld [tilespmem:$0x1F920]  }
0x522: {  	v9 =	vadd.s32 v31, v1;
	v0 =	vld.idx.msk [tilespmem:v0+s13+$0x0], $0xffff  }
0x523: {  	v6 =	vadd.s32 v6, v1;
	[tilespmem:s24+$0x12460] =	vst v2;
	v2 =	vld [tilespmem:$0x1F360]  }
0x524: {  	[tilespmem:s24+$0x12560] =	vst v5;
	v5 =	vld [tilespmem:$0x1F740]  }
0x525: {  	v7 =	vld.idx.msk [tilespmem:v7+s13+$0x0], $0xffff  }
0x526: {  	v3 =	vadd.s32 v3, v1;
	v4 =	vld.idx.msk [tilespmem:v4+s13+$0x0], $0xffff  }
0x527: {  	v9 =	vld.idx.msk [tilespmem:v9+s13+$0x0], $0xffff  }
0x528: {  	v6 =	vld.idx.msk [tilespmem:v6+s13+$0x0], $0xffff  }
0x529: {  	v8 =	vadd.s32 v8, v1;
	[tilespmem:s24+$0x123E0] =	vst v10;
	v10 =	vld [tilespmem:$0x1FD00]  }
0x52a: {  	[tilespmem:s24+$0x12470] =	vst v7;
	v7 =	vld [tilespmem:$0x1F370]  }
0x52b: {  	v2 =	vadd.s32 v2, v1;
	[tilespmem:s24+$0x12370] =	vst v0;
	v3 =	vld.idx.msk [tilespmem:v3+s13+$0x0], $0xffff  }
0x52c: {  	v5 =	vadd.s32 v5, v1;
	[tilespmem:s24+$0x124E0] =	vst v4;
	v4 =	vld [tilespmem:$0x1F550]  }
0x52d: {  	v0 =	vadd.s32 v32, v1;
	[tilespmem:s24+$0x12570] =	vst v9;
	v9 =	vld [tilespmem:$0x1F750]  }
0x52e: {  	v8 =	vld.idx.msk [tilespmem:v8+s13+$0x0], $0xffff  }
0x52f: {  	v10 =	vadd.s32 v10, v1;
	[tilespmem:s24+$0x125E0] =	vst v6;
	v6 =	vld [tilespmem:$0x1F930]  }
0x530: {  	v2 =	vld.idx.msk [tilespmem:v2+s13+$0x0], $0xffff  }
0x531: {  	v5 =	vld.idx.msk [tilespmem:v5+s13+$0x0], $0xffff  }
0x532: {  	v0 =	vld.idx.msk [tilespmem:v0+s13+$0x0], $0xffff  }
0x533: {  	v7 =	vadd.s32 v7, v1;
	[tilespmem:s24+$0x123F0] =	vst v3;
	v3 =	vld [tilespmem:$0x1FD10]  }
0x534: {  	v4 =	vadd.s32 v4, v1;
	v10 =	vld.idx.msk [tilespmem:v10+s13+$0x0], $0xffff;
	[tilespmem:s24+$0x124F0] =	vst v8  }
0x535: {  	v9 =	vadd.s32 v9, v1;
	v8 =	vld [tilespmem:$0x1F560];
	[tilespmem:s24+$0x12700] =	vst v2  }
0x536: {  	v6 =	vadd.s32 v6, v1;
	[tilespmem:s24+$0x12800] =	vst v5;
	v5 =	vld [tilespmem:$0x1F380]  }
0x537: {  	[tilespmem:s24+$0x12900] =	vst v0;
	v0 =	vld [tilespmem:$0x1F760]  }
0x538: {  	v2 =	vadd.s32 v33, v1;
	v7 =	vld.idx.msk [tilespmem:v7+s13+$0x0], $0xffff  }
0x539: {  	v3 =	vadd.s32 v3, v1;
	v4 =	vld.idx.msk [tilespmem:v4+s13+$0x0], $0xffff  }
0x53a: {  	v9 =	vld.idx.msk [tilespmem:v9+s13+$0x0], $0xffff  }
0x53b: {  	v6 =	vld.idx.msk [tilespmem:v6+s13+$0x0], $0xffff  }
0x53c: {  	v8 =	vadd.s32 v8, v1;
	[tilespmem:s24+$0x125F0] =	vst v10;
	v10 =	vld [tilespmem:$0x1F940]  }
0x53d: {  	v2 =	vld.idx.msk [tilespmem:v2+s13+$0x0], $0xffff  }
0x53e: {  	v5 =	vadd.s32 v5, v1;
	v3 =	vld.idx.msk [tilespmem:v3+s13+$0x0], $0xffff  }
0x53f: {  	v0 =	vadd.s32 v0, v1;
	[tilespmem:s24+$0x12780] =	vst v4;
	v4 =	vld [tilespmem:$0x1FD30]  }
0x540: {  	[tilespmem:s24+$0x12810] =	vst v9;
	v9 =	vld [tilespmem:$0x1F390]  }
0x541: {  	[tilespmem:s24+$0x12710] =	vst v7;
	v7 =	vadd.s32 v34, v1;
	v8 =	vld.idx.msk [tilespmem:v8+s13+$0x0], $0xffff  }
0x542: {  	[tilespmem:s24+$0x12880] =	vst v6;
	v6 =	vld [tilespmem:$0x1F570]  }
0x543: {  	v10 =	vadd.s32 v10, v1;
	v5 =	vld.idx.msk [tilespmem:v5+s13+$0x0], $0xffff  }
0x544: {  	v0 =	vld.idx.msk [tilespmem:v0+s13+$0x0], $0xffff  }
0x545: {  	[tilespmem:s24+$0x12910] =	vst v2;
	v2 =	vld [tilespmem:$0x1F770]  }
0x546: {  	v7 =	vld.idx.msk [tilespmem:v7+s13+$0x0], $0xffff  }
0x547: {  	v4 =	vadd.s32 v4, v1;
	[tilespmem:s24+$0x12980] =	vst v3;
	v3 =	vld [tilespmem:$0x1F950]  }
0x548: {  	v9 =	vadd.s32 v9, v1;
	v10 =	vld.idx.msk [tilespmem:v10+s13+$0x0], $0xffff  }
0x549: {  	v6 =	vadd.s32 v6, v1;
	[tilespmem:s24+$0x12790] =	vst v8;
	v8 =	vld [tilespmem:$0x1FD50]  }
0x54a: {  	[tilespmem:s24+$0x12820] =	vst v0;
	v0 =	vld [tilespmem:$0x1F3A0]  }
0x54b: {  	v2 =	vadd.s32 v2, v1;
	[tilespmem:s24+$0x12920] =	vst v7;
	v7 =	vld [tilespmem:$0x1F780]  }
0x54c: {  	[tilespmem:s24+$0x12720] =	vst v5;
	v5 =	vadd.s32 v35, v1;
	v4 =	vld.idx.msk [tilespmem:v4+s13+$0x0], $0xffff  }
0x54d: {  	v3 =	vadd.s32 v3, v1;
	v9 =	vld.idx.msk [tilespmem:v9+s13+$0x0], $0xffff  }
0x54e: {  	v6 =	vld.idx.msk [tilespmem:v6+s13+$0x0], $0xffff  }
0x54f: {  	v8 =	vadd.s32 v8, v1;
	[tilespmem:s24+$0x12890] =	vst v10;
	v10 =	vld [tilespmem:$0x1F580]  }
0x550: {  	v2 =	vld.idx.msk [tilespmem:v2+s13+$0x0], $0xffff  }
0x551: {  	v0 =	vadd.s32 v0, v1;
	v5 =	vld.idx.msk [tilespmem:v5+s13+$0x0], $0xffff  }
0x552: {  	v3 =	vld.idx.msk [tilespmem:v3+s13+$0x0], $0xffff  }
0x553: {  	[tilespmem:s24+$0x12990] =	vst v4;
	v4 =	vld [tilespmem:$0x1F960]  }
0x554: {  	v7 =	vadd.s32 v7, v1;
	[tilespmem:s24+$0x12730] =	vst v9;
	v8 =	vld.idx.msk [tilespmem:v8+s13+$0x0], $0xffff  }
0x555: {  	[tilespmem:s24+$0x127A0] =	vst v6;
	v6 =	vld [tilespmem:$0x1FD70]  }
0x556: {  	v9 =	vadd.s32 v36, v1;
	v0 =	vld.idx.msk [tilespmem:v0+s13+$0x0], $0xffff  }
0x557: {  	v10 =	vadd.s32 v10, v1;
	[tilespmem:s24+$0x12830] =	vst v2;
	v2 =	vld [tilespmem:$0x1F3B0]  }
0x558: {  	[tilespmem:s24+$0x12930] =	vst v5;
	v5 =	vld [tilespmem:$0x1F790]  }
0x559: {  	v7 =	vld.idx.msk [tilespmem:v7+s13+$0x0], $0xffff  }
0x55a: {  	v4 =	vadd.s32 v4, v1;
	[tilespmem:s24+$0x128A0] =	vst v3;
	v3 =	vld [tilespmem:$0x1F590]  }
0x55b: {  	v9 =	vld.idx.msk [tilespmem:v9+s13+$0x0], $0xffff  }
0x55c: {  	v6 =	vadd.s32 v6, v1;
	v10 =	vld.idx.msk [tilespmem:v10+s13+$0x0], $0xffff  }
0x55d: {  	[tilespmem:s24+$0x129A0] =	vst v8;
	v8 =	vld [tilespmem:$0x1F970]  }
0x55e: {  	v2 =	vadd.s32 v2, v1;
	[tilespmem:s24+$0x12840] =	vst v7;
	v7 =	vld [tilespmem:$0x1F3C0]  }
0x55f: {  	v5 =	vadd.s32 v5, v1;
	[tilespmem:s24+$0x12740] =	vst v0;
	v4 =	vld.idx.msk [tilespmem:v4+s13+$0x0], $0xffff  }
0x560: {  	v0 =	vadd.s32 v39, v1;
	[tilespmem:s24+$0x12940] =	vst v9;
	v9 =	vld [tilespmem:$0x1F7A0]  }
0x561: {  	v3 =	vadd.s32 v3, v1;
	v6 =	vld.idx.msk [tilespmem:v6+s13+$0x0], $0xffff  }
0x562: {  	[tilespmem:s24+$0x127B0] =	vst v10;
	v10 =	vld [tilespmem:$0x1FD90]  }
0x563: {  	v8 =	vadd.s32 v8, v1;
	v2 =	vld.idx.msk [tilespmem:v2+s13+$0x0], $0xffff  }
0x564: {  	v5 =	vld.idx.msk [tilespmem:v5+s13+$0x0], $0xffff  }
0x565: {  	v0 =	vld.idx.msk [tilespmem:v0+s13+$0x0], $0xffff  }
0x566: {  	v3 =	vld.idx.msk [tilespmem:v3+s13+$0x0], $0xffff  }
0x567: {  	v7 =	vadd.s32 v7, v1;
	[tilespmem:s24+$0x128B0] =	vst v4;
	v4 =	vld [tilespmem:$0x1F5A0]  }
0x568: {  	v8 =	vld.idx.msk [tilespmem:v8+s13+$0x0], $0xffff;
	[tilespmem:s24+$0x129B0] =	vst v6  }
0x569: {  	v9 =	vadd.s32 v9, v1;
	v6 =	vld [tilespmem:$0x1F980];
	[tilespmem:s24+$0x12750] =	vst v2  }
0x56a: {  	v10 =	vadd.s32 v10, v1;
	[tilespmem:s24+$0x12850] =	vst v5;
	v5 =	vld [tilespmem:$0x1F3D0]  }
0x56b: {  	[tilespmem:s24+$0x12950] =	vst v0;
	v0 =	vld [tilespmem:$0x1F7B0]  }
0x56c: {  	v2 =	vadd.s32 v40, v1;
	v7 =	vld.idx.msk [tilespmem:v7+s13+$0x0], $0xffff  }
0x56d: {  	v4 =	vadd.s32 v4, v1;
	[tilespmem:s24+$0x127C0] =	vst v3;
	v3 =	vld [tilespmem:$0x1FDB0]  }
0x56e: {  	v9 =	vld.idx.msk [tilespmem:v9+s13+$0x0], $0xffff  }
0x56f: {  	v6 =	vadd.s32 v6, v1;
	v10 =	vld.idx.msk [tilespmem:v10+s13+$0x0], $0xffff  }
0x570: {  	[tilespmem:s24+$0x128C0] =	vst v8;
	v8 =	vld [tilespmem:$0x1F5B0];
	v5 =	vadd.s32 v5, v1  }
0x571: {  	v0 =	vadd.s32 v0, v1;
	v2 =	vld.idx.msk [tilespmem:v2+s13+$0x0], $0xffff  }
0x572: {  	[tilespmem:s24+$0x12760] =	vst v7;
	v4 =	vld.idx.msk [tilespmem:v4+s13+$0x0], $0xffff  }
0x573: {  	v7 =	vadd.s32 v41, v1;
	[tilespmem:s24+$0x12860] =	vst v9;
	v9 =	vld [tilespmem:$0x1F3E0]  }
0x574: {  	v3 =	vadd.s32 v3, v1;
	v6 =	vld.idx.msk [tilespmem:v6+s13+$0x0], $0xffff  }
0x575: {  	v5 =	vld.idx.msk [tilespmem:v5+s13+$0x0], $0xffff  }
0x576: {  	v8 =	vadd.s32 v8, v1;
	v0 =	vld.idx.msk [tilespmem:v0+s13+$0x0], $0xffff  }
0x577: {  	[tilespmem:s24+$0x12960] =	vst v2;
	v2 =	vld [tilespmem:$0x1F7C0]  }
0x578: {  	[tilespmem:s24+$0x129C0] =	vst v10;
	v7 =	vld.idx.msk [tilespmem:v7+s13+$0x0], $0xffff  }
0x579: {  	v10 =	vadd.s32 v52, v1;
	v3 =	vld.idx.msk [tilespmem:v3+s13+$0x0], $0xffff  }
0x57a: {  	[tilespmem:s24+$0x127D0] =	vst v4;
	v4 =	vld [tilespmem:$0x1FDD0]  }
0x57b: {  	v9 =	vadd.s32 v9, v1;
	v8 =	vld.idx.msk [tilespmem:v8+s13+$0x0], $0xffff  }
0x57c: {  	[tilespmem:s24+$0x128D0] =	vst v6;
	v6 =	vld [tilespmem:$0x1F5C0]  }
0x57d: {  	v2 =	vadd.s32 v2, v1;
	[tilespmem:s24+$0x12870] =	vst v0;
	v0 =	vld [tilespmem:$0x1F3F0]  }
0x57e: {  	[tilespmem:s24+$0x12770] =	vst v5;
	v5 =	vadd.s32 v42, v1;
	v10 =	vld.idx.msk [tilespmem:v10+s13+$0x0], $0xffff  }
0x57f: {  	[tilespmem:s24+$0x12970] =	vst v7;
	v7 =	vld [tilespmem:$0x1F7D0]  }
0x580: {  	v4 =	vadd.s32 v4, v1;
	[tilespmem:s24+$0x129D0] =	vst v3;
	v9 =	vld.idx.msk [tilespmem:v9+s13+$0x0], $0xffff  }
0x581: {  	v3 =	vadd.s32 v53, v1;
	[tilespmem:s24+$0x127E0] =	vst v8;
	v8 =	vld [tilespmem:$0x1FDF0]  }
0x582: {  	v6 =	vadd.s32 v6, v1;
	v2 =	vld.idx.msk [tilespmem:v2+s13+$0x0], $0xffff  }
0x583: {  	v0 =	vadd.s32 v0, v1;
	v5 =	vld.idx.msk [tilespmem:v5+s13+$0x0], $0xffff  }
0x584: {  	[tilespmem:s24+$0x128E0] =	vst v10;
	v10 =	vld [tilespmem:$0x1F5D0]  }
0x585: {  	v4 =	vld.idx.msk [tilespmem:v4+s13+$0x0], $0xffff  }
0x586: {  	v7 =	vadd.s32 v7, v1;
	v3 =	vld.idx.msk [tilespmem:v3+s13+$0x0], $0xffff  }
0x587: {  	[tilespmem:s24+$0x12B00] =	vst v9;
	v6 =	vld.idx.msk [tilespmem:v6+s13+$0x0], $0xffff  }
0x588: {  	v9 =	vadd.s32 v43, v1;
	v0 =	vld.idx.msk [tilespmem:v0+s13+$0x0], $0xffff  }
0x589: {  	v8 =	vadd.s32 v8, v1;
	[tilespmem:s24+$0x12C00] =	vst v2;
	v2 =	vld [tilespmem:$0x1F400]  }
0x58a: {  	[tilespmem:s24+$0x12D00] =	vst v5;
	v5 =	vld [tilespmem:$0x1F7E0]  }
0x58b: {  	v10 =	vadd.s32 v10, v1;
	v7 =	vld.idx.msk [tilespmem:v7+s13+$0x0], $0xffff  }
0x58c: {  	[tilespmem:s24+$0x128F0] =	vst v3;
	v3 =	vld [tilespmem:$0x1F5E0]  }
0x58d: {  	[tilespmem:s24+$0x129E0] =	vst v4;
	v4 =	vadd.s32 v54, v1;
	v9 =	vld.idx.msk [tilespmem:v9+s13+$0x0], $0xffff  }
0x58e: {  	v8 =	vld.idx.msk [tilespmem:v8+s13+$0x0], $0xffff  }
0x58f: {  	[tilespmem:s24+$0x127F0] =	vst v6;
	v6 =	vld [tilespmem:$0x1FE10];
	v2 =	vadd.s32 v2, v1  }
0x590: {  	v5 =	vadd.s32 v5, v1;
	[tilespmem:s24+$0x12B10] =	vst v0;
	v10 =	vld.idx.msk [tilespmem:v10+s13+$0x0], $0xffff  }
0x591: {  	v0 =	vadd.s32 v37, v1;
	[tilespmem:s24+$0x12C10] =	vst v7;
	v7 =	vld [tilespmem:$0x1F410]  }
0x592: {  	v4 =	vld.idx.msk [tilespmem:v4+s13+$0x0], $0xffff  }
0x593: {  	v3 =	vadd.s32 v3, v1;
	[tilespmem:s24+$0x12D10] =	vst v9;
	v9 =	vld [tilespmem:$0x1F7F0]  }
0x594: {  	v2 =	vld.idx.msk [tilespmem:v2+s13+$0x0], $0xffff  }
0x595: {  	v6 =	vadd.s32 v6, v1;
	v5 =	vld.idx.msk [tilespmem:v5+s13+$0x0], $0xffff  }
0x596: {  	[tilespmem:s24+$0x129F0] =	vst v8;
	v8 =	vadd.s32 v55, v1;
	v0 =	vld.idx.msk [tilespmem:v0+s13+$0x0], $0xffff  }
0x597: {  	[tilespmem:s24+$0x12B80] =	vst v10;
	v10 =	vld [tilespmem:$0x1FE30]  }
0x598: {  	v3 =	vld.idx.msk [tilespmem:v3+s13+$0x0], $0xffff  }
0x599: {  	v7 =	vadd.s32 v7, v1;
	[tilespmem:s24+$0x12C80] =	vst v4;
	v4 =	vld [tilespmem:$0x1F5F0]  }
0x59a: {  	v6 =	vld.idx.msk [tilespmem:v6+s13+$0x0], $0xffff  }
0x59b: {  	v9 =	vadd.s32 v9, v1;
	v8 =	vld.idx.msk [tilespmem:v8+s13+$0x0], $0xffff;
	[tilespmem:s24+$0x12B20] =	vst v2  }
0x59c: {  	[tilespmem:s24+$0x12C20] =	vst v5;
	v5 =	vld [tilespmem:$0x1F420]  }
0x59d: {  	v2 =	vadd.s32 v44, v1;
	[tilespmem:s24+$0x12D20] =	vst v0;
	v0 =	vld [tilespmem:$0x1F800]  }
0x59e: {  	v10 =	vadd.s32 v10, v1;
	v7 =	vld.idx.msk [tilespmem:v7+s13+$0x0], $0xffff  }
0x59f: {  	v4 =	vadd.s32 v4, v1;
	[tilespmem:s24+$0x12B90] =	vst v3;
	v3 =	vld [tilespmem:$0x1FE50]  }
0x5a0: {  	v9 =	vld.idx.msk [tilespmem:v9+s13+$0x0], $0xffff;
	[tilespmem:s24+$0x12D80] =	vst v6  }
0x5a1: {  	v6 =	vadd.s32 v56, v1;
	[tilespmem:s24+$0x12C90] =	vst v8;
	v8 =	vld [tilespmem:$0x1F600]  }
0x5a2: {  	v5 =	vadd.s32 v5, v1;
	v2 =	vld.idx.msk [tilespmem:v2+s13+$0x0], $0xffff  }
0x5a3: {  	v0 =	vadd.s32 v0, v1;
	v10 =	vld.idx.msk [tilespmem:v10+s13+$0x0], $0xffff  }
0x5a4: {  	[tilespmem:s24+$0x12B30] =	vst v7;
	v4 =	vld.idx.msk [tilespmem:v4+s13+$0x0], $0xffff  }
0x5a5: {  	v7 =	vadd.s32 v38, v1;
	[tilespmem:s24+$0x12C30] =	vst v9;
	v9 =	vld [tilespmem:$0x1F430]  }
0x5a6: {  	v3 =	vadd.s32 v3, v1;
	v6 =	vld.idx.msk [tilespmem:v6+s13+$0x0], $0xffff  }
0x5a7: {  	v5 =	vld.idx.msk [tilespmem:v5+s13+$0x0], $0xffff  }
0x5a8: {  	v8 =	vadd.s32 v8, v1;
	v0 =	vld.idx.msk [tilespmem:v0+s13+$0x0], $0xffff  }
0x5a9: {  	[tilespmem:s24+$0x12D30] =	vst v2;
	v2 =	vld [tilespmem:$0x1F810]  }
0x5aa: {  	[tilespmem:s24+$0x12D90] =	vst v10;
	v7 =	vld.idx.msk [tilespmem:v7+s13+$0x0], $0xffff  }
0x5ab: {  	v10 =	vadd.s32 v57, v1;
	v3 =	vld.idx.msk [tilespmem:v3+s13+$0x0], $0xffff  }
0x5ac: {  	[tilespmem:s24+$0x12BA0] =	vst v4;
	v4 =	vld [tilespmem:$0x1FE70]  }
0x5ad: {  	v9 =	vadd.s32 v9, v1;
	v8 =	vld.idx.msk [tilespmem:v8+s13+$0x0], $0xffff  }
0x5ae: {  	[tilespmem:s24+$0x12CA0] =	vst v6;
	v6 =	vld [tilespmem:$0x1F610]  }
0x5af: {  	v2 =	vadd.s32 v2, v1;
	[tilespmem:s24+$0x12C40] =	vst v0;
	v0 =	vld [tilespmem:$0x1F440]  }
0x5b0: {  	[tilespmem:s24+$0x12B40] =	vst v5;
	v5 =	vadd.s32 v45, v1;
	v10 =	vld.idx.msk [tilespmem:v10+s13+$0x0], $0xffff  }
0x5b1: {  	[tilespmem:s24+$0x12D40] =	vst v7;
	v7 =	vld [tilespmem:$0x1F820]  }
0x5b2: {  	v4 =	vadd.s32 v4, v1;
	[tilespmem:s24+$0x12DA0] =	vst v3;
	v9 =	vld.idx.msk [tilespmem:v9+s13+$0x0], $0xffff  }
0x5b3: {  	v3 =	vadd.s32 v58, v1;
	[tilespmem:s24+$0x12BB0] =	vst v8;
	v8 =	vld [tilespmem:$0x1FE90]  }
0x5b4: {  	v6 =	vadd.s32 v6, v1;
	v2 =	vld.idx.msk [tilespmem:v2+s13+$0x0], $0xffff  }
0x5b5: {  	v0 =	vadd.s32 v0, v1;
	v5 =	vld.idx.msk [tilespmem:v5+s13+$0x0], $0xffff  }
0x5b6: {  	[tilespmem:s24+$0x12CB0] =	vst v10;
	v10 =	vld [tilespmem:$0x1F620]  }
0x5b7: {  	v4 =	vld.idx.msk [tilespmem:v4+s13+$0x0], $0xffff  }
0x5b8: {  	v7 =	vadd.s32 v7, v1;
	v3 =	vld.idx.msk [tilespmem:v3+s13+$0x0], $0xffff  }
0x5b9: {  	[tilespmem:s24+$0x12B50] =	vst v9;
	v6 =	vld.idx.msk [tilespmem:v6+s13+$0x0], $0xffff  }
0x5ba: {  	v9 =	vadd.s32 v46, v1;
	v0 =	vld.idx.msk [tilespmem:v0+s13+$0x0], $0xffff  }
0x5bb: {  	v8 =	vadd.s32 v8, v1;
	[tilespmem:s24+$0x12C50] =	vst v2;
	v2 =	vld [tilespmem:$0x1F450]  }
0x5bc: {  	[tilespmem:s24+$0x12D50] =	vst v5;
	v5 =	vld [tilespmem:$0x1F830]  }
0x5bd: {  	v10 =	vadd.s32 v10, v1;
	v7 =	vld.idx.msk [tilespmem:v7+s13+$0x0], $0xffff  }
0x5be: {  	[tilespmem:s24+$0x12CC0] =	vst v3;
	v3 =	vld [tilespmem:$0x1F630]  }
0x5bf: {  	[tilespmem:s24+$0x12DB0] =	vst v4;
	v4 =	vadd.s32 v59, v1;
	v9 =	vld.idx.msk [tilespmem:v9+s13+$0x0], $0xffff  }
0x5c0: {  	v8 =	vld.idx.msk [tilespmem:v8+s13+$0x0], $0xffff  }
0x5c1: {  	[tilespmem:s24+$0x12BC0] =	vst v6;
	v6 =	vld [tilespmem:$0x1FEB0];
	v2 =	vadd.s32 v2, v1  }
0x5c2: {  	v5 =	vadd.s32 v5, v1;
	[tilespmem:s24+$0x12B60] =	vst v0;
	v10 =	vld.idx.msk [tilespmem:v10+s13+$0x0], $0xffff  }
0x5c3: {  	v0 =	vadd.s32 v47, v1;
	[tilespmem:s24+$0x12C60] =	vst v7;
	v7 =	vld [tilespmem:$0x1F460]  }
0x5c4: {  	v4 =	vld.idx.msk [tilespmem:v4+s13+$0x0], $0xffff  }
0x5c5: {  	v3 =	vadd.s32 v3, v1;
	[tilespmem:s24+$0x12D60] =	vst v9;
	v9 =	vld [tilespmem:$0x1F840]  }
0x5c6: {  	v2 =	vld.idx.msk [tilespmem:v2+s13+$0x0], $0xffff  }
0x5c7: {  	v6 =	vadd.s32 v6, v1;
	v5 =	vld.idx.msk [tilespmem:v5+s13+$0x0], $0xffff  }
0x5c8: {  	[tilespmem:s24+$0x12DC0] =	vst v8;
	v8 =	vadd.s32 v60, v1;
	v0 =	vld.idx.msk [tilespmem:v0+s13+$0x0], $0xffff  }
0x5c9: {  	[tilespmem:s24+$0x12BD0] =	vst v10;
	v10 =	vld [tilespmem:$0x1FED0]  }
0x5ca: {  	v3 =	vld.idx.msk [tilespmem:v3+s13+$0x0], $0xffff  }
0x5cb: {  	v7 =	vadd.s32 v7, v1;
	[tilespmem:s24+$0x12CD0] =	vst v4;
	v4 =	vld [tilespmem:$0x1F640]  }
0x5cc: {  	v6 =	vld.idx.msk [tilespmem:v6+s13+$0x0], $0xffff  }
0x5cd: {  	v9 =	vadd.s32 v9, v1;
	v8 =	vld.idx.msk [tilespmem:v8+s13+$0x0], $0xffff;
	[tilespmem:s24+$0x12B70] =	vst v2  }
0x5ce: {  	[tilespmem:s24+$0x12C70] =	vst v5;
	v5 =	vld [tilespmem:$0x1F470]  }
0x5cf: {  	v2 =	vadd.s32 v48, v1;
	[tilespmem:s24+$0x12D70] =	vst v0;
	v0 =	vld [tilespmem:$0x1F850]  }
0x5d0: {  	v10 =	vadd.s32 v10, v1;
	v7 =	vld.idx.msk [tilespmem:v7+s13+$0x0], $0xffff  }
0x5d1: {  	v4 =	vadd.s32 v4, v1;
	[tilespmem:s24+$0x12BE0] =	vst v3;
	v3 =	vld [tilespmem:$0x1FEF0]  }
0x5d2: {  	v9 =	vld.idx.msk [tilespmem:v9+s13+$0x0], $0xffff;
	[tilespmem:s24+$0x12DD0] =	vst v6  }
0x5d3: {  	v6 =	vadd.s32 v61, v1;
	[tilespmem:s24+$0x12CE0] =	vst v8;
	v8 =	vld [tilespmem:$0x1F650]  }
0x5d4: {  	v5 =	vadd.s32 v5, v1;
	v2 =	vld.idx.msk [tilespmem:v2+s13+$0x0], $0xffff  }
0x5d5: {  	v0 =	vadd.s32 v0, v1;
	v10 =	vld.idx.msk [tilespmem:v10+s13+$0x0], $0xffff  }
0x5d6: {  	[tilespmem:s24+$0x12F00] =	vst v7;
	v4 =	vld.idx.msk [tilespmem:v4+s13+$0x0], $0xffff  }
0x5d7: {  	v7 =	vadd.s32 v49, v1;
	[tilespmem:s24+$0x13000] =	vst v9;
	v9 =	vld [tilespmem:$0x1F480]  }
0x5d8: {  	v3 =	vadd.s32 v3, v1;
	v6 =	vld.idx.msk [tilespmem:v6+s13+$0x0], $0xffff  }
0x5d9: {  	v5 =	vld.idx.msk [tilespmem:v5+s13+$0x0], $0xffff  }
0x5da: {  	v8 =	vadd.s32 v8, v1;
	v0 =	vld.idx.msk [tilespmem:v0+s13+$0x0], $0xffff  }
0x5db: {  	[tilespmem:s24+$0x13100] =	vst v2;
	v2 =	vld [tilespmem:$0x1F860]  }
0x5dc: {  	[tilespmem:s24+$0x12DE0] =	vst v10;
	v7 =	vld.idx.msk [tilespmem:v7+s13+$0x0], $0xffff  }
0x5dd: {  	v10 =	vadd.s32 v62, v1;
	v3 =	vld.idx.msk [tilespmem:v3+s13+$0x0], $0xffff  }
0x5de: {  	[tilespmem:s24+$0x12BF0] =	vst v4;
	v4 =	vld [tilespmem:$0x1FF10]  }
0x5df: {  	v9 =	vadd.s32 v9, v1;
	v8 =	vld.idx.msk [tilespmem:v8+s13+$0x0], $0xffff  }
0x5e0: {  	[tilespmem:s24+$0x12CF0] =	vst v6;
	v6 =	vld [tilespmem:$0x1F660]  }
0x5e1: {  	v2 =	vadd.s32 v2, v1;
	[tilespmem:s24+$0x13010] =	vst v0;
	v0 =	vld [tilespmem:$0x1F490]  }
0x5e2: {  	[tilespmem:s24+$0x12F10] =	vst v5;
	v5 =	vadd.s32 v50, v1;
	v10 =	vld.idx.msk [tilespmem:v10+s13+$0x0], $0xffff  }
0x5e3: {  	[tilespmem:s24+$0x13110] =	vst v7;
	v7 =	vld [tilespmem:$0x1F870]  }
0x5e4: {  	v4 =	vadd.s32 v4, v1;
	[tilespmem:s24+$0x12DF0] =	vst v3;
	v9 =	vld.idx.msk [tilespmem:v9+s13+$0x0], $0xffff  }
0x5e5: {  	v3 =	vadd.s32 v63, v1;
	[tilespmem:s24+$0x12F80] =	vst v8;
	v8 =	vld [tilespmem:$0x1FF30]  }
0x5e6: {  	v2 =	vld.idx.msk [tilespmem:v2+s13+$0x0], $0xffff  }
0x5e7: {  	v6 =	vadd.s32 v6, v1;
	v5 =	vld.idx.msk [tilespmem:v5+s13+$0x0], $0xffff  }
0x5e8: {  	v0 =	vadd.s32 v0, v1;
	[tilespmem:s24+$0x13080] =	vst v10;
	v10 =	vld [tilespmem:$0x1F670]  }
0x5e9: {  	v4 =	vld.idx.msk [tilespmem:v4+s13+$0x0], $0xffff  }
0x5ea: {  	v3 =	vld.idx.msk [tilespmem:v3+s13+$0x0], $0xffff  }
0x5eb: {  	v7 =	vadd.s32 v7, v1;
	[tilespmem:s24+$0x12F20] =	vst v9;
	v9 =	vld [tilespmem:$0x1FC50]  }
0x5ec: {  	v6 =	vld.idx.msk [tilespmem:v6+s13+$0x0], $0xffff  }
0x5ed: {  	v8 =	vadd.s32 v8, v1;
	v0 =	vld.idx.msk [tilespmem:v0+s13+$0x0], $0xffff  }
0x5ee: {  	[tilespmem:s24+$0x13020] =	vst v2;
	v2 =	vld [tilespmem:$0x1F4A0]  }
0x5ef: {  	[tilespmem:s24+$0x13120] =	vst v5;
	v5 =	vld [tilespmem:$0x1F880]  }
0x5f0: {  	v10 =	vadd.s32 v10, v1;
	v7 =	vld.idx.msk [tilespmem:v7+s13+$0x0], $0xffff;
	[tilespmem:s24+$0x13180] =	vst v4  }
0x5f1: {  	[tilespmem:s24+$0x13090] =	vst v3;
	v3 =	vld [tilespmem:$0x1F680]  }
0x5f2: {  	v4 =	vadd.s32 v11, v1;
	v8 =	vld.idx.msk [tilespmem:v8+s13+$0x0], $0xffff  }
0x5f3: {  	v9 =	vadd.s32 v9, v1;
	[tilespmem:s24+$0x12F90] =	vst v6;
	v6 =	vld [tilespmem:$0x1FF50]  }
0x5f4: {  	v2 =	vadd.s32 v2, v1;
	[tilespmem:s24+$0x12F30] =	vst v0;
	v0 =	vld [tilespmem:$0x1FC60]  }
0x5f5: {  	v5 =	vadd.s32 v5, v1;
	v10 =	vld.idx.msk [tilespmem:v10+s13+$0x0], $0xffff  }
0x5f6: {  	[tilespmem:s24+$0x13030] =	vst v7;
	v7 =	vld [tilespmem:$0x1F4B0]  }
0x5f7: {  	v3 =	vadd.s32 v3, v1;
	v4 =	vld.idx.msk [tilespmem:v4+s13+$0x0], $0xffff  }
0x5f8: {  	v9 =	vld.idx.msk [tilespmem:v9+s13+$0x0], $0xffff  }
0x5f9: {  	v2 =	vld.idx.msk [tilespmem:v2+s13+$0x0], $0xffff  }
0x5fa: {  	v6 =	vadd.s32 v6, v1;
	[tilespmem:s24+$0x13190] =	vst v8;
	v5 =	vld.idx.msk [tilespmem:v5+s13+$0x0], $0xffff  }
0x5fb: {  	v8 =	vadd.s32 v12, v1;
	[tilespmem:s24+$0x12FA0] =	vst v10;
	v10 =	vld [tilespmem:$0x1FF70]  }
0x5fc: {  	v0 =	vadd.s32 v0, v1;
	v3 =	vld.idx.msk [tilespmem:v3+s13+$0x0], $0xffff  }
0x5fd: {  	[tilespmem:s24+$0x130A0] =	vst v4;
	v4 =	vld [tilespmem:$0x1F690]  }
0x5fe: {  	[tilespmem:s24+$0x13130] =	vst v9;
	v9 =	vld [tilespmem:$0x1F890]  }
0x5ff: {  	v7 =	vadd.s32 v7, v1;
	v6 =	vld.idx.msk [tilespmem:v6+s13+$0x0], $0xffff  }
0x600: {  	v8 =	vld.idx.msk [tilespmem:v8+s13+$0x0], $0xffff  }
0x601: {  	v0 =	vld.idx.msk [tilespmem:v0+s13+$0x0], $0xffff  }
0x602: {  	[tilespmem:s24+$0x12F40] =	vst v2;
	v2 =	vld [tilespmem:$0x1FC70]  }
0x603: {  	[tilespmem:s24+$0x13040] =	vst v5;
	v5 =	vld [tilespmem:$0x1F4C0];
	v10 =	vadd.s32 v10, v1  }
0x604: {  	v7 =	vld.idx.msk [tilespmem:v7+s13+$0x0], $0xffff;
	[tilespmem:s24+$0x12FB0] =	vst v3  }
0x605: {  	v4 =	vadd.s32 v4, v1;
	v3 =	vld [tilespmem:$0x1FF90];
	[tilespmem:s24+$0x131A0] =	vst v6  }
0x606: {  	v9 =	vadd.s32 v9, v1;
	[tilespmem:s24+$0x130B0] =	vst v8;
	v8 =	vld [tilespmem:$0x1F6A0]  }
0x607: {  	v6 =	vadd.s32 v13, v1;
	[tilespmem:s24+$0x13140] =	vst v0;
	v0 =	vld [tilespmem:$0x1F8A0]  }
0x608: {  	v2 =	vadd.s32 v2, v1;
	v10 =	vld.idx.msk [tilespmem:v10+s13+$0x0], $0xffff  }
0x609: {  	v5 =	vadd.s32 v5, v1;
	[tilespmem:s24+$0x12F50] =	vst v7;
	v7 =	vld [tilespmem:$0x1FC80]  }
0x60a: {  	v4 =	vld.idx.msk [tilespmem:v4+s13+$0x0], $0xffff  }
0x60b: {  	v9 =	vld.idx.msk [tilespmem:v9+s13+$0x0], $0xffff;
	v8 =	vadd.s32 v8, v1  }
0x60c: {  	v3 =	vadd.s32 v3, v1;
	v6 =	vld.idx.msk [tilespmem:v6+s13+$0x0], $0xffff  }
0x60d: {  	v2 =	vld.idx.msk [tilespmem:v2+s13+$0x0], $0xffff  }
0x60e: {  	v5 =	vld.idx.msk [tilespmem:v5+s13+$0x0], $0xffff;
	[tilespmem:s24+$0x131B0] =	vst v10;
	v10 =	vadd.s32 v14, v1  }
0x60f: {  	[tilespmem:s24+$0x12FC0] =	vst v4;
	v4 =	vld [tilespmem:$0x1FFB0]  }
0x610: {  	v8 =	vld.idx.msk [tilespmem:v8+s13+$0x0], $0xffff  }
0x611: {  	v3 =	vld.idx.msk [tilespmem:v3+s13+$0x0], $0xffff  }
0x612: {  	v0 =	vadd.s32 v0, v1;
	[tilespmem:s24+$0x130C0] =	vst v6;
	v6 =	vld [tilespmem:$0x1F6B0]  }
0x613: {  	v10 =	vld.idx.msk [tilespmem:v10+s13+$0x0], $0xffff  }
0x614: {  	[tilespmem:s24+$0x13050] =	vst v9;
	v9 =	vld [tilespmem:$0x1F4D0];
	v4 =	vadd.s32 v4, v1  }
0x615: {  	[tilespmem:s24+$0x12FD0] =	vst v8;
	v8 =	vld [tilespmem:$0x1FFD0]  }
0x616: {  	[tilespmem:s24+$0x13150] =	vst v2;
	v2 =	vld [tilespmem:$0x1F8B0]  }
0x617: {  	v0 =	vld.idx.msk [tilespmem:v0+s13+$0x0], $0xffff;
	[tilespmem:s24+$0x131C0] =	vst v3;
	v6 =	vadd.s32 v6, v1  }
0x618: {  	v3 =	vadd.s32 v15, v1;
	[tilespmem:s24+$0x130D0] =	vst v10;
	v10 =	vld [tilespmem:$0x1F6C0]  }
0x619: {  	v7 =	vadd.s32 v7, v1;
	v4 =	vld.idx.msk [tilespmem:v4+s13+$0x0], $0xffff  }
0x61a: {  	[tilespmem:s24+$0x12F60] =	vst v5;
	v5 =	vld [tilespmem:$0x1FC90];
	v8 =	vadd.s32 v8, v1  }
0x61b: {  	v51 =	vld [tilespmem:$0x1FFF0];
	v2 =	vadd.s32 v2, v1  }
0x61c: {  	v9 =	vadd.s32 v9, v1;
	v6 =	vld.idx.msk [tilespmem:v6+s13+$0x0], $0xffff  }
0x61d: {  	v3 =	vld.idx.msk [tilespmem:v3+s13+$0x0], $0xffff;
	v10 =	vadd.s32 v10, v1  }
0x61e: {  	v7 =	vld.idx.msk [tilespmem:v7+s13+$0x0], $0xffff;
	[tilespmem:s24+$0x131D0] =	vst v4;
	v4 =	vadd.s32 v16, v1  }
0x61f: {  	v5 =	vadd.s32 v5, v1;
	[tilespmem:s24+$0x13060] =	vst v0;
	v8 =	vld.idx.msk [tilespmem:v8+s13+$0x0], $0xffff  }
0x620: {  	v2 =	vld.idx.msk [tilespmem:v2+s13+$0x0], $0xffff;
	v1 =	vadd.s32 v51, v1  }
0x621: {  	[tilespmem:s24+$0x12FE0] =	vst v6;
	v6 =	vld.idx.msk [tilespmem:v9+s13+$0x0], $0xffff  }
0x622: {  	[tilespmem:s24+$0x130E0] =	vst v3;
	v0 =	vld.idx.msk [tilespmem:v10+s13+$0x0], $0xffff  }
0x623: {  	[tilespmem:s24+$0x13160] =	vst v7;
	v3 =	vld.idx.msk [tilespmem:v4+s13+$0x0], $0xffff  }
0x624: {  	v4 =	vld.idx.msk [tilespmem:v5+s13+$0x0], $0xffff;
	[tilespmem:s24+$0x131E0] =	vst v8  }
0x625: {  	p1 =	por p0, p0;
	[tilespmem:s24+$0x13070] =	vst v2;
	v1 =	vld.idx.msk [tilespmem:v1+s13+$0x0], $0xffff  }
.Ltmp6:
0x626: {  	[tilespmem:s24+$0x12F70] =	vst v6;
	(pc) =	sbr.rel @p1 .LBB2_9-.Ltmp6, $4  }
0x627: {  	[tilespmem:s24+$0x12FF0] =	vst v0  }
0x628: {  	[tilespmem:s24+$0x130F0] =	vst v3  }
0x629: {  	v7 =	vmov v23;
	v9 =	vmov v25;
	v10 =	vmov v26;
	[tilespmem:s24+$0x13170] =	vst v4  }
0x62a: {  	p0 =	por $0x0, $0x0;
	v5 =	vmovc v21;
	v8 =	vmovc v24;
	v6 =	vmov v22;
	v3 =	vmov v19;
	v4 =	vmov v20;
	[tilespmem:s24+$0x131F0] =	vst v1;
	s24 =	simm.s32 $0x8  }
0x62b: {  	p0 =	seq.s32 s21, $0x7  }
.Ltmp7:
0x62c: {  	_ = 	snop;
	(pc) =	sbr.rel @p0 .LBB2_12-.Ltmp7, $3  }
0x62d: {  	_ =	sdelay $0x1  }
0x62e: {  	s23 =	sadd.s32 s10, s23  }
0x62f: {  	[hbm4b:s23+s2] =	stream.linear.scatter [tilespmem:s18], [sflag:$0x4], $0x2000, $0x38;
	[tilespmem:$0x14200] =	vst v63  }
.Ltmp8:
0x630: {  	(pc) =	sbr.rel .LBB2_2-.Ltmp8, $3  }
0x631: {  	_ =	sdelay $0x1  }
0x632: {  	s22 =	sadd.s32 s22, s8;
	s21 =	sadd.s32 $0x1, s21  }
0x633: {  	[tilespmem:s13], [sflag:$0x2] =	stream.linear.gather [hbm4b:s22+s2], $0x8000, $0x38;
	[tilespmem:$0x14200] =	vst v63  }
.LBB2_13:
0x634: {  	_ =	sfence.sel $0x180000  }
0x635: {  	[bflag:$0x0] =	sbarrier.arrive $0xFFFF  }
0x636: {  	p0 =	sne.s32 s1, $0x0;
	_ =	strace $0x90000047  }
0x637: {  	s0 =	sadd.s32 @!p0 $0x100000, s0;
	[bflag:$0x2] =	sbarrier.arrive $0xFFFF  }
0x638: {  	[sflag:s0] =	ssyncadd.tile.s32 @!p0 $0x1;
	_ =	shalt  }
.Lfunc_end2:
_tile_overlayer_lowered:
.L_overlay_start_2:
0x639: {  	(tag) =	ssettag $0x2  }
0x63a: {  	s0 =	rddreg [dreg:$0x0];
	s2 =	stileid.u32  }
0x63b: {  	s1 =	rddreg [dreg:$0x1];
	p0 =	sne.s32 s2, $0x0  }
0x63c: {  	s3 =	rddreg [dreg:$0x2];
	[bflag:$0x3] =	sbarrier.arrive $0xFFFF;
	s2 =	simm.s32 @!p0 $0x1C05  }
0x63d: {  	[timem:s3], [sflag:s2] =	dma.local @!p0 [hbm:s0], s1  }
0x63e: {  	s0 =	simm.s32 @!p0 $0x5  }
0x63f: {  	_ =	swait.ge @!p0 [sflag:s0], s1  }
0x640: {  	s1 =	ssub.s32 @!p0 $0x0, s1;
	[sflag:s0] =	ssyncset.done @!p0 $0x0  }
0x641: {  	[sflag:s0] =	ssyncadd.s32 @!p0 s1  }
0x642: {  	[bflag:$0x3] =	sbarrier.arrive $0xFFFF  }
0x643: {  	_ =	shalt  }

</sc_bundles>
